<compile_context>
chip_gen: v7x
topology: tpu7x:2x2x1
jax: 0.10.2.dev20260603
libtpu: 0.0.44.dev20260713+nightly
codegen_flags: <defaults>
</compile_context>

<pallas_src>
import functools

import jax
import jax.numpy as jnp
from jax import lax
from jax.experimental import pallas as pl
from jax.experimental.pallas import tpu as pltpu
from jax.experimental.pallas import tpu_sc as plsc

B = 8
N = 4096
S = 512
K = 32
R2 = 0.4 * 0.4
MLP_DIMS = (128, 128, 256)
M = B * S * K
F = 64

NC = 2
NS = 16
NW = NC * NS
WPB = NW // B
RPW = S // WPB
BLK = 32
NBLK = RPW // BLK
PAD = 48

TM = 2048
GRID = M // TM



def _fps_body(xyz_ref, far0_ref, cx_ref, cy_ref, cz_ref, dist_ref):
    x = xyz_ref[0:B, :]
    y = xyz_ref[B:2 * B, :]
    z = xyz_ref[2 * B:3 * B, :]
    dist_ref[...] = jnp.full((B, N), 1e10, dtype=jnp.float32)
    lane = lax.broadcasted_iota(jnp.int32, (B, N), 1)
    lane_s = lax.broadcasted_iota(jnp.int32, (B, S), 1)

    def body(i, far):
        m = lane == far
        cx = jnp.sum(jnp.where(m, x, 0.0), axis=1, keepdims=True)
        cy = jnp.sum(jnp.where(m, y, 0.0), axis=1, keepdims=True)
        cz = jnp.sum(jnp.where(m, z, 0.0), axis=1, keepdims=True)
        ms = lane_s == i
        cx_ref[...] = jnp.where(ms, cx, cx_ref[...])
        cy_ref[...] = jnp.where(ms, cy, cy_ref[...])
        cz_ref[...] = jnp.where(ms, cz, cz_ref[...])
        dx = x - cx
        dy = y - cy
        dz = z - cz
        d = (dx * dx + dy * dy) + dz * dz
        nd = jnp.minimum(dist_ref[...], d)
        dist_ref[...] = nd
        mx = jnp.max(nd, axis=1, keepdims=True)
        far_new = jnp.min(jnp.where(nd == mx, lane, N), axis=1, keepdims=True)
        return far_new

    lax.fori_loop(0, S, body, far0_ref[...], unroll=False)


def _run_fps(xyz_t, far0):
    out_shapes = (
        jax.ShapeDtypeStruct((B, S), jnp.float32),
        jax.ShapeDtypeStruct((B, S), jnp.float32),
        jax.ShapeDtypeStruct((B, S), jnp.float32),
    )
    return pl.pallas_call(
        _fps_body,
        out_shape=out_shapes,
        scratch_shapes=[pltpu.VMEM((B, N), jnp.float32)],
    )(xyz_t, far0)



def _ballq_body(px_ref, py_ref, pz_ref, cx_ref, cy_ref, cz_ref, pts_ref,
                x0a_ref, x0b_ref,
                xs, ys, zs, cxs, cys, czs, idxb, gidx, rows_v, strip2, sem):
    w = lax.axis_index("s") * NC + lax.axis_index("c")
    b = w // WPB
    s0 = (w % WPB) * RPW
    pltpu.sync_copy(px_ref.at[b], xs)
    pltpu.sync_copy(py_ref.at[b], ys)
    pltpu.sync_copy(pz_ref.at[b], zs)
    pltpu.sync_copy(cx_ref.at[b, pl.ds(s0 * 16, RPW * 16)], cxs)
    pltpu.sync_copy(cy_ref.at[b, pl.ds(s0 * 16, RPW * 16)], cys)
    pltpu.sync_copy(cz_ref.at[b, pl.ds(s0 * 16, RPW * 16)], czs)

    lane = lax.iota(jnp.int32, 16)
    bN = b * N
    woff = (b * S + s0) * K

    for blk in range(NBLK):
        def row_body(rr, _unused):
            r_loc = blk * BLK + rr
            cx = cxs[pl.ds(r_loc * 16, 16)]
            cy = cys[pl.ds(r_loc * 16, 16)]
            cz = czs[pl.ds(r_loc * 16, 16)]
            base = rr * PAD

            def cond(c):
                j, p = c
                return (j < N // 16) & (p < K)

            def step(c):
                j, p = c
                off = j * 16
                vx = xs[pl.ds(off, 16)] - cx
                vy = ys[pl.ds(off, 16)] - cy
                vz = zs[pl.ds(off, 16)] - cz
                d = (vx * vx + vy * vy) + vz * vz
                msk = d <= R2
                cs = plsc.cumsum(msk.astype(jnp.int32))
                cnt = jnp.max(cs)
                slots = base + (p - 1) + cs
                plsc.store_scatter(idxb, [slots], lane + off, mask=msk)
                return (j + 1, p + cnt)

            _, p = lax.while_loop(cond, step, (jnp.int32(0), jnp.int32(0)))
            win0 = idxb[pl.ds(base, 16)]
            j0 = win0[0]
            pos0 = rr * K
            for c in range(2):
                win = win0 if c == 0 else idxb[pl.ds(base + c * 16, 16)]
                lv = lane + (c * 16)
                sel = jnp.where(lv < p, win, j0)
                q = pos0 + c * 16
                gidx[pl.ds(q, 16)] = sel + bN
                gx = plsc.load_gather(xs, [sel]) - cx
                gy = plsc.load_gather(ys, [sel]) - cy
                gz = plsc.load_gather(zs, [sel]) - cz
                strip2[0, pl.ds(q, 16)] = gx
                strip2[1, pl.ds(q, 16)] = gy
                strip2[2, pl.ds(q, 16)] = gz
            return 0

        lax.fori_loop(0, BLK, row_body, 0, unroll=False)

        descs = [
            pltpu.async_copy(
                pts_ref.at[gidx.at[pl.ds(i * 128, 128)]],
                rows_v.at[pl.ds(i * 128, 128), :],
                sem,
            )
            for i in range((BLK * K) // 128)
        ]
        for dsc in descs:
            dsc.wait()
        goff = woff + blk * (BLK * K)
        pltpu.sync_copy(rows_v, x0a_ref.at[pl.ds(goff, BLK * K), :])
        pltpu.sync_copy(strip2, x0b_ref.at[:, pl.ds(goff, BLK * K)])


def _run_ballq(px, py, pz, cx, cy, cz, pts_flat):
    kfn = pl.kernel(
        _ballq_body,
        out_type=(
            jax.ShapeDtypeStruct((M, F), jnp.float32),
            jax.ShapeDtypeStruct((3, M), jnp.float32),
        ),
        mesh=plsc.VectorSubcoreMesh(
            core_axis_name="c", subcore_axis_name="s",
            num_cores=NC, num_subcores=NS),
        compiler_params=pltpu.CompilerParams(
            needs_layout_passes=False, use_tc_tiling_on_sc=False),
        scratch_types=[
            pltpu.VMEM((N,), jnp.float32),
            pltpu.VMEM((N,), jnp.float32),
            pltpu.VMEM((N,), jnp.float32),
            pltpu.VMEM((RPW * 16,), jnp.float32),
            pltpu.VMEM((RPW * 16,), jnp.float32),
            pltpu.VMEM((RPW * 16,), jnp.float32),
            pltpu.VMEM((BLK * PAD,), jnp.int32),
            pltpu.VMEM((BLK * K,), jnp.int32),
            pltpu.VMEM((BLK * K, F), jnp.float32),
            pltpu.VMEM((3, BLK * K), jnp.float32),
            pltpu.SemaphoreType.DMA,
        ],
    )
    return kfn(px, py, pz, cx, cy, cz, pts_flat)



def _dot(a, b, dims):
    return lax.dot_general(a, b, (dims, ((), ())),
                           preferred_element_type=jnp.float32)


def _gram0_body(x0a_ref, x0b_ref, gaa_ref, gba_ref, gbb_ref, sa_ref, sb_ref):
    i = pl.program_id(0)

    @pl.when(i == 0)
    def _():
        gaa_ref[...] = jnp.zeros_like(gaa_ref)
        gba_ref[...] = jnp.zeros_like(gba_ref)
        gbb_ref[...] = jnp.zeros_like(gbb_ref)
        sa_ref[...] = jnp.zeros_like(sa_ref)
        sb_ref[...] = jnp.zeros_like(sb_ref)

    a = x0a_ref[...]
    bt = x0b_ref[...]
    bp = jnp.concatenate([bt, jnp.zeros((5, TM), jnp.float32)], axis=0)
    gaa_ref[...] += _dot(a, a, ((0,), (0,)))
    gba_ref[...] += _dot(bp, a, ((1,), (0,)))
    gbb_ref[...] += _dot(bp, bp, ((1,), (1,)))
    sa_ref[...] += jnp.sum(a, axis=0, keepdims=True)
    sb_ref[...] += jnp.sum(bp, axis=1, keepdims=True)


def _run_gram0(x0a, x0b):
    out_shapes = (
        jax.ShapeDtypeStruct((F, F), jnp.float32),
        jax.ShapeDtypeStruct((8, F), jnp.float32),
        jax.ShapeDtypeStruct((8, 8), jnp.float32),
        jax.ShapeDtypeStruct((1, F), jnp.float32),
        jax.ShapeDtypeStruct((8, 1), jnp.float32),
    )
    zero = lambda i: (0, 0)
    return pl.pallas_call(
        _gram0_body,
        grid=(GRID,),
        in_specs=[
            pl.BlockSpec((TM, F), lambda i: (i, 0)),
            pl.BlockSpec((3, TM), lambda i: (0, i)),
        ],
        out_specs=(
            pl.BlockSpec((F, F), zero),
            pl.BlockSpec((8, F), zero),
            pl.BlockSpec((8, 8), zero),
            pl.BlockSpec((1, F), zero),
            pl.BlockSpec((8, 1), zero),
        ),
        out_shape=out_shapes,
    )(x0a, x0b)



def _eye(n):
    r = lax.broadcasted_iota(jnp.int32, (n, n), 0)
    c = lax.broadcasted_iota(jnp.int32, (n, n), 1)
    return (r == c).astype(jnp.float32)


def _layer1_body(x0a_ref, x0b_ref, wa_ref, wb_ref, gaa_ref, gba_ref, gbb_ref,
                 sa_ref, sb_ref, x1_ref, g1_ref, mu1_ref, st_ref):
    i = pl.program_id(0)
    fM = jnp.float32(M)

    @pl.when(i == 0)
    def _():
        wa = wa_ref[...]
        wb = wb_ref[...]
        mua = sa_ref[...] / fM
        mub = sb_ref[...] / fM
        saa = gaa_ref[...] / fM - _dot(mua, mua, ((0,), (0,)))
        sba = gba_ref[...] / fM - _dot(mub, mua, ((1,), (0,)))
        sbb = gbb_ref[...] / fM - _dot(mub, mub, ((1,), (1,)))
        t1m = _dot(wa, saa, ((1,), (0,)))
        term1 = jnp.sum(t1m * wa, axis=1, keepdims=True)
        u = _dot(sba, wa, ((1,), (1,)))
        p2 = _dot(wb, u, ((1,), (0,)))
        cross = jnp.sum(p2 * _eye(128), axis=1, keepdims=True)
        qm = _dot(wb, sbb, ((1,), (0,)))
        term3 = jnp.sum(qm * wb, axis=1, keepdims=True)
        var = term1 + 2.0 * cross + term3
        var_t = _dot(var, _eye(128), ((0,), (0,)))
        mean_t = _dot(mua, wa, ((1,), (1,))) + _dot(mub, wb, ((0,), (1,)))
        s = lax.rsqrt(var_t + 1e-5)
        st_ref[0:1, :] = s
        st_ref[1:2, :] = -mean_t * s

    a = x0a_ref[...]
    bt = x0b_ref[...]
    wb3 = wb_ref[:, 0:3]
    y = _dot(a, wa_ref[...], ((1,), (1,))) + _dot(bt, wb3, ((0,), (1,)))
    s = st_ref[0:1, :]
    t = st_ref[1:2, :]
    x1 = jnp.maximum(y * s + t, 0.0)
    x1_ref[...] = x1

    @pl.when(i == 0)
    def _():
        g1_ref[...] = jnp.zeros_like(g1_ref)
        mu1_ref[...] = jnp.zeros_like(mu1_ref)

    g1_ref[...] += _dot(x1, x1, ((0,), (0,)))
    mu1_ref[...] += jnp.sum(x1, axis=0, keepdims=True)


def _run_layer1(x0a, x0b, wa, wb, gaa, gba, gbb, sa, sb):
    C = MLP_DIMS[0]
    zero = lambda i: (0, 0)
    out_shapes = (
        jax.ShapeDtypeStruct((M, C), jnp.float32),
        jax.ShapeDtypeStruct((C, C), jnp.float32),
        jax.ShapeDtypeStruct((1, C), jnp.float32),
    )
    return pl.pallas_call(
        _layer1_body,
        grid=(GRID,),
        in_specs=[
            pl.BlockSpec((TM, F), lambda i: (i, 0)),
            pl.BlockSpec((3, TM), lambda i: (0, i)),
            pl.BlockSpec((C, F), zero),
            pl.BlockSpec((C, 8), zero),
            pl.BlockSpec((F, F), zero),
            pl.BlockSpec((8, F), zero),
            pl.BlockSpec((8, 8), zero),
            pl.BlockSpec((1, F), zero),
            pl.BlockSpec((8, 1), zero),
        ],
        out_specs=(
            pl.BlockSpec((TM, C), lambda i: (i, 0)),
            pl.BlockSpec((C, C), zero),
            pl.BlockSpec((1, C), zero),
        ),
        out_shape=out_shapes,
        scratch_shapes=[pltpu.VMEM((2, C), jnp.float32)],
    )(x0a, x0b, wa, wb, gaa, gba, gbb, sa, sb)



def _layer2_body(x1_ref, w_ref, g_ref, mu_ref, x2_ref, g2_ref, mu2_ref, st_ref):
    i = pl.program_id(0)
    fM = jnp.float32(M)
    Ci = x1_ref.shape[1]

    @pl.when(i == 0)
    def _():
        w = w_ref[...]
        mu = mu_ref[...] / fM
        sig = g_ref[...] / fM - _dot(mu, mu, ((0,), (0,)))
        tm = _dot(w, sig, ((1,), (0,)))
        var = jnp.sum(tm * w, axis=1, keepdims=True)
        var_t = _dot(var, _eye(var.shape[0]), ((0,), (0,)))
        mean_t = _dot(mu, w, ((1,), (1,)))
        s = lax.rsqrt(var_t + 1e-5)
        st_ref[0:1, :] = s
        st_ref[1:2, :] = -mean_t * s

    y = _dot(x1_ref[...], w_ref[...], ((1,), (1,)))
    x2 = jnp.maximum(y * st_ref[0:1, :] + st_ref[1:2, :], 0.0)
    x2_ref[...] = x2

    @pl.when(i == 0)
    def _():
        g2_ref[...] = jnp.zeros_like(g2_ref)
        mu2_ref[...] = jnp.zeros_like(mu2_ref)

    g2_ref[...] += _dot(x2, x2, ((0,), (0,)))
    mu2_ref[...] += jnp.sum(x2, axis=0, keepdims=True)


def _run_layer2(x1, w, g, mu):
    Ci = x1.shape[1]
    Co = w.shape[0]
    zero = lambda i: (0, 0)
    out_shapes = (
        jax.ShapeDtypeStruct((M, Co), jnp.float32),
        jax.ShapeDtypeStruct((Co, Co), jnp.float32),
        jax.ShapeDtypeStruct((1, Co), jnp.float32),
    )
    return pl.pallas_call(
        _layer2_body,
        grid=(GRID,),
        in_specs=[
            pl.BlockSpec((TM, Ci), lambda i: (i, 0)),
            pl.BlockSpec((Co, Ci), zero),
            pl.BlockSpec((Ci, Ci), zero),
            pl.BlockSpec((1, Ci), zero),
        ],
        out_specs=(
            pl.BlockSpec((TM, Co), lambda i: (i, 0)),
            pl.BlockSpec((Co, Co), zero),
            pl.BlockSpec((1, Co), zero),
        ),
        out_shape=out_shapes,
        scratch_shapes=[pltpu.VMEM((2, Co), jnp.float32)],
    )(x1, w, g, mu)



def _layer3_body(x2_ref, w_ref, g_ref, mu_ref, out_ref, st_ref):
    i = pl.program_id(0)
    fM = jnp.float32(M)

    @pl.when(i == 0)
    def _():
        w = w_ref[...]
        mu = mu_ref[...] / fM
        sig = g_ref[...] / fM - _dot(mu, mu, ((0,), (0,)))
        tm = _dot(w, sig, ((1,), (0,)))
        var = jnp.sum(tm * w, axis=1, keepdims=True)
        var_t = _dot(var, _eye(var.shape[0]), ((0,), (0,)))
        mean_t = _dot(mu, w, ((1,), (1,)))
        s = lax.rsqrt(var_t + 1e-5)
        st_ref[0:1, :] = s
        st_ref[1:2, :] = -mean_t * s

    y = _dot(x2_ref[...], w_ref[...], ((1,), (1,)))
    Co = y.shape[1]
    ym = jnp.max(y.reshape(TM // K, K, Co), axis=1)
    out_ref[...] = jnp.maximum(ym * st_ref[0:1, :] + st_ref[1:2, :], 0.0)


def _run_layer3(x2, w, g, mu):
    Ci = x2.shape[1]
    Co = w.shape[0]
    zero = lambda i: (0, 0)
    return pl.pallas_call(
        _layer3_body,
        grid=(GRID,),
        in_specs=[
            pl.BlockSpec((TM, Ci), lambda i: (i, 0)),
            pl.BlockSpec((Co, Ci), zero),
            pl.BlockSpec((Ci, Ci), zero),
            pl.BlockSpec((1, Ci), zero),
        ],
        out_specs=pl.BlockSpec((TM // K, Co), lambda i: (i, 0)),
        out_shape=jax.ShapeDtypeStruct((B * S, Co), jnp.float32),
        scratch_shapes=[pltpu.VMEM((2, Co), jnp.float32)],
    )(x2, w, g, mu)



def kernel(xyz, points, params):
    xyz_t = xyz.transpose(2, 0, 1)
    far0 = jax.random.randint(jax.random.key(42), (B,), 0, N).astype(jnp.int32)

    cx, cy, cz = _run_fps(xyz_t.reshape(3 * B, N), far0[:, None])
    new_xyz = jnp.stack([cx, cy, cz], axis=-1)

    pts_flat = points.reshape(B * N, F)
    rep = lambda a: jnp.repeat(a, 16, axis=1)
    x0a, x0b = _run_ballq(xyz_t[0], xyz_t[1], xyz_t[2],
                          rep(cx), rep(cy), rep(cz), pts_flat)

    w1 = params[0]["W"]
    wa = w1[:, 3:]
    wb = jnp.concatenate([w1[:, :3], jnp.zeros((w1.shape[0], 5), w1.dtype)], axis=1)

    gaa, gba, gbb, sa, sb = _run_gram0(x0a, x0b)
    x1, g1, mu1 = _run_layer1(x0a, x0b, wa, wb, gaa, gba, gbb, sa, sb)
    x2, g2, mu2 = _run_layer2(x1, params[1]["W"], g1, mu1)
    out = _run_layer3(x2, params[2]["W"], g2, mu2)

    return new_xyz, out.reshape(B, S, MLP_DIMS[2])

# --- scband reference (transcript-rebuilt; emitter-appended) ---
"""Pipeline reference for scband-point-net-set-abstraction-6270652252985 (READ-ONLY COPY).

The authoritative reference and input builder live on the scoring server;
editing this copy changes nothing except your own understanding.
"""

import jax, jax.numpy as jnp
import numpy as np

NPOINT = 512
RADIUS = 0.4
NSAMPLE = 32
MLP = [128, 128, 256]
IN_CH = 67


def square_distance(src, dst):
    dist = -2 * jnp.matmul(src, dst.transpose(0, 2, 1))
    dist = dist + jnp.sum(src ** 2, -1)[..., None]
    dist = dist + jnp.sum(dst ** 2, -1)[:, None, :]
    return dist


def index_points(points, idx):
    B = points.shape[0]
    flat = idx.reshape(B, -1)
    out = jnp.take_along_axis(points, flat[..., None], axis=1)
    return out.reshape(idx.shape + (points.shape[-1],))


def farthest_point_sample(xyz, npoint, key):
    B, N, C = xyz.shape
    centroids = jnp.zeros((B, npoint), dtype=jnp.int32)
    distance = jnp.full((B, N), 1e10, dtype=xyz.dtype)
    farthest = jax.random.randint(key, (B,), 0, N).astype(jnp.int32)
    batch_idx = jnp.arange(B)

    def body(i, carry):
        centroids, distance, farthest = carry
        centroids = centroids.at[:, i].set(farthest)
        centroid = xyz[batch_idx, farthest, :][:, None, :]
        dist = jnp.sum((xyz - centroid) ** 2, -1)
        distance = jnp.minimum(distance, dist)
        farthest = jnp.argmax(distance, -1).astype(jnp.int32)
        return (centroids, distance, farthest)

    centroids, _, _ = jax.lax.fori_loop(0, npoint, body, (centroids, distance, farthest))
    return centroids


def query_ball_point(radius, nsample, xyz, new_xyz):
    B, N, _ = xyz.shape
    S = new_xyz.shape[1]
    sqrdists = square_distance(new_xyz, xyz)
    group_idx = jnp.broadcast_to(jnp.arange(N, dtype=jnp.int32), (B, S, N))
    group_idx = jnp.where(sqrdists > radius ** 2, N, group_idx)
    group_idx = jnp.sort(group_idx, axis=-1)[:, :, :nsample]
    group_first = jnp.broadcast_to(group_idx[:, :, 0:1], group_idx.shape)
    group_idx = jnp.where(group_idx == N, group_first, group_idx)
    return group_idx


def setup_inputs(seed: int = 0):
    key = jax.random.key(seed)
    k1, k2, kp = jax.random.split(key, 3)
    xyz = jax.random.normal(k1, (8, 4096, 3), dtype=jnp.float32)
    points = jax.random.normal(k2, (8, 4096, 64), dtype=jnp.float32)
    params = []
    last = IN_CH
    for i, out_ch in enumerate(MLP):
        kw = jax.random.fold_in(kp, i)
        W = jax.random.normal(kw, (out_ch, last), dtype=jnp.float32) * (1.0 / np.sqrt(last))
        b = jnp.zeros((out_ch,), dtype=jnp.float32)
        gamma = jnp.ones((out_ch,), dtype=jnp.float32)
        beta = jnp.zeros((out_ch,), dtype=jnp.float32)
        params.append({"W": W, "b": b, "gamma": gamma, "beta": beta})
        last = out_ch
    return {"xyz": xyz, "points": points, "params": params}


def _mlp_max(new_points, params):
    # new_points: [B, C, nsample, S]; 1x1 Conv2d == channel matmul; BN in training mode (batch stats)
    x = new_points
    for p in params:
        x = jnp.einsum('oc,bcns->bons', p["W"], x) + p["b"][None, :, None, None]
        mean = jnp.mean(x, axis=(0, 2, 3), keepdims=True)
        var = jnp.var(x, axis=(0, 2, 3), keepdims=True)
        x = (x - mean) / jnp.sqrt(var + 1e-5)
        x = x * p["gamma"][None, :, None, None] + p["beta"][None, :, None, None]
        x = jax.nn.relu(x)
    x = jnp.max(x, axis=2)  # max over nsample -> [B, C, S]
    return x.transpose(0, 2, 1)


def reference(xyz, points, params):
    B, N, C = xyz.shape
    fps_idx = farthest_point_sample(xyz, NPOINT, jax.random.key(42))
    new_xyz = index_points(xyz, fps_idx)
    idx = query_ball_point(RADIUS, NSAMPLE, xyz, new_xyz)
    grouped_xyz = index_points(xyz, idx)
    grouped_xyz_norm = grouped_xyz - new_xyz[:, :, None, :]
    grouped_points = index_points(points, idx)
    new_points = jnp.concatenate([grouped_xyz_norm, grouped_points], axis=-1)
    new_points = new_points.transpose(0, 3, 2, 1)  # [B, 3+D, nsample, S]
    new_points = _mlp_max(new_points, params)
    return (new_xyz, new_points)

if __name__ == "__main__":
    import jax
    _d = setup_inputs()
    print(jax.jit(kernel)(*tuple(_d.values())))

</pallas_src>

<mosaic_0001>
#map = affine_map<(d0, d1) -> (0, 0)>
module attributes {stable_mosaic.version = 14 : i64} {
  func.func @_ballq_body(%arg0: i32, %arg1: i32, %arg2: memref<8x4096xf32, #tpu.memory_space<hbm>>, %arg3: memref<8x4096xf32, #tpu.memory_space<hbm>>, %arg4: memref<8x4096xf32, #tpu.memory_space<hbm>>, %arg5: memref<8x8192xf32, #tpu.memory_space<hbm>>, %arg6: memref<8x8192xf32, #tpu.memory_space<hbm>>, %arg7: memref<8x8192xf32, #tpu.memory_space<hbm>>, %arg8: memref<32768x64xf32, #tpu.memory_space<hbm>>, %arg9: memref<131072x64xf32, #tpu.memory_space<hbm>>, %arg10: memref<3x131072xf32, #tpu.memory_space<hbm>>, %arg11: memref<4096xf32, #tpu.memory_space<vmem>>, %arg12: memref<4096xf32, #tpu.memory_space<vmem>>, %arg13: memref<4096xf32, #tpu.memory_space<vmem>>, %arg14: memref<2048xf32, #tpu.memory_space<vmem>>, %arg15: memref<2048xf32, #tpu.memory_space<vmem>>, %arg16: memref<2048xf32, #tpu.memory_space<vmem>>, %arg17: memref<1536xi32, #tpu.memory_space<vmem>>, %arg18: memref<1024xi32, #tpu.memory_space<vmem>>, %arg19: memref<1024x64xf32, #tpu.memory_space<vmem>>, %arg20: memref<3x1024xf32, #tpu.memory_space<vmem>>, %arg21: memref<!tpu.dma_semaphore, #tpu.memory_space<semaphore_mem>>) attributes {dimension_semantics = [#tpu.dimension_semantics<core_parallel>, #tpu.dimension_semantics<subcore_parallel>], iteration_bounds = array<i64: 2, 16>, scalar_prefetch = 0 : i64, scratch_operands = 11 : i64, tpu.core_type = #tpu.core_type<sc_vector_subcore>, window_params = [{transform_indices = #map}, {transform_indices = #map}, {transform_indices = #map}, {transform_indices = #map}, {transform_indices = #map}, {transform_indices = #map}, {transform_indices = #map}, {transform_indices = #map}, {transform_indices = #map}]} {
    %mul3A = arith.constant 2 : i32
    %mul3A_0 = arith.muli %arg1, %mul3A : i32
    %add3A = arith.addi %mul3A_0, %arg0 : i32
    %jit3A = arith.constant 4 : i32
    %div3A = arith.divsi %add3A, %jit3A : i32
    %sign3A = arith.constant 0 : i32
    %sign3A_1 = arith.cmpi sgt, %add3A, %sign3A : i32
    %sign3A_2 = arith.extui %sign3A_1 : i1 to i32
    %sign3A_3 = arith.constant 0 : i32
    %sign3A_4 = arith.cmpi slt, %add3A, %sign3A_3 : i32
    %sign3A_5 = arith.extui %sign3A_4 : i1 to i32
    %sign3A_6 = arith.subi %sign3A_2, %sign3A_5 : i32
    %sign3A_7 = arith.constant 0 : i32
    %sign3A_8 = arith.cmpi sgt, %jit3A, %sign3A_7 : i32
    %sign3A_9 = arith.extui %sign3A_8 : i1 to i32
    %sign3A_10 = arith.constant 0 : i32
    %sign3A_11 = arith.cmpi slt, %jit3A, %sign3A_10 : i32
    %sign3A_12 = arith.extui %sign3A_11 : i1 to i32
    %sign3A_13 = arith.subi %sign3A_9, %sign3A_12 : i32
    %ne3A = arith.cmpi ne, %sign3A_6, %sign3A_13 : i32
    %rem3A = arith.remsi %add3A, %jit3A : i32
    %ne3A_14 = arith.constant 0 : i32
    %ne3A_15 = arith.cmpi ne, %rem3A, %ne3A_14 : i32
    %and3A = arith.andi %ne3A, %ne3A_15 : i1
    %sub3A = arith.constant 1 : i32
    %sub3A_16 = arith.subi %div3A, %sub3A : i32
    %select_n3A = arith.select %and3A, %sub3A_16, %div3A : i32
    %jit3A_17 = arith.constant 4 : i32
    %eq3A = arith.constant 0 : i32
    %eq3A_18 = arith.cmpi eq, %jit3A_17, %eq3A : i32
    %jit3A_19 = arith.constant 1 : i32
    %select_n3A_20 = arith.select %eq3A_18, %jit3A_19, %jit3A_17 : i32
    %rem3A_21 = arith.remsi %add3A, %select_n3A_20 : i32
    %ne3A_22 = arith.constant 0 : i32
    %ne3A_23 = arith.cmpi ne, %rem3A_21, %ne3A_22 : i32
    %lt3A = arith.constant 0 : i32
    %lt3A_24 = arith.cmpi slt, %rem3A_21, %lt3A : i32
    %lt3A_25 = arith.constant 0 : i32
    %lt3A_26 = arith.cmpi slt, %select_n3A_20, %lt3A_25 : i32
    %ne3A_27 = arith.xori %lt3A_24, %lt3A_26 : i1
    %and3A_28 = arith.andi %ne3A_27, %ne3A_23 : i1
    %add3A_29 = arith.addi %rem3A_21, %select_n3A_20 : i32
    %select_n3A_30 = arith.select %and3A_28, %add3A_29, %rem3A_21 : i32
    %mul3A_31 = arith.constant 128 : i32
    %mul3A_32 = arith.muli %select_n3A_30, %mul3A_31 : i32
    "tpu.region"() ({
      %run_scoped3A = tpu.sem_alloc : memref<!tpu.dma_semaphore, #tpu.memory_space<semaphore_mem>>
      %dma_start3A_591 = arith.constant 0 : i32
      %dma_start3A_592 = tpu.memref_slice %arg2[%select_n3A, %dma_start3A_591] : memref<8x4096xf32, #tpu.memory_space<hbm>> -> memref<1x4096xf32, #tpu.memory_space<hbm>>
      %dma_start3A_593 = tpu.memref_squeeze %dma_start3A_592 : memref<1x4096xf32, #tpu.memory_space<hbm>> -> memref<4096xf32, #tpu.memory_space<hbm>>
      %dma_start3A_594 = arith.constant 0 : i32
      %dma_start3A_595 = tpu.memref_slice %arg2[%select_n3A, %dma_start3A_594] : memref<8x4096xf32, #tpu.memory_space<hbm>> -> memref<1x4096xf32, #tpu.memory_space<hbm>>
      %dma_start3A_596 = tpu.memref_squeeze %dma_start3A_595 : memref<1x4096xf32, #tpu.memory_space<hbm>> -> memref<4096xf32, #tpu.memory_space<hbm>>
      tpu.enqueue_dma source(%dma_start3A_596 : memref<4096xf32, #tpu.memory_space<hbm>>) target(%arg11 : memref<4096xf32, #tpu.memory_space<vmem>>) target_semaphore(%run_scoped3A : memref<!tpu.dma_semaphore, #tpu.memory_space<semaphore_mem>>)
      %dma_wait3A_597 = arith.constant 0 : i32
      %dma_wait3A_598 = tpu.memref_slice %arg2[%select_n3A, %dma_wait3A_597] : memref<8x4096xf32, #tpu.memory_space<hbm>> -> memref<1x4096xf32, #tpu.memory_space<hbm>>
      %dma_wait3A_599 = tpu.memref_squeeze %dma_wait3A_598 : memref<1x4096xf32, #tpu.memory_space<hbm>> -> memref<4096xf32, #tpu.memory_space<hbm>>
      %dma_wait3A_600 = arith.constant 0 : i32
      %dma_wait3A_601 = tpu.memref_slice %arg2[%select_n3A, %dma_wait3A_600] : memref<8x4096xf32, #tpu.memory_space<hbm>> -> memref<1x4096xf32, #tpu.memory_space<hbm>>
      %dma_wait3A_602 = tpu.memref_squeeze %dma_wait3A_601 : memref<1x4096xf32, #tpu.memory_space<hbm>> -> memref<4096xf32, #tpu.memory_space<hbm>>
      tpu.wait_dma2 semaphore(%run_scoped3A : memref<!tpu.dma_semaphore, #tpu.memory_space<semaphore_mem>>) src(%dma_wait3A_602 : memref<4096xf32, #tpu.memory_space<hbm>>) dst(%arg11 : memref<4096xf32, #tpu.memory_space<vmem>>)
      tpu.yield
    }) : () -> ()
    "tpu.region"() ({
      %run_scoped3A = tpu.sem_alloc : memref<!tpu.dma_semaphore, #tpu.memory_space<semaphore_mem>>
      %dma_start3A_591 = arith.constant 0 : i32
      %dma_start3A_592 = tpu.memref_slice %arg3[%select_n3A, %dma_start3A_591] : memref<8x4096xf32, #tpu.memory_space<hbm>> -> memref<1x4096xf32, #tpu.memory_space<hbm>>
      %dma_start3A_593 = tpu.memref_squeeze %dma_start3A_592 : memref<1x4096xf32, #tpu.memory_space<hbm>> -> memref<4096xf32, #tpu.memory_space<hbm>>
      %dma_start3A_594 = arith.constant 0 : i32
      %dma_start3A_595 = tpu.memref_slice %arg3[%select_n3A, %dma_start3A_594] : memref<8x4096xf32, #tpu.memory_space<hbm>> -> memref<1x4096xf32, #tpu.memory_space<hbm>>
      %dma_start3A_596 = tpu.memref_squeeze %dma_start3A_595 : memref<1x4096xf32, #tpu.memory_space<hbm>> -> memref<4096xf32, #tpu.memory_space<hbm>>
      tpu.enqueue_dma source(%dma_start3A_596 : memref<4096xf32, #tpu.memory_space<hbm>>) target(%arg12 : memref<4096xf32, #tpu.memory_space<vmem>>) target_semaphore(%run_scoped3A : memref<!tpu.dma_semaphore, #tpu.memory_space<semaphore_mem>>)
      %dma_wait3A_597 = arith.constant 0 : i32
      %dma_wait3A_598 = tpu.memref_slice %arg3[%select_n3A, %dma_wait3A_597] : memref<8x4096xf32, #tpu.memory_space<hbm>> -> memref<1x4096xf32, #tpu.memory_space<hbm>>
      %dma_wait3A_599 = tpu.memref_squeeze %dma_wait3A_598 : memref<1x4096xf32, #tpu.memory_space<hbm>> -> memref<4096xf32, #tpu.memory_space<hbm>>
      %dma_wait3A_600 = arith.constant 0 : i32
      %dma_wait3A_601 = tpu.memref_slice %arg3[%select_n3A, %dma_wait3A_600] : memref<8x4096xf32, #tpu.memory_space<hbm>> -> memref<1x4096xf32, #tpu.memory_space<hbm>>
      %dma_wait3A_602 = tpu.memref_squeeze %dma_wait3A_601 : memref<1x4096xf32, #tpu.memory_space<hbm>> -> memref<4096xf32, #tpu.memory_space<hbm>>
      tpu.wait_dma2 semaphore(%run_scoped3A : memref<!tpu.dma_semaphore, #tpu.memory_space<semaphore_mem>>) src(%dma_wait3A_602 : memref<4096xf32, #tpu.memory_space<hbm>>) dst(%arg12 : memref<4096xf32, #tpu.memory_space<vmem>>)
      tpu.yield
    }) : () -> ()
    "tpu.region"() ({
      %run_scoped3A = tpu.sem_alloc : memref<!tpu.dma_semaphore, #tpu.memory_space<semaphore_mem>>
      %dma_start3A_591 = arith.constant 0 : i32
      %dma_start3A_592 = tpu.memref_slice %arg4[%select_n3A, %dma_start3A_591] : memref<8x4096xf32, #tpu.memory_space<hbm>> -> memref<1x4096xf32, #tpu.memory_space<hbm>>
      %dma_start3A_593 = tpu.memref_squeeze %dma_start3A_592 : memref<1x4096xf32, #tpu.memory_space<hbm>> -> memref<4096xf32, #tpu.memory_space<hbm>>
      %dma_start3A_594 = arith.constant 0 : i32
      %dma_start3A_595 = tpu.memref_slice %arg4[%select_n3A, %dma_start3A_594] : memref<8x4096xf32, #tpu.memory_space<hbm>> -> memref<1x4096xf32, #tpu.memory_space<hbm>>
      %dma_start3A_596 = tpu.memref_squeeze %dma_start3A_595 : memref<1x4096xf32, #tpu.memory_space<hbm>> -> memref<4096xf32, #tpu.memory_space<hbm>>
      tpu.enqueue_dma source(%dma_start3A_596 : memref<4096xf32, #tpu.memory_space<hbm>>) target(%arg13 : memref<4096xf32, #tpu.memory_space<vmem>>) target_semaphore(%run_scoped3A : memref<!tpu.dma_semaphore, #tpu.memory_space<semaphore_mem>>)
      %dma_wait3A_597 = arith.constant 0 : i32
      %dma_wait3A_598 = tpu.memref_slice %arg4[%select_n3A, %dma_wait3A_597] : memref<8x4096xf32, #tpu.memory_space<hbm>> -> memref<1x4096xf32, #tpu.memory_space<hbm>>
      %dma_wait3A_599 = tpu.memref_squeeze %dma_wait3A_598 : memref<1x4096xf32, #tpu.memory_space<hbm>> -> memref<4096xf32, #tpu.memory_space<hbm>>
      %dma_wait3A_600 = arith.constant 0 : i32
      %dma_wait3A_601 = tpu.memref_slice %arg4[%select_n3A, %dma_wait3A_600] : memref<8x4096xf32, #tpu.memory_space<hbm>> -> memref<1x4096xf32, #tpu.memory_space<hbm>>
      %dma_wait3A_602 = tpu.memref_squeeze %dma_wait3A_601 : memref<1x4096xf32, #tpu.memory_space<hbm>> -> memref<4096xf32, #tpu.memory_space<hbm>>
      tpu.wait_dma2 semaphore(%run_scoped3A : memref<!tpu.dma_semaphore, #tpu.memory_space<semaphore_mem>>) src(%dma_wait3A_602 : memref<4096xf32, #tpu.memory_space<hbm>>) dst(%arg13 : memref<4096xf32, #tpu.memory_space<vmem>>)
      tpu.yield
    }) : () -> ()
    %mul3A_33 = arith.constant 16 : i32
    %mul3A_34 = arith.muli %mul3A_32, %mul3A_33 : i32
    "tpu.region"() ({
      %run_scoped3A = tpu.sem_alloc : memref<!tpu.dma_semaphore, #tpu.memory_space<semaphore_mem>>
      %dma_start3A_591 = tpu.memref_slice %arg5[%select_n3A, %mul3A_34] : memref<8x8192xf32, #tpu.memory_space<hbm>> -> memref<1x2048xf32, #tpu.memory_space<hbm>>
      %dma_start3A_592 = tpu.memref_squeeze %dma_start3A_591 : memref<1x2048xf32, #tpu.memory_space<hbm>> -> memref<2048xf32, #tpu.memory_space<hbm>>
      %dma_start3A_593 = tpu.memref_slice %arg5[%select_n3A, %mul3A_34] : memref<8x8192xf32, #tpu.memory_space<hbm>> -> memref<1x2048xf32, #tpu.memory_space<hbm>>
      %dma_start3A_594 = tpu.memref_squeeze %dma_start3A_593 : memref<1x2048xf32, #tpu.memory_space<hbm>> -> memref<2048xf32, #tpu.memory_space<hbm>>
      tpu.enqueue_dma source(%dma_start3A_594 : memref<2048xf32, #tpu.memory_space<hbm>>) target(%arg14 : memref<2048xf32, #tpu.memory_space<vmem>>) target_semaphore(%run_scoped3A : memref<!tpu.dma_semaphore, #tpu.memory_space<semaphore_mem>>)
      %dma_wait3A_595 = tpu.memref_slice %arg5[%select_n3A, %mul3A_34] : memref<8x8192xf32, #tpu.memory_space<hbm>> -> memref<1x2048xf32, #tpu.memory_space<hbm>>
      %dma_wait3A_596 = tpu.memref_squeeze %dma_wait3A_595 : memref<1x2048xf32, #tpu.memory_space<hbm>> -> memref<2048xf32, #tpu.memory_space<hbm>>
      %dma_wait3A_597 = tpu.memref_slice %arg5[%select_n3A, %mul3A_34] : memref<8x8192xf32, #tpu.memory_space<hbm>> -> memref<1x2048xf32, #tpu.memory_space<hbm>>
      %dma_wait3A_598 = tpu.memref_squeeze %dma_wait3A_597 : memref<1x2048xf32, #tpu.memory_space<hbm>> -> memref<2048xf32, #tpu.memory_space<hbm>>
      tpu.wait_dma2 semaphore(%run_scoped3A : memref<!tpu.dma_semaphore, #tpu.memory_space<semaphore_mem>>) src(%dma_wait3A_598 : memref<2048xf32, #tpu.memory_space<hbm>>) dst(%arg14 : memref<2048xf32, #tpu.memory_space<vmem>>)
      tpu.yield
    }) : () -> ()
    %mul3A_35 = arith.constant 16 : i32
    %mul3A_36 = arith.muli %mul3A_32, %mul3A_35 : i32
    "tpu.region"() ({
      %run_scoped3A = tpu.sem_alloc : memref<!tpu.dma_semaphore, #tpu.memory_space<semaphore_mem>>
      %dma_start3A_591 = tpu.memref_slice %arg6[%select_n3A, %mul3A_36] : memref<8x8192xf32, #tpu.memory_space<hbm>> -> memref<1x2048xf32, #tpu.memory_space<hbm>>
      %dma_start3A_592 = tpu.memref_squeeze %dma_start3A_591 : memref<1x2048xf32, #tpu.memory_space<hbm>> -> memref<2048xf32, #tpu.memory_space<hbm>>
      %dma_start3A_593 = tpu.memref_slice %arg6[%select_n3A, %mul3A_36] : memref<8x8192xf32, #tpu.memory_space<hbm>> -> memref<1x2048xf32, #tpu.memory_space<hbm>>
      %dma_start3A_594 = tpu.memref_squeeze %dma_start3A_593 : memref<1x2048xf32, #tpu.memory_space<hbm>> -> memref<2048xf32, #tpu.memory_space<hbm>>
      tpu.enqueue_dma source(%dma_start3A_594 : memref<2048xf32, #tpu.memory_space<hbm>>) target(%arg15 : memref<2048xf32, #tpu.memory_space<vmem>>) target_semaphore(%run_scoped3A : memref<!tpu.dma_semaphore, #tpu.memory_space<semaphore_mem>>)
      %dma_wait3A_595 = tpu.memref_slice %arg6[%select_n3A, %mul3A_36] : memref<8x8192xf32, #tpu.memory_space<hbm>> -> memref<1x2048xf32, #tpu.memory_space<hbm>>
      %dma_wait3A_596 = tpu.memref_squeeze %dma_wait3A_595 : memref<1x2048xf32, #tpu.memory_space<hbm>> -> memref<2048xf32, #tpu.memory_space<hbm>>
      %dma_wait3A_597 = tpu.memref_slice %arg6[%select_n3A, %mul3A_36] : memref<8x8192xf32, #tpu.memory_space<hbm>> -> memref<1x2048xf32, #tpu.memory_space<hbm>>
      %dma_wait3A_598 = tpu.memref_squeeze %dma_wait3A_597 : memref<1x2048xf32, #tpu.memory_space<hbm>> -> memref<2048xf32, #tpu.memory_space<hbm>>
      tpu.wait_dma2 semaphore(%run_scoped3A : memref<!tpu.dma_semaphore, #tpu.memory_space<semaphore_mem>>) src(%dma_wait3A_598 : memref<2048xf32, #tpu.memory_space<hbm>>) dst(%arg15 : memref<2048xf32, #tpu.memory_space<vmem>>)
      tpu.yield
    }) : () -> ()
    %mul3A_37 = arith.constant 16 : i32
    %mul3A_38 = arith.muli %mul3A_32, %mul3A_37 : i32
    "tpu.region"() ({
      %run_scoped3A = tpu.sem_alloc : memref<!tpu.dma_semaphore, #tpu.memory_space<semaphore_mem>>
      %dma_start3A_591 = tpu.memref_slice %arg7[%select_n3A, %mul3A_38] : memref<8x8192xf32, #tpu.memory_space<hbm>> -> memref<1x2048xf32, #tpu.memory_space<hbm>>
      %dma_start3A_592 = tpu.memref_squeeze %dma_start3A_591 : memref<1x2048xf32, #tpu.memory_space<hbm>> -> memref<2048xf32, #tpu.memory_space<hbm>>
      %dma_start3A_593 = tpu.memref_slice %arg7[%select_n3A, %mul3A_38] : memref<8x8192xf32, #tpu.memory_space<hbm>> -> memref<1x2048xf32, #tpu.memory_space<hbm>>
      %dma_start3A_594 = tpu.memref_squeeze %dma_start3A_593 : memref<1x2048xf32, #tpu.memory_space<hbm>> -> memref<2048xf32, #tpu.memory_space<hbm>>
      tpu.enqueue_dma source(%dma_start3A_594 : memref<2048xf32, #tpu.memory_space<hbm>>) target(%arg16 : memref<2048xf32, #tpu.memory_space<vmem>>) target_semaphore(%run_scoped3A : memref<!tpu.dma_semaphore, #tpu.memory_space<semaphore_mem>>)
      %dma_wait3A_595 = tpu.memref_slice %arg7[%select_n3A, %mul3A_38] : memref<8x8192xf32, #tpu.memory_space<hbm>> -> memref<1x2048xf32, #tpu.memory_space<hbm>>
      %dma_wait3A_596 = tpu.memref_squeeze %dma_wait3A_595 : memref<1x2048xf32, #tpu.memory_space<hbm>> -> memref<2048xf32, #tpu.memory_space<hbm>>
      %dma_wait3A_597 = tpu.memref_slice %arg7[%select_n3A, %mul3A_38] : memref<8x8192xf32, #tpu.memory_space<hbm>> -> memref<1x2048xf32, #tpu.memory_space<hbm>>
      %dma_wait3A_598 = tpu.memref_squeeze %dma_wait3A_597 : memref<1x2048xf32, #tpu.memory_space<hbm>> -> memref<2048xf32, #tpu.memory_space<hbm>>
      tpu.wait_dma2 semaphore(%run_scoped3A : memref<!tpu.dma_semaphore, #tpu.memory_space<semaphore_mem>>) src(%dma_wait3A_598 : memref<2048xf32, #tpu.memory_space<hbm>>) dst(%arg16 : memref<2048xf32, #tpu.memory_space<vmem>>)
      tpu.yield
    }) : () -> ()
    %iota3A = tpu.iota {dimensions = array<i32: 0>} : vector<16xi32>
    %mul3A_39 = arith.constant 4096 : i32
    %mul3A_40 = arith.muli %select_n3A, %mul3A_39 : i32
    %mul3A_41 = arith.constant 512 : i32
    %mul3A_42 = arith.muli %select_n3A, %mul3A_41 : i32
    %add3A_43 = arith.addi %mul3A_42, %mul3A_32 : i32
    %mul3A_44 = arith.constant 32 : i32
    %mul3A_45 = arith.muli %add3A_43, %mul3A_44 : i32
    %scan3A = arith.constant 0 : i32
    %scan3A_46 = arith.constant 0 : i32
    %scan3A_47 = arith.constant 32 : i32
    %scan3A_48 = arith.addi %scan3A_46, %scan3A_47 : i32
    %scan3A_49 = arith.constant 1 : i32
    %scan3A_50 = scf.for %scan3A_591 = %scan3A_46 to %scan3A_48 step %scan3A_49 iter_args(%scan3A_592 = %scan3A) -> (i32)  : i32 {
      %add3A_593 = arith.constant 0 : i32
      %add3A_594 = arith.addi %add3A_593, %scan3A_591 : i32
      %mul3A_595 = arith.constant 16 : i32
      %mul3A_596 = arith.muli %add3A_594, %mul3A_595 : i32
      %get3A = arith.index_cast %mul3A_596 : i32 to index
      %get3A_597 = tpu.vector_load %arg14[%get3A] {strides = array<i32>} : memref<2048xf32, #tpu.memory_space<vmem>>, vector<16xf32>,
      %mul3A_598 = arith.constant 16 : i32
      %mul3A_599 = arith.muli %add3A_594, %mul3A_598 : i32
      %get3A_600 = arith.index_cast %mul3A_599 : i32 to index
      %get3A_601 = tpu.vector_load %arg15[%get3A_600] {strides = array<i32>} : memref<2048xf32, #tpu.memory_space<vmem>>, vector<16xf32>,
      %mul3A_602 = arith.constant 16 : i32
      %mul3A_603 = arith.muli %add3A_594, %mul3A_602 : i32
      %get3A_604 = arith.index_cast %mul3A_603 : i32 to index
      %get3A_605 = tpu.vector_load %arg16[%get3A_604] {strides = array<i32>} : memref<2048xf32, #tpu.memory_space<vmem>>, vector<16xf32>,
      %mul3A_606 = arith.constant 48 : i32
      %mul3A_607 = arith.muli %scan3A_591, %mul3A_606 : i32
      %while3A = arith.constant 0 : i32
      %while3A_608 = arith.constant 0 : i32
      %while3A_609:2 = scf.while (%while3A_678 = %while3A, %while3A_679 = %while3A_608) : (i32, i32) -> (i32, i32) {
        %lt3A_680 = arith.constant 256 : i32
        %lt3A_681 = arith.cmpi slt, %while3A_678, %lt3A_680 : i32
        %lt3A_682 = arith.constant 32 : i32
        %lt3A_683 = arith.cmpi slt, %while3A_679, %lt3A_682 : i32
        %and3A_684 = arith.andi %lt3A_681, %lt3A_683 : i1
        scf.condition(%and3A_684) %while3A_678, %while3A_679 : i32, i32
      } do {
      ^bb0(%while3A_678: i32, %while3A_679: i32):
        %mul3A_680 = arith.constant 16 : i32
        %mul3A_681 = arith.muli %while3A_678, %mul3A_680 : i32
        %get3A_682 = arith.index_cast %mul3A_681 : i32 to index
        %get3A_683 = tpu.vector_load %arg11[%get3A_682] {strides = array<i32>} : memref<4096xf32, #tpu.memory_space<vmem>>, vector<16xf32>,
        %sub3A_684 = arith.subf %get3A_683, %get3A_597 : vector<16xf32>
        %get3A_685 = arith.index_cast %mul3A_681 : i32 to index
        %get3A_686 = tpu.vector_load %arg12[%get3A_685] {strides = array<i32>} : memref<4096xf32, #tpu.memory_space<vmem>>, vector<16xf32>,
        %sub3A_687 = arith.subf %get3A_686, %get3A_601 : vector<16xf32>
        %get3A_688 = arith.index_cast %mul3A_681 : i32 to index
        %get3A_689 = tpu.vector_load %arg13[%get3A_688] {strides = array<i32>} : memref<4096xf32, #tpu.memory_space<vmem>>, vector<16xf32>,
        %sub3A_690 = arith.subf %get3A_689, %get3A_605 : vector<16xf32>
        %mul3A_691 = arith.mulf %sub3A_684, %sub3A_684 : vector<16xf32>
        %mul3A_692 = arith.mulf %sub3A_687, %sub3A_687 : vector<16xf32>
        %add3A_693 = arith.addf %mul3A_691, %mul3A_692 : vector<16xf32>
        %mul3A_694 = arith.mulf %sub3A_690, %sub3A_690 : vector<16xf32>
        %add3A_695 = arith.addf %add3A_693, %mul3A_694 : vector<16xf32>
        %le3A = arith.constant 1.600000e-01 : f32
        %le3A_696 = vector.broadcast %le3A : f32 to vector<16xf32>
        %le3A_697 = arith.cmpf ole, %add3A_695, %le3A_696 : vector<16xf32>
        %convert_element_type3A = arith.extui %le3A_697 : vector<16xi1> to vector<16xi32>
        %broadcast_in_dim3A_698 = arith.constant true
        %broadcast_in_dim3A_699 = vector.broadcast %broadcast_in_dim3A_698 : i1 to vector<16xi1>
        %masked_cumsum3A = tpu.scan <sum>, %convert_element_type3A masked %broadcast_in_dim3A_699 : vector<16xi32>, vector<16xi1> -> vector<16xi32>
        %reduce_max3A = arith.constant true
        %reduce_max3A_700 = vector.broadcast %reduce_max3A : i1 to vector<16xi1>
        %reduce_max3A_701 = arith.constant -2147483648 : i32
        %reduce_max3A_702 = vector.broadcast %reduce_max3A_701 : i32 to vector<16xi32>
        %reduce_max3A_703 = arith.xori %masked_cumsum3A, %reduce_max3A_702 : vector<16xi32>
        %reduce_max3A_704 = tpu.scan <max>, %reduce_max3A_703 masked %reduce_max3A_700 : vector<16xi32>, vector<16xi1> -> vector<16xi32>
        %reduce_max3A_705 = arith.xori %reduce_max3A_704, %reduce_max3A_702 : vector<16xi32>
        %reduce_max3A_706 = vector.extract %reduce_max3A_705[15] : i32 from vector<16xi32>
        %sub3A_707 = arith.constant 1 : i32
        %sub3A_708 = arith.subi %while3A_679, %sub3A_707 : i32
        %add3A_709 = arith.addi %mul3A_607, %sub3A_708 : i32
        %add3A_710 = vector.broadcast %add3A_709 : i32 to vector<16xi32>
        %add3A_711 = arith.addi %add3A_710, %masked_cumsum3A : vector<16xi32>
        %add3A_712 = vector.broadcast %mul3A_681 : i32 to vector<16xi32>
        %add3A_713 = arith.addi %iota3A, %add3A_712 : vector<16xi32>
        tpu.vector_store_idx %arg17[%add3A_711], %add3A_713 masked %le3A_697 : memref<1536xi32, #tpu.memory_space<vmem>>[vector<16xi32>], vector<16xi32>, vector<16xi1>
        %add3A_714 = arith.constant 1 : i32
        %add3A_715 = arith.addi %while3A_678, %add3A_714 : i32
        %add3A_716 = arith.addi %while3A_679, %reduce_max3A_706 : i32
        scf.yield %add3A_715, %add3A_716 : i32, i32
      }
      %get3A_610 = arith.index_cast %mul3A_607 : i32 to index
      %get3A_611 = tpu.vector_load %arg17[%get3A_610] {strides = array<i32>} : memref<1536xi32, #tpu.memory_space<vmem>>, vector<16xi32>,
      %slice3A = vector.extract_strided_slice %get3A_611 {offsets = [0], sizes = [1], strides = [1]} : vector<16xi32> to vector<1xi32>
      %squeeze3A = vector.extract %slice3A[0] : i32 from vector<1xi32>
      %mul3A_612 = arith.constant 32 : i32
      %mul3A_613 = arith.muli %scan3A_591, %mul3A_612 : i32
      %add3A_614 = arith.constant 0 : i32
      %add3A_615 = vector.broadcast %add3A_614 : i32 to vector<16xi32>
      %add3A_616 = arith.addi %iota3A, %add3A_615 : vector<16xi32>
      %lt3A_617 = vector.broadcast %while3A_609#1 : i32 to vector<16xi32>
      %lt3A_618 = arith.cmpi slt, %add3A_616, %lt3A_617 : vector<16xi32>
      %broadcast_in_dim3A = vector.broadcast %squeeze3A : i32 to vector<16xi32>
      %select_n3A_619 = arith.select %lt3A_618, %get3A_611, %broadcast_in_dim3A : vector<16xi1>, vector<16xi32>
      %add3A_620 = arith.constant 0 : i32
      %add3A_621 = arith.addi %mul3A_613, %add3A_620 : i32
      %add3A_622 = vector.broadcast %mul3A_40 : i32 to vector<16xi32>
      %add3A_623 = arith.addi %select_n3A_619, %add3A_622 : vector<16xi32>
      %swap3A = arith.index_cast %add3A_621 : i32 to index
      %swap3A_624 = tpu.vector_load %arg18[%swap3A] {strides = array<i32>} : memref<1024xi32, #tpu.memory_space<vmem>>, vector<16xi32>,
      tpu.vector_store %arg18[%swap3A], %add3A_623 {strides = array<i32>} : memref<1024xi32, #tpu.memory_space<vmem>>, vector<16xi32>,
      %gather3A = tpu.vector_load_idx %arg11[%select_n3A_619] : memref<4096xf32, #tpu.memory_space<vmem>>[vector<16xi32>], vector<16xf32>,
      %sub3A_625 = arith.subf %gather3A, %get3A_597 : vector<16xf32>
      %gather3A_626 = tpu.vector_load_idx %arg12[%select_n3A_619] : memref<4096xf32, #tpu.memory_space<vmem>>[vector<16xi32>], vector<16xf32>,
      %sub3A_627 = arith.subf %gather3A_626, %get3A_601 : vector<16xf32>
      %gather3A_628 = tpu.vector_load_idx %arg13[%select_n3A_619] : memref<4096xf32, #tpu.memory_space<vmem>>[vector<16xi32>], vector<16xf32>,
      %sub3A_629 = arith.subf %gather3A_628, %get3A_605 : vector<16xf32>
      %swap3A_630 = arith.constant 0 : i32
      %swap3A_631 = arith.index_cast %swap3A_630 : i32 to index
      %swap3A_632 = arith.index_cast %add3A_621 : i32 to index
      %swap3A_633 = tpu.vector_load %arg20[%swap3A_631, %swap3A_632] {strides = array<i32>} : memref<3x1024xf32, #tpu.memory_space<vmem>>, vector<16xf32>,
      tpu.vector_store %arg20[%swap3A_631, %swap3A_632], %sub3A_625 {strides = array<i32>} : memref<3x1024xf32, #tpu.memory_space<vmem>>, vector<16xf32>,
      %swap3A_634 = arith.constant 1 : i32
      %swap3A_635 = arith.index_cast %swap3A_634 : i32 to index
      %swap3A_636 = arith.index_cast %add3A_621 : i32 to index
      %swap3A_637 = tpu.vector_load %arg20[%swap3A_635, %swap3A_636] {strides = array<i32>} : memref<3x1024xf32, #tpu.memory_space<vmem>>, vector<16xf32>,
      tpu.vector_store %arg20[%swap3A_635, %swap3A_636], %sub3A_627 {strides = array<i32>} : memref<3x1024xf32, #tpu.memory_space<vmem>>, vector<16xf32>,
      %swap3A_638 = arith.constant 2 : i32
      %swap3A_639 = arith.index_cast %swap3A_638 : i32 to index
      %swap3A_640 = arith.index_cast %add3A_621 : i32 to index
      %swap3A_641 = tpu.vector_load %arg20[%swap3A_639, %swap3A_640] {strides = array<i32>} : memref<3x1024xf32, #tpu.memory_space<vmem>>, vector<16xf32>,
      tpu.vector_store %arg20[%swap3A_639, %swap3A_640], %sub3A_629 {strides = array<i32>} : memref<3x1024xf32, #tpu.memory_space<vmem>>, vector<16xf32>,
      %add3A_642 = arith.constant 16 : i32
      %add3A_643 = arith.addi %mul3A_607, %add3A_642 : i32
      %get3A_644 = arith.index_cast %add3A_643 : i32 to index
      %get3A_645 = tpu.vector_load %arg17[%get3A_644] {strides = array<i32>} : memref<1536xi32, #tpu.memory_space<vmem>>, vector<16xi32>,
      %add3A_646 = arith.constant 16 : i32
      %add3A_647 = vector.broadcast %add3A_646 : i32 to vector<16xi32>
      %add3A_648 = arith.addi %iota3A, %add3A_647 : vector<16xi32>
      %lt3A_649 = vector.broadcast %while3A_609#1 : i32 to vector<16xi32>
      %lt3A_650 = arith.cmpi slt, %add3A_648, %lt3A_649 : vector<16xi32>
      %broadcast_in_dim3A_651 = vector.broadcast %squeeze3A : i32 to vector<16xi32>
      %select_n3A_652 = arith.select %lt3A_650, %get3A_645, %broadcast_in_dim3A_651 : vector<16xi1>, vector<16xi32>
      %add3A_653 = arith.constant 16 : i32
      %add3A_654 = arith.addi %mul3A_613, %add3A_653 : i32
      %add3A_655 = vector.broadcast %mul3A_40 : i32 to vector<16xi32>
      %add3A_656 = arith.addi %select_n3A_652, %add3A_655 : vector<16xi32>
      %swap3A_657 = arith.index_cast %add3A_654 : i32 to index
      %swap3A_658 = tpu.vector_load %arg18[%swap3A_657] {strides = array<i32>} : memref<1024xi32, #tpu.memory_space<vmem>>, vector<16xi32>,
      tpu.vector_store %arg18[%swap3A_657], %add3A_656 {strides = array<i32>} : memref<1024xi32, #tpu.memory_space<vmem>>, vector<16xi32>,
      %gather3A_659 = tpu.vector_load_idx %arg11[%select_n3A_652] : memref<4096xf32, #tpu.memory_space<vmem>>[vector<16xi32>], vector<16xf32>,
      %sub3A_660 = arith.subf %gather3A_659, %get3A_597 : vector<16xf32>
      %gather3A_661 = tpu.vector_load_idx %arg12[%select_n3A_652] : memref<4096xf32, #tpu.memory_space<vmem>>[vector<16xi32>], vector<16xf32>,
      %sub3A_662 = arith.subf %gather3A_661, %get3A_601 : vector<16xf32>
      %gather3A_663 = tpu.vector_load_idx %arg13[%select_n3A_652] : memref<4096xf32, #tpu.memory_space<vmem>>[vector<16xi32>], vector<16xf32>,
      %sub3A_664 = arith.subf %gather3A_663, %get3A_605 : vector<16xf32>
      %swap3A_665 = arith.constant 0 : i32
      %swap3A_666 = arith.index_cast %swap3A_665 : i32 to index
      %swap3A_667 = arith.index_cast %add3A_654 : i32 to index
      %swap3A_668 = tpu.vector_load %arg20[%swap3A_666, %swap3A_667] {strides = array<i32>} : memref<3x1024xf32, #tpu.memory_space<vmem>>, vector<16xf32>,
      tpu.vector_store %arg20[%swap3A_666, %swap3A_667], %sub3A_660 {strides = array<i32>} : memref<3x1024xf32, #tpu.memory_space<vmem>>, vector<16xf32>,
      %swap3A_669 = arith.constant 1 : i32
      %swap3A_670 = arith.index_cast %swap3A_669 : i32 to index
      %swap3A_671 = arith.index_cast %add3A_654 : i32 to index
      %swap3A_672 = tpu.vector_load %arg20[%swap3A_670, %swap3A_671] {strides = array<i32>} : memref<3x1024xf32, #tpu.memory_space<vmem>>, vector<16xf32>,
      tpu.vector_store %arg20[%swap3A_670, %swap3A_671], %sub3A_662 {strides = array<i32>} : memref<3x1024xf32, #tpu.memory_space<vmem>>, vector<16xf32>,
      %swap3A_673 = arith.constant 2 : i32
      %swap3A_674 = arith.index_cast %swap3A_673 : i32 to index
      %swap3A_675 = arith.index_cast %add3A_654 : i32 to index
      %swap3A_676 = tpu.vector_load %arg20[%swap3A_674, %swap3A_675] {strides = array<i32>} : memref<3x1024xf32, #tpu.memory_space<vmem>>, vector<16xf32>,
      tpu.vector_store %arg20[%swap3A_674, %swap3A_675], %sub3A_664 {strides = array<i32>} : memref<3x1024xf32, #tpu.memory_space<vmem>>, vector<16xf32>,
      %scan3A_677 = arith.constant 0 : i32
      scf.yield %scan3A_677 : i32
    }
    %scan3A_51 = arith.constant 32 : i32
    %dma_start3A = arith.constant 0 : i32
    %dma_start3A_52 = arith.constant 0 : i32
    %dma_start3A_53 = tpu.memref_slice %arg19[%dma_start3A, %dma_start3A_52] : memref<1024x64xf32, #tpu.memory_space<vmem>> -> memref<128x64xf32, #tpu.memory_space<vmem>>
    %dma_start3A_54 = arith.constant 0 : i32
    %dma_start3A_55 = tpu.memref_slice %arg18[%dma_start3A_54] : memref<1024xi32, #tpu.memory_space<vmem>> -> memref<128xi32, #tpu.memory_space<vmem>>
    %dma_start3A_56 = arith.constant 0 : i32
    %dma_start3A_57 = arith.constant 0 : i32
    %dma_start3A_58 = tpu.memref_slice %arg8[%dma_start3A_56, %dma_start3A_57] : memref<32768x64xf32, #tpu.memory_space<hbm>> -> memref<32768x64xf32, #tpu.memory_space<hbm>>
    tpu.enqueue_indirect_dma source(%dma_start3A_58 : memref<32768x64xf32, #tpu.memory_space<hbm>>) target(%dma_start3A_53 : memref<128x64xf32, #tpu.memory_space<vmem>>) offsets(%dma_start3A_55 : memref<128xi32, #tpu.memory_space<vmem>>) semaphore(%arg21 : memref<!tpu.dma_semaphore, #tpu.memory_space<semaphore_mem>>)
    %dma_start3A_59 = arith.constant 128 : i32
    %dma_start3A_60 = arith.constant 0 : i32
    %dma_start3A_61 = tpu.memref_slice %arg19[%dma_start3A_59, %dma_start3A_60] : memref<1024x64xf32, #tpu.memory_space<vmem>> -> memref<128x64xf32, #tpu.memory_space<vmem>>
    %dma_start3A_62 = arith.constant 128 : i32
    %dma_start3A_63 = tpu.memref_slice %arg18[%dma_start3A_62] : memref<1024xi32, #tpu.memory_space<vmem>> -> memref<128xi32, #tpu.memory_space<vmem>>
    %dma_start3A_64 = arith.constant 0 : i32
    %dma_start3A_65 = arith.constant 0 : i32
    %dma_start3A_66 = tpu.memref_slice %arg8[%dma_start3A_64, %dma_start3A_65] : memref<32768x64xf32, #tpu.memory_space<hbm>> -> memref<32768x64xf32, #tpu.memory_space<hbm>>
    tpu.enqueue_indirect_dma source(%dma_start3A_66 : memref<32768x64xf32, #tpu.memory_space<hbm>>) target(%dma_start3A_61 : memref<128x64xf32, #tpu.memory_space<vmem>>) offsets(%dma_start3A_63 : memref<128xi32, #tpu.memory_space<vmem>>) semaphore(%arg21 : memref<!tpu.dma_semaphore, #tpu.memory_space<semaphore_mem>>)
    %dma_start3A_67 = arith.constant 256 : i32
    %dma_start3A_68 = arith.constant 0 : i32
    %dma_start3A_69 = tpu.memref_slice %arg19[%dma_start3A_67, %dma_start3A_68] : memref<1024x64xf32, #tpu.memory_space<vmem>> -> memref<128x64xf32, #tpu.memory_space<vmem>>
    %dma_start3A_70 = arith.constant 256 : i32
    %dma_start3A_71 = tpu.memref_slice %arg18[%dma_start3A_70] : memref<1024xi32, #tpu.memory_space<vmem>> -> memref<128xi32, #tpu.memory_space<vmem>>
    %dma_start3A_72 = arith.constant 0 : i32
    %dma_start3A_73 = arith.constant 0 : i32
    %dma_start3A_74 = tpu.memref_slice %arg8[%dma_start3A_72, %dma_start3A_73] : memref<32768x64xf32, #tpu.memory_space<hbm>> -> memref<32768x64xf32, #tpu.memory_space<hbm>>
    tpu.enqueue_indirect_dma source(%dma_start3A_74 : memref<32768x64xf32, #tpu.memory_space<hbm>>) target(%dma_start3A_69 : memref<128x64xf32, #tpu.memory_space<vmem>>) offsets(%dma_start3A_71 : memref<128xi32, #tpu.memory_space<vmem>>) semaphore(%arg21 : memref<!tpu.dma_semaphore, #tpu.memory_space<semaphore_mem>>)
    %dma_start3A_75 = arith.constant 384 : i32
    %dma_start3A_76 = arith.constant 0 : i32
    %dma_start3A_77 = tpu.memref_slice %arg19[%dma_start3A_75, %dma_start3A_76] : memref<1024x64xf32, #tpu.memory_space<vmem>> -> memref<128x64xf32, #tpu.memory_space<vmem>>
    %dma_start3A_78 = arith.constant 384 : i32
    %dma_start3A_79 = tpu.memref_slice %arg18[%dma_start3A_78] : memref<1024xi32, #tpu.memory_space<vmem>> -> memref<128xi32, #tpu.memory_space<vmem>>
    %dma_start3A_80 = arith.constant 0 : i32
    %dma_start3A_81 = arith.constant 0 : i32
    %dma_start3A_82 = tpu.memref_slice %arg8[%dma_start3A_80, %dma_start3A_81] : memref<32768x64xf32, #tpu.memory_space<hbm>> -> memref<32768x64xf32, #tpu.memory_space<hbm>>
    tpu.enqueue_indirect_dma source(%dma_start3A_82 : memref<32768x64xf32, #tpu.memory_space<hbm>>) target(%dma_start3A_77 : memref<128x64xf32, #tpu.memory_space<vmem>>) offsets(%dma_start3A_79 : memref<128xi32, #tpu.memory_space<vmem>>) semaphore(%arg21 : memref<!tpu.dma_semaphore, #tpu.memory_space<semaphore_mem>>)
    %dma_start3A_83 = arith.constant 512 : i32
    %dma_start3A_84 = arith.constant 0 : i32
    %dma_start3A_85 = tpu.memref_slice %arg19[%dma_start3A_83, %dma_start3A_84] : memref<1024x64xf32, #tpu.memory_space<vmem>> -> memref<128x64xf32, #tpu.memory_space<vmem>>
    %dma_start3A_86 = arith.constant 512 : i32
    %dma_start3A_87 = tpu.memref_slice %arg18[%dma_start3A_86] : memref<1024xi32, #tpu.memory_space<vmem>> -> memref<128xi32, #tpu.memory_space<vmem>>
    %dma_start3A_88 = arith.constant 0 : i32
    %dma_start3A_89 = arith.constant 0 : i32
    %dma_start3A_90 = tpu.memref_slice %arg8[%dma_start3A_88, %dma_start3A_89] : memref<32768x64xf32, #tpu.memory_space<hbm>> -> memref<32768x64xf32, #tpu.memory_space<hbm>>
    tpu.enqueue_indirect_dma source(%dma_start3A_90 : memref<32768x64xf32, #tpu.memory_space<hbm>>) target(%dma_start3A_85 : memref<128x64xf32, #tpu.memory_space<vmem>>) offsets(%dma_start3A_87 : memref<128xi32, #tpu.memory_space<vmem>>) semaphore(%arg21 : memref<!tpu.dma_semaphore, #tpu.memory_space<semaphore_mem>>)
    %dma_start3A_91 = arith.constant 640 : i32
    %dma_start3A_92 = arith.constant 0 : i32
    %dma_start3A_93 = tpu.memref_slice %arg19[%dma_start3A_91, %dma_start3A_92] : memref<1024x64xf32, #tpu.memory_space<vmem>> -> memref<128x64xf32, #tpu.memory_space<vmem>>
    %dma_start3A_94 = arith.constant 640 : i32
    %dma_start3A_95 = tpu.memref_slice %arg18[%dma_start3A_94] : memref<1024xi32, #tpu.memory_space<vmem>> -> memref<128xi32, #tpu.memory_space<vmem>>
    %dma_start3A_96 = arith.constant 0 : i32
    %dma_start3A_97 = arith.constant 0 : i32
    %dma_start3A_98 = tpu.memref_slice %arg8[%dma_start3A_96, %dma_start3A_97] : memref<32768x64xf32, #tpu.memory_space<hbm>> -> memref<32768x64xf32, #tpu.memory_space<hbm>>
    tpu.enqueue_indirect_dma source(%dma_start3A_98 : memref<32768x64xf32, #tpu.memory_space<hbm>>) target(%dma_start3A_93 : memref<128x64xf32, #tpu.memory_space<vmem>>) offsets(%dma_start3A_95 : memref<128xi32, #tpu.memory_space<vmem>>) semaphore(%arg21 : memref<!tpu.dma_semaphore, #tpu.memory_space<semaphore_mem>>)
    %dma_start3A_99 = arith.constant 768 : i32
    %dma_start3A_100 = arith.constant 0 : i32
    %dma_start3A_101 = tpu.memref_slice %arg19[%dma_start3A_99, %dma_start3A_100] : memref<1024x64xf32, #tpu.memory_space<vmem>> -> memref<128x64xf32, #tpu.memory_space<vmem>>
    %dma_start3A_102 = arith.constant 768 : i32
    %dma_start3A_103 = tpu.memref_slice %arg18[%dma_start3A_102] : memref<1024xi32, #tpu.memory_space<vmem>> -> memref<128xi32, #tpu.memory_space<vmem>>
    %dma_start3A_104 = arith.constant 0 : i32
    %dma_start3A_105 = arith.constant 0 : i32
    %dma_start3A_106 = tpu.memref_slice %arg8[%dma_start3A_104, %dma_start3A_105] : memref<32768x64xf32, #tpu.memory_space<hbm>> -> memref<32768x64xf32, #tpu.memory_space<hbm>>
    tpu.enqueue_indirect_dma source(%dma_start3A_106 : memref<32768x64xf32, #tpu.memory_space<hbm>>) target(%dma_start3A_101 : memref<128x64xf32, #tpu.memory_space<vmem>>) offsets(%dma_start3A_103 : memref<128xi32, #tpu.memory_space<vmem>>) semaphore(%arg21 : memref<!tpu.dma_semaphore, #tpu.memory_space<semaphore_mem>>)
    %dma_start3A_107 = arith.constant 896 : i32
    %dma_start3A_108 = arith.constant 0 : i32
    %dma_start3A_109 = tpu.memref_slice %arg19[%dma_start3A_107, %dma_start3A_108] : memref<1024x64xf32, #tpu.memory_space<vmem>> -> memref<128x64xf32, #tpu.memory_space<vmem>>
    %dma_start3A_110 = arith.constant 896 : i32
    %dma_start3A_111 = tpu.memref_slice %arg18[%dma_start3A_110] : memref<1024xi32, #tpu.memory_space<vmem>> -> memref<128xi32, #tpu.memory_space<vmem>>
    %dma_start3A_112 = arith.constant 0 : i32
    %dma_start3A_113 = arith.constant 0 : i32
    %dma_start3A_114 = tpu.memref_slice %arg8[%dma_start3A_112, %dma_start3A_113] : memref<32768x64xf32, #tpu.memory_space<hbm>> -> memref<32768x64xf32, #tpu.memory_space<hbm>>
    tpu.enqueue_indirect_dma source(%dma_start3A_114 : memref<32768x64xf32, #tpu.memory_space<hbm>>) target(%dma_start3A_109 : memref<128x64xf32, #tpu.memory_space<vmem>>) offsets(%dma_start3A_111 : memref<128xi32, #tpu.memory_space<vmem>>) semaphore(%arg21 : memref<!tpu.dma_semaphore, #tpu.memory_space<semaphore_mem>>)
    %dma_wait3A = arith.constant 0 : i32
    %dma_wait3A_115 = arith.constant 0 : i32
    %dma_wait3A_116 = tpu.memref_slice %arg19[%dma_wait3A, %dma_wait3A_115] : memref<1024x64xf32, #tpu.memory_space<vmem>> -> memref<128x64xf32, #tpu.memory_space<vmem>>
    %dma_wait3A_117 = arith.constant 0 : i32
    %dma_wait3A_118 = tpu.memref_slice %arg18[%dma_wait3A_117] : memref<1024xi32, #tpu.memory_space<vmem>> -> memref<128xi32, #tpu.memory_space<vmem>>
    %dma_wait3A_119 = arith.constant 0 : i32
    %dma_wait3A_120 = arith.constant 0 : i32
    %dma_wait3A_121 = tpu.memref_slice %arg8[%dma_wait3A_119, %dma_wait3A_120] : memref<32768x64xf32, #tpu.memory_space<hbm>> -> memref<32768x64xf32, #tpu.memory_space<hbm>>
    tpu.wait_indirect_dma semaphore(%arg21 : memref<!tpu.dma_semaphore, #tpu.memory_space<semaphore_mem>>) src(%dma_wait3A_121 : memref<32768x64xf32, #tpu.memory_space<hbm>>) dst(%dma_wait3A_116 : memref<128x64xf32, #tpu.memory_space<vmem>>)
    %dma_wait3A_122 = arith.constant 128 : i32
    %dma_wait3A_123 = arith.constant 0 : i32
    %dma_wait3A_124 = tpu.memref_slice %arg19[%dma_wait3A_122, %dma_wait3A_123] : memref<1024x64xf32, #tpu.memory_space<vmem>> -> memref<128x64xf32, #tpu.memory_space<vmem>>
    %dma_wait3A_125 = arith.constant 128 : i32
    %dma_wait3A_126 = tpu.memref_slice %arg18[%dma_wait3A_125] : memref<1024xi32, #tpu.memory_space<vmem>> -> memref<128xi32, #tpu.memory_space<vmem>>
    %dma_wait3A_127 = arith.constant 0 : i32
    %dma_wait3A_128 = arith.constant 0 : i32
    %dma_wait3A_129 = tpu.memref_slice %arg8[%dma_wait3A_127, %dma_wait3A_128] : memref<32768x64xf32, #tpu.memory_space<hbm>> -> memref<32768x64xf32, #tpu.memory_space<hbm>>
    tpu.wait_indirect_dma semaphore(%arg21 : memref<!tpu.dma_semaphore, #tpu.memory_space<semaphore_mem>>) src(%dma_wait3A_129 : memref<32768x64xf32, #tpu.memory_space<hbm>>) dst(%dma_wait3A_124 : memref<128x64xf32, #tpu.memory_space<vmem>>)
    %dma_wait3A_130 = arith.constant 256 : i32
    %dma_wait3A_131 = arith.constant 0 : i32
    %dma_wait3A_132 = tpu.memref_slice %arg19[%dma_wait3A_130, %dma_wait3A_131] : memref<1024x64xf32, #tpu.memory_space<vmem>> -> memref<128x64xf32, #tpu.memory_space<vmem>>
    %dma_wait3A_133 = arith.constant 256 : i32
    %dma_wait3A_134 = tpu.memref_slice %arg18[%dma_wait3A_133] : memref<1024xi32, #tpu.memory_space<vmem>> -> memref<128xi32, #tpu.memory_space<vmem>>
    %dma_wait3A_135 = arith.constant 0 : i32
    %dma_wait3A_136 = arith.constant 0 : i32
    %dma_wait3A_137 = tpu.memref_slice %arg8[%dma_wait3A_135, %dma_wait3A_136] : memref<32768x64xf32, #tpu.memory_space<hbm>> -> memref<32768x64xf32, #tpu.memory_space<hbm>>
    tpu.wait_indirect_dma semaphore(%arg21 : memref<!tpu.dma_semaphore, #tpu.memory_space<semaphore_mem>>) src(%dma_wait3A_137 : memref<32768x64xf32, #tpu.memory_space<hbm>>) dst(%dma_wait3A_132 : memref<128x64xf32, #tpu.memory_space<vmem>>)
    %dma_wait3A_138 = arith.constant 384 : i32
    %dma_wait3A_139 = arith.constant 0 : i32
    %dma_wait3A_140 = tpu.memref_slice %arg19[%dma_wait3A_138, %dma_wait3A_139] : memref<1024x64xf32, #tpu.memory_space<vmem>> -> memref<128x64xf32, #tpu.memory_space<vmem>>
    %dma_wait3A_141 = arith.constant 384 : i32
    %dma_wait3A_142 = tpu.memref_slice %arg18[%dma_wait3A_141] : memref<1024xi32, #tpu.memory_space<vmem>> -> memref<128xi32, #tpu.memory_space<vmem>>
    %dma_wait3A_143 = arith.constant 0 : i32
    %dma_wait3A_144 = arith.constant 0 : i32
    %dma_wait3A_145 = tpu.memref_slice %arg8[%dma_wait3A_143, %dma_wait3A_144] : memref<32768x64xf32, #tpu.memory_space<hbm>> -> memref<32768x64xf32, #tpu.memory_space<hbm>>
    tpu.wait_indirect_dma semaphore(%arg21 : memref<!tpu.dma_semaphore, #tpu.memory_space<semaphore_mem>>) src(%dma_wait3A_145 : memref<32768x64xf32, #tpu.memory_space<hbm>>) dst(%dma_wait3A_140 : memref<128x64xf32, #tpu.memory_space<vmem>>)
    %dma_wait3A_146 = arith.constant 512 : i32
    %dma_wait3A_147 = arith.constant 0 : i32
    %dma_wait3A_148 = tpu.memref_slice %arg19[%dma_wait3A_146, %dma_wait3A_147] : memref<1024x64xf32, #tpu.memory_space<vmem>> -> memref<128x64xf32, #tpu.memory_space<vmem>>
    %dma_wait3A_149 = arith.constant 512 : i32
    %dma_wait3A_150 = tpu.memref_slice %arg18[%dma_wait3A_149] : memref<1024xi32, #tpu.memory_space<vmem>> -> memref<128xi32, #tpu.memory_space<vmem>>
    %dma_wait3A_151 = arith.constant 0 : i32
    %dma_wait3A_152 = arith.constant 0 : i32
    %dma_wait3A_153 = tpu.memref_slice %arg8[%dma_wait3A_151, %dma_wait3A_152] : memref<32768x64xf32, #tpu.memory_space<hbm>> -> memref<32768x64xf32, #tpu.memory_space<hbm>>
    tpu.wait_indirect_dma semaphore(%arg21 : memref<!tpu.dma_semaphore, #tpu.memory_space<semaphore_mem>>) src(%dma_wait3A_153 : memref<32768x64xf32, #tpu.memory_space<hbm>>) dst(%dma_wait3A_148 : memref<128x64xf32, #tpu.memory_space<vmem>>)
    %dma_wait3A_154 = arith.constant 640 : i32
    %dma_wait3A_155 = arith.constant 0 : i32
    %dma_wait3A_156 = tpu.memref_slice %arg19[%dma_wait3A_154, %dma_wait3A_155] : memref<1024x64xf32, #tpu.memory_space<vmem>> -> memref<128x64xf32, #tpu.memory_space<vmem>>
    %dma_wait3A_157 = arith.constant 640 : i32
    %dma_wait3A_158 = tpu.memref_slice %arg18[%dma_wait3A_157] : memref<1024xi32, #tpu.memory_space<vmem>> -> memref<128xi32, #tpu.memory_space<vmem>>
    %dma_wait3A_159 = arith.constant 0 : i32
    %dma_wait3A_160 = arith.constant 0 : i32
    %dma_wait3A_161 = tpu.memref_slice %arg8[%dma_wait3A_159, %dma_wait3A_160] : memref<32768x64xf32, #tpu.memory_space<hbm>> -> memref<32768x64xf32, #tpu.memory_space<hbm>>
    tpu.wait_indirect_dma semaphore(%arg21 : memref<!tpu.dma_semaphore, #tpu.memory_space<semaphore_mem>>) src(%dma_wait3A_161 : memref<32768x64xf32, #tpu.memory_space<hbm>>) dst(%dma_wait3A_156 : memref<128x64xf32, #tpu.memory_space<vmem>>)
    %dma_wait3A_162 = arith.constant 768 : i32
    %dma_wait3A_163 = arith.constant 0 : i32
    %dma_wait3A_164 = tpu.memref_slice %arg19[%dma_wait3A_162, %dma_wait3A_163] : memref<1024x64xf32, #tpu.memory_space<vmem>> -> memref<128x64xf32, #tpu.memory_space<vmem>>
    %dma_wait3A_165 = arith.constant 768 : i32
    %dma_wait3A_166 = tpu.memref_slice %arg18[%dma_wait3A_165] : memref<1024xi32, #tpu.memory_space<vmem>> -> memref<128xi32, #tpu.memory_space<vmem>>
    %dma_wait3A_167 = arith.constant 0 : i32
    %dma_wait3A_168 = arith.constant 0 : i32
    %dma_wait3A_169 = tpu.memref_slice %arg8[%dma_wait3A_167, %dma_wait3A_168] : memref<32768x64xf32, #tpu.memory_space<hbm>> -> memref<32768x64xf32, #tpu.memory_space<hbm>>
    tpu.wait_indirect_dma semaphore(%arg21 : memref<!tpu.dma_semaphore, #tpu.memory_space<semaphore_mem>>) src(%dma_wait3A_169 : memref<32768x64xf32, #tpu.memory_space<hbm>>) dst(%dma_wait3A_164 : memref<128x64xf32, #tpu.memory_space<vmem>>)
    %dma_wait3A_170 = arith.constant 896 : i32
    %dma_wait3A_171 = arith.constant 0 : i32
    %dma_wait3A_172 = tpu.memref_slice %arg19[%dma_wait3A_170, %dma_wait3A_171] : memref<1024x64xf32, #tpu.memory_space<vmem>> -> memref<128x64xf32, #tpu.memory_space<vmem>>
    %dma_wait3A_173 = arith.constant 896 : i32
    %dma_wait3A_174 = tpu.memref_slice %arg18[%dma_wait3A_173] : memref<1024xi32, #tpu.memory_space<vmem>> -> memref<128xi32, #tpu.memory_space<vmem>>
    %dma_wait3A_175 = arith.constant 0 : i32
    %dma_wait3A_176 = arith.constant 0 : i32
    %dma_wait3A_177 = tpu.memref_slice %arg8[%dma_wait3A_175, %dma_wait3A_176] : memref<32768x64xf32, #tpu.memory_space<hbm>> -> memref<32768x64xf32, #tpu.memory_space<hbm>>
    tpu.wait_indirect_dma semaphore(%arg21 : memref<!tpu.dma_semaphore, #tpu.memory_space<semaphore_mem>>) src(%dma_wait3A_177 : memref<32768x64xf32, #tpu.memory_space<hbm>>) dst(%dma_wait3A_172 : memref<128x64xf32, #tpu.memory_space<vmem>>)
    %add3A_178 = arith.constant 0 : i32
    %add3A_179 = arith.addi %mul3A_45, %add3A_178 : i32
    "tpu.region"() ({
      %run_scoped3A = tpu.sem_alloc : memref<!tpu.dma_semaphore, #tpu.memory_space<semaphore_mem>>
      %dma_start3A_591 = arith.constant 0 : i32
      %dma_start3A_592 = tpu.memref_slice %arg9[%add3A_179, %dma_start3A_591] : memref<131072x64xf32, #tpu.memory_space<hbm>> -> memref<1024x64xf32, #tpu.memory_space<hbm>>
      %dma_start3A_593 = arith.constant 0 : i32
      %dma_start3A_594 = tpu.memref_slice %arg9[%add3A_179, %dma_start3A_593] : memref<131072x64xf32, #tpu.memory_space<hbm>> -> memref<1024x64xf32, #tpu.memory_space<hbm>>
      tpu.enqueue_dma source(%arg19 : memref<1024x64xf32, #tpu.memory_space<vmem>>) target(%dma_start3A_594 : memref<1024x64xf32, #tpu.memory_space<hbm>>) target_semaphore(%run_scoped3A : memref<!tpu.dma_semaphore, #tpu.memory_space<semaphore_mem>>)
      %dma_wait3A_595 = arith.constant 0 : i32
      %dma_wait3A_596 = tpu.memref_slice %arg9[%add3A_179, %dma_wait3A_595] : memref<131072x64xf32, #tpu.memory_space<hbm>> -> memref<1024x64xf32, #tpu.memory_space<hbm>>
      %dma_wait3A_597 = arith.constant 0 : i32
      %dma_wait3A_598 = tpu.memref_slice %arg9[%add3A_179, %dma_wait3A_597] : memref<131072x64xf32, #tpu.memory_space<hbm>> -> memref<1024x64xf32, #tpu.memory_space<hbm>>
      tpu.wait_dma2 semaphore(%run_scoped3A : memref<!tpu.dma_semaphore, #tpu.memory_space<semaphore_mem>>) src(%arg19 : memref<1024x64xf32, #tpu.memory_space<vmem>>) dst(%dma_wait3A_598 : memref<1024x64xf32, #tpu.memory_space<hbm>>)
      tpu.yield
    }) : () -> ()
    "tpu.region"() ({
      %run_scoped3A = tpu.sem_alloc : memref<!tpu.dma_semaphore, #tpu.memory_space<semaphore_mem>>
      %dma_start3A_591 = arith.constant 0 : i32
      %dma_start3A_592 = tpu.memref_slice %arg10[%dma_start3A_591, %add3A_179] : memref<3x131072xf32, #tpu.memory_space<hbm>> -> memref<3x1024xf32, #tpu.memory_space<hbm>>
      %dma_start3A_593 = arith.constant 0 : i32
      %dma_start3A_594 = tpu.memref_slice %arg10[%dma_start3A_593, %add3A_179] : memref<3x131072xf32, #tpu.memory_space<hbm>> -> memref<3x1024xf32, #tpu.memory_space<hbm>>
      tpu.enqueue_dma source(%arg20 : memref<3x1024xf32, #tpu.memory_space<vmem>>) target(%dma_start3A_594 : memref<3x1024xf32, #tpu.memory_space<hbm>>) target_semaphore(%run_scoped3A : memref<!tpu.dma_semaphore, #tpu.memory_space<semaphore_mem>>)
      %dma_wait3A_595 = arith.constant 0 : i32
      %dma_wait3A_596 = tpu.memref_slice %arg10[%dma_wait3A_595, %add3A_179] : memref<3x131072xf32, #tpu.memory_space<hbm>> -> memref<3x1024xf32, #tpu.memory_space<hbm>>
      %dma_wait3A_597 = arith.constant 0 : i32
      %dma_wait3A_598 = tpu.memref_slice %arg10[%dma_wait3A_597, %add3A_179] : memref<3x131072xf32, #tpu.memory_space<hbm>> -> memref<3x1024xf32, #tpu.memory_space<hbm>>
      tpu.wait_dma2 semaphore(%run_scoped3A : memref<!tpu.dma_semaphore, #tpu.memory_space<semaphore_mem>>) src(%arg20 : memref<3x1024xf32, #tpu.memory_space<vmem>>) dst(%dma_wait3A_598 : memref<3x1024xf32, #tpu.memory_space<hbm>>)
      tpu.yield
    }) : () -> ()
    %scan3A_180 = arith.constant 0 : i32
    %scan3A_181 = arith.constant 0 : i32
    %scan3A_182 = arith.constant 32 : i32
    %scan3A_183 = arith.addi %scan3A_181, %scan3A_182 : i32
    %scan3A_184 = arith.constant 1 : i32
    %scan3A_185 = scf.for %scan3A_591 = %scan3A_181 to %scan3A_183 step %scan3A_184 iter_args(%scan3A_592 = %scan3A_180) -> (i32)  : i32 {
      %add3A_593 = arith.constant 32 : i32
      %add3A_594 = arith.addi %add3A_593, %scan3A_591 : i32
      %mul3A_595 = arith.constant 16 : i32
      %mul3A_596 = arith.muli %add3A_594, %mul3A_595 : i32
      %get3A = arith.index_cast %mul3A_596 : i32 to index
      %get3A_597 = tpu.vector_load %arg14[%get3A] {strides = array<i32>} : memref<2048xf32, #tpu.memory_space<vmem>>, vector<16xf32>,
      %mul3A_598 = arith.constant 16 : i32
      %mul3A_599 = arith.muli %add3A_594, %mul3A_598 : i32
      %get3A_600 = arith.index_cast %mul3A_599 : i32 to index
      %get3A_601 = tpu.vector_load %arg15[%get3A_600] {strides = array<i32>} : memref<2048xf32, #tpu.memory_space<vmem>>, vector<16xf32>,
      %mul3A_602 = arith.constant 16 : i32
      %mul3A_603 = arith.muli %add3A_594, %mul3A_602 : i32
      %get3A_604 = arith.index_cast %mul3A_603 : i32 to index
      %get3A_605 = tpu.vector_load %arg16[%get3A_604] {strides = array<i32>} : memref<2048xf32, #tpu.memory_space<vmem>>, vector<16xf32>,
      %mul3A_606 = arith.constant 48 : i32
      %mul3A_607 = arith.muli %scan3A_591, %mul3A_606 : i32
      %while3A = arith.constant 0 : i32
      %while3A_608 = arith.constant 0 : i32
      %while3A_609:2 = scf.while (%while3A_678 = %while3A, %while3A_679 = %while3A_608) : (i32, i32) -> (i32, i32) {
        %lt3A_680 = arith.constant 256 : i32
        %lt3A_681 = arith.cmpi slt, %while3A_678, %lt3A_680 : i32
        %lt3A_682 = arith.constant 32 : i32
        %lt3A_683 = arith.cmpi slt, %while3A_679, %lt3A_682 : i32
        %and3A_684 = arith.andi %lt3A_681, %lt3A_683 : i1
        scf.condition(%and3A_684) %while3A_678, %while3A_679 : i32, i32
      } do {
      ^bb0(%while3A_678: i32, %while3A_679: i32):
        %mul3A_680 = arith.constant 16 : i32
        %mul3A_681 = arith.muli %while3A_678, %mul3A_680 : i32
        %get3A_682 = arith.index_cast %mul3A_681 : i32 to index
        %get3A_683 = tpu.vector_load %arg11[%get3A_682] {strides = array<i32>} : memref<4096xf32, #tpu.memory_space<vmem>>, vector<16xf32>,
        %sub3A_684 = arith.subf %get3A_683, %get3A_597 : vector<16xf32>
        %get3A_685 = arith.index_cast %mul3A_681 : i32 to index
        %get3A_686 = tpu.vector_load %arg12[%get3A_685] {strides = array<i32>} : memref<4096xf32, #tpu.memory_space<vmem>>, vector<16xf32>,
        %sub3A_687 = arith.subf %get3A_686, %get3A_601 : vector<16xf32>
        %get3A_688 = arith.index_cast %mul3A_681 : i32 to index
        %get3A_689 = tpu.vector_load %arg13[%get3A_688] {strides = array<i32>} : memref<4096xf32, #tpu.memory_space<vmem>>, vector<16xf32>,
        %sub3A_690 = arith.subf %get3A_689, %get3A_605 : vector<16xf32>
        %mul3A_691 = arith.mulf %sub3A_684, %sub3A_684 : vector<16xf32>
        %mul3A_692 = arith.mulf %sub3A_687, %sub3A_687 : vector<16xf32>
        %add3A_693 = arith.addf %mul3A_691, %mul3A_692 : vector<16xf32>
        %mul3A_694 = arith.mulf %sub3A_690, %sub3A_690 : vector<16xf32>
        %add3A_695 = arith.addf %add3A_693, %mul3A_694 : vector<16xf32>
        %le3A = arith.constant 1.600000e-01 : f32
        %le3A_696 = vector.broadcast %le3A : f32 to vector<16xf32>
        %le3A_697 = arith.cmpf ole, %add3A_695, %le3A_696 : vector<16xf32>
        %convert_element_type3A = arith.extui %le3A_697 : vector<16xi1> to vector<16xi32>
        %broadcast_in_dim3A_698 = arith.constant true
        %broadcast_in_dim3A_699 = vector.broadcast %broadcast_in_dim3A_698 : i1 to vector<16xi1>
        %masked_cumsum3A = tpu.scan <sum>, %convert_element_type3A masked %broadcast_in_dim3A_699 : vector<16xi32>, vector<16xi1> -> vector<16xi32>
        %reduce_max3A = arith.constant true
        %reduce_max3A_700 = vector.broadcast %reduce_max3A : i1 to vector<16xi1>
        %reduce_max3A_701 = arith.constant -2147483648 : i32
        %reduce_max3A_702 = vector.broadcast %reduce_max3A_701 : i32 to vector<16xi32>
        %reduce_max3A_703 = arith.xori %masked_cumsum3A, %reduce_max3A_702 : vector<16xi32>
        %reduce_max3A_704 = tpu.scan <max>, %reduce_max3A_703 masked %reduce_max3A_700 : vector<16xi32>, vector<16xi1> -> vector<16xi32>
        %reduce_max3A_705 = arith.xori %reduce_max3A_704, %reduce_max3A_702 : vector<16xi32>
        %reduce_max3A_706 = vector.extract %reduce_max3A_705[15] : i32 from vector<16xi32>
        %sub3A_707 = arith.constant 1 : i32
        %sub3A_708 = arith.subi %while3A_679, %sub3A_707 : i32
        %add3A_709 = arith.addi %mul3A_607, %sub3A_708 : i32
        %add3A_710 = vector.broadcast %add3A_709 : i32 to vector<16xi32>
        %add3A_711 = arith.addi %add3A_710, %masked_cumsum3A : vector<16xi32>
        %add3A_712 = vector.broadcast %mul3A_681 : i32 to vector<16xi32>
        %add3A_713 = arith.addi %iota3A, %add3A_712 : vector<16xi32>
        tpu.vector_store_idx %arg17[%add3A_711], %add3A_713 masked %le3A_697 : memref<1536xi32, #tpu.memory_space<vmem>>[vector<16xi32>], vector<16xi32>, vector<16xi1>
        %add3A_714 = arith.constant 1 : i32
        %add3A_715 = arith.addi %while3A_678, %add3A_714 : i32
        %add3A_716 = arith.addi %while3A_679, %reduce_max3A_706 : i32
        scf.yield %add3A_715, %add3A_716 : i32, i32
      }
      %get3A_610 = arith.index_cast %mul3A_607 : i32 to index
      %get3A_611 = tpu.vector_load %arg17[%get3A_610] {strides = array<i32>} : memref<1536xi32, #tpu.memory_space<vmem>>, vector<16xi32>,
      %slice3A = vector.extract_strided_slice %get3A_611 {offsets = [0], sizes = [1], strides = [1]} : vector<16xi32> to vector<1xi32>
      %squeeze3A = vector.extract %slice3A[0] : i32 from vector<1xi32>
      %mul3A_612 = arith.constant 32 : i32
      %mul3A_613 = arith.muli %scan3A_591, %mul3A_612 : i32
      %add3A_614 = arith.constant 0 : i32
      %add3A_615 = vector.broadcast %add3A_614 : i32 to vector<16xi32>
      %add3A_616 = arith.addi %iota3A, %add3A_615 : vector<16xi32>
      %lt3A_617 = vector.broadcast %while3A_609#1 : i32 to vector<16xi32>
      %lt3A_618 = arith.cmpi slt, %add3A_616, %lt3A_617 : vector<16xi32>
      %broadcast_in_dim3A = vector.broadcast %squeeze3A : i32 to vector<16xi32>
      %select_n3A_619 = arith.select %lt3A_618, %get3A_611, %broadcast_in_dim3A : vector<16xi1>, vector<16xi32>
      %add3A_620 = arith.constant 0 : i32
      %add3A_621 = arith.addi %mul3A_613, %add3A_620 : i32
      %add3A_622 = vector.broadcast %mul3A_40 : i32 to vector<16xi32>
      %add3A_623 = arith.addi %select_n3A_619, %add3A_622 : vector<16xi32>
      %swap3A = arith.index_cast %add3A_621 : i32 to index
      %swap3A_624 = tpu.vector_load %arg18[%swap3A] {strides = array<i32>} : memref<1024xi32, #tpu.memory_space<vmem>>, vector<16xi32>,
      tpu.vector_store %arg18[%swap3A], %add3A_623 {strides = array<i32>} : memref<1024xi32, #tpu.memory_space<vmem>>, vector<16xi32>,
      %gather3A = tpu.vector_load_idx %arg11[%select_n3A_619] : memref<4096xf32, #tpu.memory_space<vmem>>[vector<16xi32>], vector<16xf32>,
      %sub3A_625 = arith.subf %gather3A, %get3A_597 : vector<16xf32>
      %gather3A_626 = tpu.vector_load_idx %arg12[%select_n3A_619] : memref<4096xf32, #tpu.memory_space<vmem>>[vector<16xi32>], vector<16xf32>,
      %sub3A_627 = arith.subf %gather3A_626, %get3A_601 : vector<16xf32>
      %gather3A_628 = tpu.vector_load_idx %arg13[%select_n3A_619] : memref<4096xf32, #tpu.memory_space<vmem>>[vector<16xi32>], vector<16xf32>,
      %sub3A_629 = arith.subf %gather3A_628, %get3A_605 : vector<16xf32>
      %swap3A_630 = arith.constant 0 : i32
      %swap3A_631 = arith.index_cast %swap3A_630 : i32 to index
      %swap3A_632 = arith.index_cast %add3A_621 : i32 to index
      %swap3A_633 = tpu.vector_load %arg20[%swap3A_631, %swap3A_632] {strides = array<i32>} : memref<3x1024xf32, #tpu.memory_space<vmem>>, vector<16xf32>,
      tpu.vector_store %arg20[%swap3A_631, %swap3A_632], %sub3A_625 {strides = array<i32>} : memref<3x1024xf32, #tpu.memory_space<vmem>>, vector<16xf32>,
      %swap3A_634 = arith.constant 1 : i32
      %swap3A_635 = arith.index_cast %swap3A_634 : i32 to index
      %swap3A_636 = arith.index_cast %add3A_621 : i32 to index
      %swap3A_637 = tpu.vector_load %arg20[%swap3A_635, %swap3A_636] {strides = array<i32>} : memref<3x1024xf32, #tpu.memory_space<vmem>>, vector<16xf32>,
      tpu.vector_store %arg20[%swap3A_635, %swap3A_636], %sub3A_627 {strides = array<i32>} : memref<3x1024xf32, #tpu.memory_space<vmem>>, vector<16xf32>,
      %swap3A_638 = arith.constant 2 : i32
      %swap3A_639 = arith.index_cast %swap3A_638 : i32 to index
      %swap3A_640 = arith.index_cast %add3A_621 : i32 to index
      %swap3A_641 = tpu.vector_load %arg20[%swap3A_639, %swap3A_640] {strides = array<i32>} : memref<3x1024xf32, #tpu.memory_space<vmem>>, vector<16xf32>,
      tpu.vector_store %arg20[%swap3A_639, %swap3A_640], %sub3A_629 {strides = array<i32>} : memref<3x1024xf32, #tpu.memory_space<vmem>>, vector<16xf32>,
      %add3A_642 = arith.constant 16 : i32
      %add3A_643 = arith.addi %mul3A_607, %add3A_642 : i32
      %get3A_644 = arith.index_cast %add3A_643 : i32 to index
      %get3A_645 = tpu.vector_load %arg17[%get3A_644] {strides = array<i32>} : memref<1536xi32, #tpu.memory_space<vmem>>, vector<16xi32>,
      %add3A_646 = arith.constant 16 : i32
      %add3A_647 = vector.broadcast %add3A_646 : i32 to vector<16xi32>
      %add3A_648 = arith.addi %iota3A, %add3A_647 : vector<16xi32>
      %lt3A_649 = vector.broadcast %while3A_609#1 : i32 to vector<16xi32>
      %lt3A_650 = arith.cmpi slt, %add3A_648, %lt3A_649 : vector<16xi32>
      %broadcast_in_dim3A_651 = vector.broadcast %squeeze3A : i32 to vector<16xi32>
      %select_n3A_652 = arith.select %lt3A_650, %get3A_645, %broadcast_in_dim3A_651 : vector<16xi1>, vector<16xi32>
      %add3A_653 = arith.constant 16 : i32
      %add3A_654 = arith.addi %mul3A_613, %add3A_653 : i32
      %add3A_655 = vector.broadcast %mul3A_40 : i32 to vector<16xi32>
      %add3A_656 = arith.addi %select_n3A_652, %add3A_655 : vector<16xi32>
      %swap3A_657 = arith.index_cast %add3A_654 : i32 to index
      %swap3A_658 = tpu.vector_load %arg18[%swap3A_657] {strides = array<i32>} : memref<1024xi32, #tpu.memory_space<vmem>>, vector<16xi32>,
      tpu.vector_store %arg18[%swap3A_657], %add3A_656 {strides = array<i32>} : memref<1024xi32, #tpu.memory_space<vmem>>, vector<16xi32>,
      %gather3A_659 = tpu.vector_load_idx %arg11[%select_n3A_652] : memref<4096xf32, #tpu.memory_space<vmem>>[vector<16xi32>], vector<16xf32>,
      %sub3A_660 = arith.subf %gather3A_659, %get3A_597 : vector<16xf32>
      %gather3A_661 = tpu.vector_load_idx %arg12[%select_n3A_652] : memref<4096xf32, #tpu.memory_space<vmem>>[vector<16xi32>], vector<16xf32>,
      %sub3A_662 = arith.subf %gather3A_661, %get3A_601 : vector<16xf32>
      %gather3A_663 = tpu.vector_load_idx %arg13[%select_n3A_652] : memref<4096xf32, #tpu.memory_space<vmem>>[vector<16xi32>], vector<16xf32>,
      %sub3A_664 = arith.subf %gather3A_663, %get3A_605 : vector<16xf32>
      %swap3A_665 = arith.constant 0 : i32
      %swap3A_666 = arith.index_cast %swap3A_665 : i32 to index
      %swap3A_667 = arith.index_cast %add3A_654 : i32 to index
      %swap3A_668 = tpu.vector_load %arg20[%swap3A_666, %swap3A_667] {strides = array<i32>} : memref<3x1024xf32, #tpu.memory_space<vmem>>, vector<16xf32>,
      tpu.vector_store %arg20[%swap3A_666, %swap3A_667], %sub3A_660 {strides = array<i32>} : memref<3x1024xf32, #tpu.memory_space<vmem>>, vector<16xf32>,
      %swap3A_669 = arith.constant 1 : i32
      %swap3A_670 = arith.index_cast %swap3A_669 : i32 to index
      %swap3A_671 = arith.index_cast %add3A_654 : i32 to index
      %swap3A_672 = tpu.vector_load %arg20[%swap3A_670, %swap3A_671] {strides = array<i32>} : memref<3x1024xf32, #tpu.memory_space<vmem>>, vector<16xf32>,
      tpu.vector_store %arg20[%swap3A_670, %swap3A_671], %sub3A_662 {strides = array<i32>} : memref<3x1024xf32, #tpu.memory_space<vmem>>, vector<16xf32>,
      %swap3A_673 = arith.constant 2 : i32
      %swap3A_674 = arith.index_cast %swap3A_673 : i32 to index
      %swap3A_675 = arith.index_cast %add3A_654 : i32 to index
      %swap3A_676 = tpu.vector_load %arg20[%swap3A_674, %swap3A_675] {strides = array<i32>} : memref<3x1024xf32, #tpu.memory_space<vmem>>, vector<16xf32>,
      tpu.vector_store %arg20[%swap3A_674, %swap3A_675], %sub3A_664 {strides = array<i32>} : memref<3x1024xf32, #tpu.memory_space<vmem>>, vector<16xf32>,
      %scan3A_677 = arith.constant 0 : i32
      scf.yield %scan3A_677 : i32
    }
    %scan3A_186 = arith.constant 32 : i32
    %dma_start3A_187 = arith.constant 0 : i32
    %dma_start3A_188 = arith.constant 0 : i32
    %dma_start3A_189 = tpu.memref_slice %arg19[%dma_start3A_187, %dma_start3A_188] : memref<1024x64xf32, #tpu.memory_space<vmem>> -> memref<128x64xf32, #tpu.memory_space<vmem>>
    %dma_start3A_190 = arith.constant 0 : i32
    %dma_start3A_191 = tpu.memref_slice %arg18[%dma_start3A_190] : memref<1024xi32, #tpu.memory_space<vmem>> -> memref<128xi32, #tpu.memory_space<vmem>>
    %dma_start3A_192 = arith.constant 0 : i32
    %dma_start3A_193 = arith.constant 0 : i32
    %dma_start3A_194 = tpu.memref_slice %arg8[%dma_start3A_192, %dma_start3A_193] : memref<32768x64xf32, #tpu.memory_space<hbm>> -> memref<32768x64xf32, #tpu.memory_space<hbm>>
    tpu.enqueue_indirect_dma source(%dma_start3A_194 : memref<32768x64xf32, #tpu.memory_space<hbm>>) target(%dma_start3A_189 : memref<128x64xf32, #tpu.memory_space<vmem>>) offsets(%dma_start3A_191 : memref<128xi32, #tpu.memory_space<vmem>>) semaphore(%arg21 : memref<!tpu.dma_semaphore, #tpu.memory_space<semaphore_mem>>)
    %dma_start3A_195 = arith.constant 128 : i32
    %dma_start3A_196 = arith.constant 0 : i32
    %dma_start3A_197 = tpu.memref_slice %arg19[%dma_start3A_195, %dma_start3A_196] : memref<1024x64xf32, #tpu.memory_space<vmem>> -> memref<128x64xf32, #tpu.memory_space<vmem>>
    %dma_start3A_198 = arith.constant 128 : i32
    %dma_start3A_199 = tpu.memref_slice %arg18[%dma_start3A_198] : memref<1024xi32, #tpu.memory_space<vmem>> -> memref<128xi32, #tpu.memory_space<vmem>>
    %dma_start3A_200 = arith.constant 0 : i32
    %dma_start3A_201 = arith.constant 0 : i32
    %dma_start3A_202 = tpu.memref_slice %arg8[%dma_start3A_200, %dma_start3A_201] : memref<32768x64xf32, #tpu.memory_space<hbm>> -> memref<32768x64xf32, #tpu.memory_space<hbm>>
    tpu.enqueue_indirect_dma source(%dma_start3A_202 : memref<32768x64xf32, #tpu.memory_space<hbm>>) target(%dma_start3A_197 : memref<128x64xf32, #tpu.memory_space<vmem>>) offsets(%dma_start3A_199 : memref<128xi32, #tpu.memory_space<vmem>>) semaphore(%arg21 : memref<!tpu.dma_semaphore, #tpu.memory_space<semaphore_mem>>)
    %dma_start3A_203 = arith.constant 256 : i32
    %dma_start3A_204 = arith.constant 0 : i32
    %dma_start3A_205 = tpu.memref_slice %arg19[%dma_start3A_203, %dma_start3A_204] : memref<1024x64xf32, #tpu.memory_space<vmem>> -> memref<128x64xf32, #tpu.memory_space<vmem>>
    %dma_start3A_206 = arith.constant 256 : i32
    %dma_start3A_207 = tpu.memref_slice %arg18[%dma_start3A_206] : memref<1024xi32, #tpu.memory_space<vmem>> -> memref<128xi32, #tpu.memory_space<vmem>>
    %dma_start3A_208 = arith.constant 0 : i32
    %dma_start3A_209 = arith.constant 0 : i32
    %dma_start3A_210 = tpu.memref_slice %arg8[%dma_start3A_208, %dma_start3A_209] : memref<32768x64xf32, #tpu.memory_space<hbm>> -> memref<32768x64xf32, #tpu.memory_space<hbm>>
    tpu.enqueue_indirect_dma source(%dma_start3A_210 : memref<32768x64xf32, #tpu.memory_space<hbm>>) target(%dma_start3A_205 : memref<128x64xf32, #tpu.memory_space<vmem>>) offsets(%dma_start3A_207 : memref<128xi32, #tpu.memory_space<vmem>>) semaphore(%arg21 : memref<!tpu.dma_semaphore, #tpu.memory_space<semaphore_mem>>)
    %dma_start3A_211 = arith.constant 384 : i32
    %dma_start3A_212 = arith.constant 0 : i32
    %dma_start3A_213 = tpu.memref_slice %arg19[%dma_start3A_211, %dma_start3A_212] : memref<1024x64xf32, #tpu.memory_space<vmem>> -> memref<128x64xf32, #tpu.memory_space<vmem>>
    %dma_start3A_214 = arith.constant 384 : i32
    %dma_start3A_215 = tpu.memref_slice %arg18[%dma_start3A_214] : memref<1024xi32, #tpu.memory_space<vmem>> -> memref<128xi32, #tpu.memory_space<vmem>>
    %dma_start3A_216 = arith.constant 0 : i32
    %dma_start3A_217 = arith.constant 0 : i32
    %dma_start3A_218 = tpu.memref_slice %arg8[%dma_start3A_216, %dma_start3A_217] : memref<32768x64xf32, #tpu.memory_space<hbm>> -> memref<32768x64xf32, #tpu.memory_space<hbm>>
    tpu.enqueue_indirect_dma source(%dma_start3A_218 : memref<32768x64xf32, #tpu.memory_space<hbm>>) target(%dma_start3A_213 : memref<128x64xf32, #tpu.memory_space<vmem>>) offsets(%dma_start3A_215 : memref<128xi32, #tpu.memory_space<vmem>>) semaphore(%arg21 : memref<!tpu.dma_semaphore, #tpu.memory_space<semaphore_mem>>)
    %dma_start3A_219 = arith.constant 512 : i32
    %dma_start3A_220 = arith.constant 0 : i32
    %dma_start3A_221 = tpu.memref_slice %arg19[%dma_start3A_219, %dma_start3A_220] : memref<1024x64xf32, #tpu.memory_space<vmem>> -> memref<128x64xf32, #tpu.memory_space<vmem>>
    %dma_start3A_222 = arith.constant 512 : i32
    %dma_start3A_223 = tpu.memref_slice %arg18[%dma_start3A_222] : memref<1024xi32, #tpu.memory_space<vmem>> -> memref<128xi32, #tpu.memory_space<vmem>>
    %dma_start3A_224 = arith.constant 0 : i32
    %dma_start3A_225 = arith.constant 0 : i32
    %dma_start3A_226 = tpu.memref_slice %arg8[%dma_start3A_224, %dma_start3A_225] : memref<32768x64xf32, #tpu.memory_space<hbm>> -> memref<32768x64xf32, #tpu.memory_space<hbm>>
    tpu.enqueue_indirect_dma source(%dma_start3A_226 : memref<32768x64xf32, #tpu.memory_space<hbm>>) target(%dma_start3A_221 : memref<128x64xf32, #tpu.memory_space<vmem>>) offsets(%dma_start3A_223 : memref<128xi32, #tpu.memory_space<vmem>>) semaphore(%arg21 : memref<!tpu.dma_semaphore, #tpu.memory_space<semaphore_mem>>)
    %dma_start3A_227 = arith.constant 640 : i32
    %dma_start3A_228 = arith.constant 0 : i32
    %dma_start3A_229 = tpu.memref_slice %arg19[%dma_start3A_227, %dma_start3A_228] : memref<1024x64xf32, #tpu.memory_space<vmem>> -> memref<128x64xf32, #tpu.memory_space<vmem>>
    %dma_start3A_230 = arith.constant 640 : i32
    %dma_start3A_231 = tpu.memref_slice %arg18[%dma_start3A_230] : memref<1024xi32, #tpu.memory_space<vmem>> -> memref<128xi32, #tpu.memory_space<vmem>>
    %dma_start3A_232 = arith.constant 0 : i32
    %dma_start3A_233 = arith.constant 0 : i32
    %dma_start3A_234 = tpu.memref_slice %arg8[%dma_start3A_232, %dma_start3A_233] : memref<32768x64xf32, #tpu.memory_space<hbm>> -> memref<32768x64xf32, #tpu.memory_space<hbm>>
    tpu.enqueue_indirect_dma source(%dma_start3A_234 : memref<32768x64xf32, #tpu.memory_space<hbm>>) target(%dma_start3A_229 : memref<128x64xf32, #tpu.memory_space<vmem>>) offsets(%dma_start3A_231 : memref<128xi32, #tpu.memory_space<vmem>>) semaphore(%arg21 : memref<!tpu.dma_semaphore, #tpu.memory_space<semaphore_mem>>)
    %dma_start3A_235 = arith.constant 768 : i32
    %dma_start3A_236 = arith.constant 0 : i32
    %dma_start3A_237 = tpu.memref_slice %arg19[%dma_start3A_235, %dma_start3A_236] : memref<1024x64xf32, #tpu.memory_space<vmem>> -> memref<128x64xf32, #tpu.memory_space<vmem>>
    %dma_start3A_238 = arith.constant 768 : i32
    %dma_start3A_239 = tpu.memref_slice %arg18[%dma_start3A_238] : memref<1024xi32, #tpu.memory_space<vmem>> -> memref<128xi32, #tpu.memory_space<vmem>>
    %dma_start3A_240 = arith.constant 0 : i32
    %dma_start3A_241 = arith.constant 0 : i32
    %dma_start3A_242 = tpu.memref_slice %arg8[%dma_start3A_240, %dma_start3A_241] : memref<32768x64xf32, #tpu.memory_space<hbm>> -> memref<32768x64xf32, #tpu.memory_space<hbm>>
    tpu.enqueue_indirect_dma source(%dma_start3A_242 : memref<32768x64xf32, #tpu.memory_space<hbm>>) target(%dma_start3A_237 : memref<128x64xf32, #tpu.memory_space<vmem>>) offsets(%dma_start3A_239 : memref<128xi32, #tpu.memory_space<vmem>>) semaphore(%arg21 : memref<!tpu.dma_semaphore, #tpu.memory_space<semaphore_mem>>)
    %dma_start3A_243 = arith.constant 896 : i32
    %dma_start3A_244 = arith.constant 0 : i32
    %dma_start3A_245 = tpu.memref_slice %arg19[%dma_start3A_243, %dma_start3A_244] : memref<1024x64xf32, #tpu.memory_space<vmem>> -> memref<128x64xf32, #tpu.memory_space<vmem>>
    %dma_start3A_246 = arith.constant 896 : i32
    %dma_start3A_247 = tpu.memref_slice %arg18[%dma_start3A_246] : memref<1024xi32, #tpu.memory_space<vmem>> -> memref<128xi32, #tpu.memory_space<vmem>>
    %dma_start3A_248 = arith.constant 0 : i32
    %dma_start3A_249 = arith.constant 0 : i32
    %dma_start3A_250 = tpu.memref_slice %arg8[%dma_start3A_248, %dma_start3A_249] : memref<32768x64xf32, #tpu.memory_space<hbm>> -> memref<32768x64xf32, #tpu.memory_space<hbm>>
    tpu.enqueue_indirect_dma source(%dma_start3A_250 : memref<32768x64xf32, #tpu.memory_space<hbm>>) target(%dma_start3A_245 : memref<128x64xf32, #tpu.memory_space<vmem>>) offsets(%dma_start3A_247 : memref<128xi32, #tpu.memory_space<vmem>>) semaphore(%arg21 : memref<!tpu.dma_semaphore, #tpu.memory_space<semaphore_mem>>)
    %dma_wait3A_251 = arith.constant 0 : i32
    %dma_wait3A_252 = arith.constant 0 : i32
    %dma_wait3A_253 = tpu.memref_slice %arg19[%dma_wait3A_251, %dma_wait3A_252] : memref<1024x64xf32, #tpu.memory_space<vmem>> -> memref<128x64xf32, #tpu.memory_space<vmem>>
    %dma_wait3A_254 = arith.constant 0 : i32
    %dma_wait3A_255 = tpu.memref_slice %arg18[%dma_wait3A_254] : memref<1024xi32, #tpu.memory_space<vmem>> -> memref<128xi32, #tpu.memory_space<vmem>>
    %dma_wait3A_256 = arith.constant 0 : i32
    %dma_wait3A_257 = arith.constant 0 : i32
    %dma_wait3A_258 = tpu.memref_slice %arg8[%dma_wait3A_256, %dma_wait3A_257] : memref<32768x64xf32, #tpu.memory_space<hbm>> -> memref<32768x64xf32, #tpu.memory_space<hbm>>
    tpu.wait_indirect_dma semaphore(%arg21 : memref<!tpu.dma_semaphore, #tpu.memory_space<semaphore_mem>>) src(%dma_wait3A_258 : memref<32768x64xf32, #tpu.memory_space<hbm>>) dst(%dma_wait3A_253 : memref<128x64xf32, #tpu.memory_space<vmem>>)
    %dma_wait3A_259 = arith.constant 128 : i32
    %dma_wait3A_260 = arith.constant 0 : i32
    %dma_wait3A_261 = tpu.memref_slice %arg19[%dma_wait3A_259, %dma_wait3A_260] : memref<1024x64xf32, #tpu.memory_space<vmem>> -> memref<128x64xf32, #tpu.memory_space<vmem>>
    %dma_wait3A_262 = arith.constant 128 : i32
    %dma_wait3A_263 = tpu.memref_slice %arg18[%dma_wait3A_262] : memref<1024xi32, #tpu.memory_space<vmem>> -> memref<128xi32, #tpu.memory_space<vmem>>
    %dma_wait3A_264 = arith.constant 0 : i32
    %dma_wait3A_265 = arith.constant 0 : i32
    %dma_wait3A_266 = tpu.memref_slice %arg8[%dma_wait3A_264, %dma_wait3A_265] : memref<32768x64xf32, #tpu.memory_space<hbm>> -> memref<32768x64xf32, #tpu.memory_space<hbm>>
    tpu.wait_indirect_dma semaphore(%arg21 : memref<!tpu.dma_semaphore, #tpu.memory_space<semaphore_mem>>) src(%dma_wait3A_266 : memref<32768x64xf32, #tpu.memory_space<hbm>>) dst(%dma_wait3A_261 : memref<128x64xf32, #tpu.memory_space<vmem>>)
    %dma_wait3A_267 = arith.constant 256 : i32
    %dma_wait3A_268 = arith.constant 0 : i32
    %dma_wait3A_269 = tpu.memref_slice %arg19[%dma_wait3A_267, %dma_wait3A_268] : memref<1024x64xf32, #tpu.memory_space<vmem>> -> memref<128x64xf32, #tpu.memory_space<vmem>>
    %dma_wait3A_270 = arith.constant 256 : i32
    %dma_wait3A_271 = tpu.memref_slice %arg18[%dma_wait3A_270] : memref<1024xi32, #tpu.memory_space<vmem>> -> memref<128xi32, #tpu.memory_space<vmem>>
    %dma_wait3A_272 = arith.constant 0 : i32
    %dma_wait3A_273 = arith.constant 0 : i32
    %dma_wait3A_274 = tpu.memref_slice %arg8[%dma_wait3A_272, %dma_wait3A_273] : memref<32768x64xf32, #tpu.memory_space<hbm>> -> memref<32768x64xf32, #tpu.memory_space<hbm>>
    tpu.wait_indirect_dma semaphore(%arg21 : memref<!tpu.dma_semaphore, #tpu.memory_space<semaphore_mem>>) src(%dma_wait3A_274 : memref<32768x64xf32, #tpu.memory_space<hbm>>) dst(%dma_wait3A_269 : memref<128x64xf32, #tpu.memory_space<vmem>>)
    %dma_wait3A_275 = arith.constant 384 : i32
    %dma_wait3A_276 = arith.constant 0 : i32
    %dma_wait3A_277 = tpu.memref_slice %arg19[%dma_wait3A_275, %dma_wait3A_276] : memref<1024x64xf32, #tpu.memory_space<vmem>> -> memref<128x64xf32, #tpu.memory_space<vmem>>
    %dma_wait3A_278 = arith.constant 384 : i32
    %dma_wait3A_279 = tpu.memref_slice %arg18[%dma_wait3A_278] : memref<1024xi32, #tpu.memory_space<vmem>> -> memref<128xi32, #tpu.memory_space<vmem>>
    %dma_wait3A_280 = arith.constant 0 : i32
    %dma_wait3A_281 = arith.constant 0 : i32
    %dma_wait3A_282 = tpu.memref_slice %arg8[%dma_wait3A_280, %dma_wait3A_281] : memref<32768x64xf32, #tpu.memory_space<hbm>> -> memref<32768x64xf32, #tpu.memory_space<hbm>>
    tpu.wait_indirect_dma semaphore(%arg21 : memref<!tpu.dma_semaphore, #tpu.memory_space<semaphore_mem>>) src(%dma_wait3A_282 : memref<32768x64xf32, #tpu.memory_space<hbm>>) dst(%dma_wait3A_277 : memref<128x64xf32, #tpu.memory_space<vmem>>)
    %dma_wait3A_283 = arith.constant 512 : i32
    %dma_wait3A_284 = arith.constant 0 : i32
    %dma_wait3A_285 = tpu.memref_slice %arg19[%dma_wait3A_283, %dma_wait3A_284] : memref<1024x64xf32, #tpu.memory_space<vmem>> -> memref<128x64xf32, #tpu.memory_space<vmem>>
    %dma_wait3A_286 = arith.constant 512 : i32
    %dma_wait3A_287 = tpu.memref_slice %arg18[%dma_wait3A_286] : memref<1024xi32, #tpu.memory_space<vmem>> -> memref<128xi32, #tpu.memory_space<vmem>>
    %dma_wait3A_288 = arith.constant 0 : i32
    %dma_wait3A_289 = arith.constant 0 : i32
    %dma_wait3A_290 = tpu.memref_slice %arg8[%dma_wait3A_288, %dma_wait3A_289] : memref<32768x64xf32, #tpu.memory_space<hbm>> -> memref<32768x64xf32, #tpu.memory_space<hbm>>
    tpu.wait_indirect_dma semaphore(%arg21 : memref<!tpu.dma_semaphore, #tpu.memory_space<semaphore_mem>>) src(%dma_wait3A_290 : memref<32768x64xf32, #tpu.memory_space<hbm>>) dst(%dma_wait3A_285 : memref<128x64xf32, #tpu.memory_space<vmem>>)
    %dma_wait3A_291 = arith.constant 640 : i32
    %dma_wait3A_292 = arith.constant 0 : i32
    %dma_wait3A_293 = tpu.memref_slice %arg19[%dma_wait3A_291, %dma_wait3A_292] : memref<1024x64xf32, #tpu.memory_space<vmem>> -> memref<128x64xf32, #tpu.memory_space<vmem>>
    %dma_wait3A_294 = arith.constant 640 : i32
    %dma_wait3A_295 = tpu.memref_slice %arg18[%dma_wait3A_294] : memref<1024xi32, #tpu.memory_space<vmem>> -> memref<128xi32, #tpu.memory_space<vmem>>
    %dma_wait3A_296 = arith.constant 0 : i32
    %dma_wait3A_297 = arith.constant 0 : i32
    %dma_wait3A_298 = tpu.memref_slice %arg8[%dma_wait3A_296, %dma_wait3A_297] : memref<32768x64xf32, #tpu.memory_space<hbm>> -> memref<32768x64xf32, #tpu.memory_space<hbm>>
    tpu.wait_indirect_dma semaphore(%arg21 : memref<!tpu.dma_semaphore, #tpu.memory_space<semaphore_mem>>) src(%dma_wait3A_298 : memref<32768x64xf32, #tpu.memory_space<hbm>>) dst(%dma_wait3A_293 : memref<128x64xf32, #tpu.memory_space<vmem>>)
    %dma_wait3A_299 = arith.constant 768 : i32
    %dma_wait3A_300 = arith.constant 0 : i32
    %dma_wait3A_301 = tpu.memref_slice %arg19[%dma_wait3A_299, %dma_wait3A_300] : memref<1024x64xf32, #tpu.memory_space<vmem>> -> memref<128x64xf32, #tpu.memory_space<vmem>>
    %dma_wait3A_302 = arith.constant 768 : i32
    %dma_wait3A_303 = tpu.memref_slice %arg18[%dma_wait3A_302] : memref<1024xi32, #tpu.memory_space<vmem>> -> memref<128xi32, #tpu.memory_space<vmem>>
    %dma_wait3A_304 = arith.constant 0 : i32
    %dma_wait3A_305 = arith.constant 0 : i32
    %dma_wait3A_306 = tpu.memref_slice %arg8[%dma_wait3A_304, %dma_wait3A_305] : memref<32768x64xf32, #tpu.memory_space<hbm>> -> memref<32768x64xf32, #tpu.memory_space<hbm>>
    tpu.wait_indirect_dma semaphore(%arg21 : memref<!tpu.dma_semaphore, #tpu.memory_space<semaphore_mem>>) src(%dma_wait3A_306 : memref<32768x64xf32, #tpu.memory_space<hbm>>) dst(%dma_wait3A_301 : memref<128x64xf32, #tpu.memory_space<vmem>>)
    %dma_wait3A_307 = arith.constant 896 : i32
    %dma_wait3A_308 = arith.constant 0 : i32
    %dma_wait3A_309 = tpu.memref_slice %arg19[%dma_wait3A_307, %dma_wait3A_308] : memref<1024x64xf32, #tpu.memory_space<vmem>> -> memref<128x64xf32, #tpu.memory_space<vmem>>
    %dma_wait3A_310 = arith.constant 896 : i32
    %dma_wait3A_311 = tpu.memref_slice %arg18[%dma_wait3A_310] : memref<1024xi32, #tpu.memory_space<vmem>> -> memref<128xi32, #tpu.memory_space<vmem>>
    %dma_wait3A_312 = arith.constant 0 : i32
    %dma_wait3A_313 = arith.constant 0 : i32
    %dma_wait3A_314 = tpu.memref_slice %arg8[%dma_wait3A_312, %dma_wait3A_313] : memref<32768x64xf32, #tpu.memory_space<hbm>> -> memref<32768x64xf32, #tpu.memory_space<hbm>>
    tpu.wait_indirect_dma semaphore(%arg21 : memref<!tpu.dma_semaphore, #tpu.memory_space<semaphore_mem>>) src(%dma_wait3A_314 : memref<32768x64xf32, #tpu.memory_space<hbm>>) dst(%dma_wait3A_309 : memref<128x64xf32, #tpu.memory_space<vmem>>)
    %add3A_315 = arith.constant 1024 : i32
    %add3A_316 = arith.addi %mul3A_45, %add3A_315 : i32
    "tpu.region"() ({
      %run_scoped3A = tpu.sem_alloc : memref<!tpu.dma_semaphore, #tpu.memory_space<semaphore_mem>>
      %dma_start3A_591 = arith.constant 0 : i32
      %dma_start3A_592 = tpu.memref_slice %arg9[%add3A_316, %dma_start3A_591] : memref<131072x64xf32, #tpu.memory_space<hbm>> -> memref<1024x64xf32, #tpu.memory_space<hbm>>
      %dma_start3A_593 = arith.constant 0 : i32
      %dma_start3A_594 = tpu.memref_slice %arg9[%add3A_316, %dma_start3A_593] : memref<131072x64xf32, #tpu.memory_space<hbm>> -> memref<1024x64xf32, #tpu.memory_space<hbm>>
      tpu.enqueue_dma source(%arg19 : memref<1024x64xf32, #tpu.memory_space<vmem>>) target(%dma_start3A_594 : memref<1024x64xf32, #tpu.memory_space<hbm>>) target_semaphore(%run_scoped3A : memref<!tpu.dma_semaphore, #tpu.memory_space<semaphore_mem>>)
      %dma_wait3A_595 = arith.constant 0 : i32
      %dma_wait3A_596 = tpu.memref_slice %arg9[%add3A_316, %dma_wait3A_595] : memref<131072x64xf32, #tpu.memory_space<hbm>> -> memref<1024x64xf32, #tpu.memory_space<hbm>>
      %dma_wait3A_597 = arith.constant 0 : i32
      %dma_wait3A_598 = tpu.memref_slice %arg9[%add3A_316, %dma_wait3A_597] : memref<131072x64xf32, #tpu.memory_space<hbm>> -> memref<1024x64xf32, #tpu.memory_space<hbm>>
      tpu.wait_dma2 semaphore(%run_scoped3A : memref<!tpu.dma_semaphore, #tpu.memory_space<semaphore_mem>>) src(%arg19 : memref<1024x64xf32, #tpu.memory_space<vmem>>) dst(%dma_wait3A_598 : memref<1024x64xf32, #tpu.memory_space<hbm>>)
      tpu.yield
    }) : () -> ()
    "tpu.region"() ({
      %run_scoped3A = tpu.sem_alloc : memref<!tpu.dma_semaphore, #tpu.memory_space<semaphore_mem>>
      %dma_start3A_591 = arith.constant 0 : i32
      %dma_start3A_592 = tpu.memref_slice %arg10[%dma_start3A_591, %add3A_316] : memref<3x131072xf32, #tpu.memory_space<hbm>> -> memref<3x1024xf32, #tpu.memory_space<hbm>>
      %dma_start3A_593 = arith.constant 0 : i32
      %dma_start3A_594 = tpu.memref_slice %arg10[%dma_start3A_593, %add3A_316] : memref<3x131072xf32, #tpu.memory_space<hbm>> -> memref<3x1024xf32, #tpu.memory_space<hbm>>
      tpu.enqueue_dma source(%arg20 : memref<3x1024xf32, #tpu.memory_space<vmem>>) target(%dma_start3A_594 : memref<3x1024xf32, #tpu.memory_space<hbm>>) target_semaphore(%run_scoped3A : memref<!tpu.dma_semaphore, #tpu.memory_space<semaphore_mem>>)
      %dma_wait3A_595 = arith.constant 0 : i32
      %dma_wait3A_596 = tpu.memref_slice %arg10[%dma_wait3A_595, %add3A_316] : memref<3x131072xf32, #tpu.memory_space<hbm>> -> memref<3x1024xf32, #tpu.memory_space<hbm>>
      %dma_wait3A_597 = arith.constant 0 : i32
      %dma_wait3A_598 = tpu.memref_slice %arg10[%dma_wait3A_597, %add3A_316] : memref<3x131072xf32, #tpu.memory_space<hbm>> -> memref<3x1024xf32, #tpu.memory_space<hbm>>
      tpu.wait_dma2 semaphore(%run_scoped3A : memref<!tpu.dma_semaphore, #tpu.memory_space<semaphore_mem>>) src(%arg20 : memref<3x1024xf32, #tpu.memory_space<vmem>>) dst(%dma_wait3A_598 : memref<3x1024xf32, #tpu.memory_space<hbm>>)
      tpu.yield
    }) : () -> ()
    %scan3A_317 = arith.constant 0 : i32
    %scan3A_318 = arith.constant 0 : i32
    %scan3A_319 = arith.constant 32 : i32
    %scan3A_320 = arith.addi %scan3A_318, %scan3A_319 : i32
    %scan3A_321 = arith.constant 1 : i32
    %scan3A_322 = scf.for %scan3A_591 = %scan3A_318 to %scan3A_320 step %scan3A_321 iter_args(%scan3A_592 = %scan3A_317) -> (i32)  : i32 {
      %add3A_593 = arith.constant 64 : i32
      %add3A_594 = arith.addi %add3A_593, %scan3A_591 : i32
      %mul3A_595 = arith.constant 16 : i32
      %mul3A_596 = arith.muli %add3A_594, %mul3A_595 : i32
      %get3A = arith.index_cast %mul3A_596 : i32 to index
      %get3A_597 = tpu.vector_load %arg14[%get3A] {strides = array<i32>} : memref<2048xf32, #tpu.memory_space<vmem>>, vector<16xf32>,
      %mul3A_598 = arith.constant 16 : i32
      %mul3A_599 = arith.muli %add3A_594, %mul3A_598 : i32
      %get3A_600 = arith.index_cast %mul3A_599 : i32 to index
      %get3A_601 = tpu.vector_load %arg15[%get3A_600] {strides = array<i32>} : memref<2048xf32, #tpu.memory_space<vmem>>, vector<16xf32>,
      %mul3A_602 = arith.constant 16 : i32
      %mul3A_603 = arith.muli %add3A_594, %mul3A_602 : i32
      %get3A_604 = arith.index_cast %mul3A_603 : i32 to index
      %get3A_605 = tpu.vector_load %arg16[%get3A_604] {strides = array<i32>} : memref<2048xf32, #tpu.memory_space<vmem>>, vector<16xf32>,
      %mul3A_606 = arith.constant 48 : i32
      %mul3A_607 = arith.muli %scan3A_591, %mul3A_606 : i32
      %while3A = arith.constant 0 : i32
      %while3A_608 = arith.constant 0 : i32
      %while3A_609:2 = scf.while (%while3A_678 = %while3A, %while3A_679 = %while3A_608) : (i32, i32) -> (i32, i32) {
        %lt3A_680 = arith.constant 256 : i32
        %lt3A_681 = arith.cmpi slt, %while3A_678, %lt3A_680 : i32
        %lt3A_682 = arith.constant 32 : i32
        %lt3A_683 = arith.cmpi slt, %while3A_679, %lt3A_682 : i32
        %and3A_684 = arith.andi %lt3A_681, %lt3A_683 : i1
        scf.condition(%and3A_684) %while3A_678, %while3A_679 : i32, i32
      } do {
      ^bb0(%while3A_678: i32, %while3A_679: i32):
        %mul3A_680 = arith.constant 16 : i32
        %mul3A_681 = arith.muli %while3A_678, %mul3A_680 : i32
        %get3A_682 = arith.index_cast %mul3A_681 : i32 to index
        %get3A_683 = tpu.vector_load %arg11[%get3A_682] {strides = array<i32>} : memref<4096xf32, #tpu.memory_space<vmem>>, vector<16xf32>,
        %sub3A_684 = arith.subf %get3A_683, %get3A_597 : vector<16xf32>
        %get3A_685 = arith.index_cast %mul3A_681 : i32 to index
        %get3A_686 = tpu.vector_load %arg12[%get3A_685] {strides = array<i32>} : memref<4096xf32, #tpu.memory_space<vmem>>, vector<16xf32>,
        %sub3A_687 = arith.subf %get3A_686, %get3A_601 : vector<16xf32>
        %get3A_688 = arith.index_cast %mul3A_681 : i32 to index
        %get3A_689 = tpu.vector_load %arg13[%get3A_688] {strides = array<i32>} : memref<4096xf32, #tpu.memory_space<vmem>>, vector<16xf32>,
        %sub3A_690 = arith.subf %get3A_689, %get3A_605 : vector<16xf32>
        %mul3A_691 = arith.mulf %sub3A_684, %sub3A_684 : vector<16xf32>
        %mul3A_692 = arith.mulf %sub3A_687, %sub3A_687 : vector<16xf32>
        %add3A_693 = arith.addf %mul3A_691, %mul3A_692 : vector<16xf32>
        %mul3A_694 = arith.mulf %sub3A_690, %sub3A_690 : vector<16xf32>
        %add3A_695 = arith.addf %add3A_693, %mul3A_694 : vector<16xf32>
        %le3A = arith.constant 1.600000e-01 : f32
        %le3A_696 = vector.broadcast %le3A : f32 to vector<16xf32>
        %le3A_697 = arith.cmpf ole, %add3A_695, %le3A_696 : vector<16xf32>
        %convert_element_type3A = arith.extui %le3A_697 : vector<16xi1> to vector<16xi32>
        %broadcast_in_dim3A_698 = arith.constant true
        %broadcast_in_dim3A_699 = vector.broadcast %broadcast_in_dim3A_698 : i1 to vector<16xi1>
        %masked_cumsum3A = tpu.scan <sum>, %convert_element_type3A masked %broadcast_in_dim3A_699 : vector<16xi32>, vector<16xi1> -> vector<16xi32>
        %reduce_max3A = arith.constant true
        %reduce_max3A_700 = vector.broadcast %reduce_max3A : i1 to vector<16xi1>
        %reduce_max3A_701 = arith.constant -2147483648 : i32
        %reduce_max3A_702 = vector.broadcast %reduce_max3A_701 : i32 to vector<16xi32>
        %reduce_max3A_703 = arith.xori %masked_cumsum3A, %reduce_max3A_702 : vector<16xi32>
        %reduce_max3A_704 = tpu.scan <max>, %reduce_max3A_703 masked %reduce_max3A_700 : vector<16xi32>, vector<16xi1> -> vector<16xi32>
        %reduce_max3A_705 = arith.xori %reduce_max3A_704, %reduce_max3A_702 : vector<16xi32>
        %reduce_max3A_706 = vector.extract %reduce_max3A_705[15] : i32 from vector<16xi32>
        %sub3A_707 = arith.constant 1 : i32
        %sub3A_708 = arith.subi %while3A_679, %sub3A_707 : i32
        %add3A_709 = arith.addi %mul3A_607, %sub3A_708 : i32
        %add3A_710 = vector.broadcast %add3A_709 : i32 to vector<16xi32>
        %add3A_711 = arith.addi %add3A_710, %masked_cumsum3A : vector<16xi32>
        %add3A_712 = vector.broadcast %mul3A_681 : i32 to vector<16xi32>
        %add3A_713 = arith.addi %iota3A, %add3A_712 : vector<16xi32>
        tpu.vector_store_idx %arg17[%add3A_711], %add3A_713 masked %le3A_697 : memref<1536xi32, #tpu.memory_space<vmem>>[vector<16xi32>], vector<16xi32>, vector<16xi1>
        %add3A_714 = arith.constant 1 : i32
        %add3A_715 = arith.addi %while3A_678, %add3A_714 : i32
        %add3A_716 = arith.addi %while3A_679, %reduce_max3A_706 : i32
        scf.yield %add3A_715, %add3A_716 : i32, i32
      }
      %get3A_610 = arith.index_cast %mul3A_607 : i32 to index
      %get3A_611 = tpu.vector_load %arg17[%get3A_610] {strides = array<i32>} : memref<1536xi32, #tpu.memory_space<vmem>>, vector<16xi32>,
      %slice3A = vector.extract_strided_slice %get3A_611 {offsets = [0], sizes = [1], strides = [1]} : vector<16xi32> to vector<1xi32>
      %squeeze3A = vector.extract %slice3A[0] : i32 from vector<1xi32>
      %mul3A_612 = arith.constant 32 : i32
      %mul3A_613 = arith.muli %scan3A_591, %mul3A_612 : i32
      %add3A_614 = arith.constant 0 : i32
      %add3A_615 = vector.broadcast %add3A_614 : i32 to vector<16xi32>
      %add3A_616 = arith.addi %iota3A, %add3A_615 : vector<16xi32>
      %lt3A_617 = vector.broadcast %while3A_609#1 : i32 to vector<16xi32>
      %lt3A_618 = arith.cmpi slt, %add3A_616, %lt3A_617 : vector<16xi32>
      %broadcast_in_dim3A = vector.broadcast %squeeze3A : i32 to vector<16xi32>
      %select_n3A_619 = arith.select %lt3A_618, %get3A_611, %broadcast_in_dim3A : vector<16xi1>, vector<16xi32>
      %add3A_620 = arith.constant 0 : i32
      %add3A_621 = arith.addi %mul3A_613, %add3A_620 : i32
      %add3A_622 = vector.broadcast %mul3A_40 : i32 to vector<16xi32>
      %add3A_623 = arith.addi %select_n3A_619, %add3A_622 : vector<16xi32>
      %swap3A = arith.index_cast %add3A_621 : i32 to index
      %swap3A_624 = tpu.vector_load %arg18[%swap3A] {strides = array<i32>} : memref<1024xi32, #tpu.memory_space<vmem>>, vector<16xi32>,
      tpu.vector_store %arg18[%swap3A], %add3A_623 {strides = array<i32>} : memref<1024xi32, #tpu.memory_space<vmem>>, vector<16xi32>,
      %gather3A = tpu.vector_load_idx %arg11[%select_n3A_619] : memref<4096xf32, #tpu.memory_space<vmem>>[vector<16xi32>], vector<16xf32>,
      %sub3A_625 = arith.subf %gather3A, %get3A_597 : vector<16xf32>
      %gather3A_626 = tpu.vector_load_idx %arg12[%select_n3A_619] : memref<4096xf32, #tpu.memory_space<vmem>>[vector<16xi32>], vector<16xf32>,
      %sub3A_627 = arith.subf %gather3A_626, %get3A_601 : vector<16xf32>
      %gather3A_628 = tpu.vector_load_idx %arg13[%select_n3A_619] : memref<4096xf32, #tpu.memory_space<vmem>>[vector<16xi32>], vector<16xf32>,
      %sub3A_629 = arith.subf %gather3A_628, %get3A_605 : vector<16xf32>
      %swap3A_630 = arith.constant 0 : i32
      %swap3A_631 = arith.index_cast %swap3A_630 : i32 to index
      %swap3A_632 = arith.index_cast %add3A_621 : i32 to index
      %swap3A_633 = tpu.vector_load %arg20[%swap3A_631, %swap3A_632] {strides = array<i32>} : memref<3x1024xf32, #tpu.memory_space<vmem>>, vector<16xf32>,
      tpu.vector_store %arg20[%swap3A_631, %swap3A_632], %sub3A_625 {strides = array<i32>} : memref<3x1024xf32, #tpu.memory_space<vmem>>, vector<16xf32>,
      %swap3A_634 = arith.constant 1 : i32
      %swap3A_635 = arith.index_cast %swap3A_634 : i32 to index
      %swap3A_636 = arith.index_cast %add3A_621 : i32 to index
      %swap3A_637 = tpu.vector_load %arg20[%swap3A_635, %swap3A_636] {strides = array<i32>} : memref<3x1024xf32, #tpu.memory_space<vmem>>, vector<16xf32>,
      tpu.vector_store %arg20[%swap3A_635, %swap3A_636], %sub3A_627 {strides = array<i32>} : memref<3x1024xf32, #tpu.memory_space<vmem>>, vector<16xf32>,
      %swap3A_638 = arith.constant 2 : i32
      %swap3A_639 = arith.index_cast %swap3A_638 : i32 to index
      %swap3A_640 = arith.index_cast %add3A_621 : i32 to index
      %swap3A_641 = tpu.vector_load %arg20[%swap3A_639, %swap3A_640] {strides = array<i32>} : memref<3x1024xf32, #tpu.memory_space<vmem>>, vector<16xf32>,
      tpu.vector_store %arg20[%swap3A_639, %swap3A_640], %sub3A_629 {strides = array<i32>} : memref<3x1024xf32, #tpu.memory_space<vmem>>, vector<16xf32>,
      %add3A_642 = arith.constant 16 : i32
      %add3A_643 = arith.addi %mul3A_607, %add3A_642 : i32
      %get3A_644 = arith.index_cast %add3A_643 : i32 to index
      %get3A_645 = tpu.vector_load %arg17[%get3A_644] {strides = array<i32>} : memref<1536xi32, #tpu.memory_space<vmem>>, vector<16xi32>,
      %add3A_646 = arith.constant 16 : i32
      %add3A_647 = vector.broadcast %add3A_646 : i32 to vector<16xi32>
      %add3A_648 = arith.addi %iota3A, %add3A_647 : vector<16xi32>
      %lt3A_649 = vector.broadcast %while3A_609#1 : i32 to vector<16xi32>
      %lt3A_650 = arith.cmpi slt, %add3A_648, %lt3A_649 : vector<16xi32>
      %broadcast_in_dim3A_651 = vector.broadcast %squeeze3A : i32 to vector<16xi32>
      %select_n3A_652 = arith.select %lt3A_650, %get3A_645, %broadcast_in_dim3A_651 : vector<16xi1>, vector<16xi32>
      %add3A_653 = arith.constant 16 : i32
      %add3A_654 = arith.addi %mul3A_613, %add3A_653 : i32
      %add3A_655 = vector.broadcast %mul3A_40 : i32 to vector<16xi32>
      %add3A_656 = arith.addi %select_n3A_652, %add3A_655 : vector<16xi32>
      %swap3A_657 = arith.index_cast %add3A_654 : i32 to index
      %swap3A_658 = tpu.vector_load %arg18[%swap3A_657] {strides = array<i32>} : memref<1024xi32, #tpu.memory_space<vmem>>, vector<16xi32>,
      tpu.vector_store %arg18[%swap3A_657], %add3A_656 {strides = array<i32>} : memref<1024xi32, #tpu.memory_space<vmem>>, vector<16xi32>,
      %gather3A_659 = tpu.vector_load_idx %arg11[%select_n3A_652] : memref<4096xf32, #tpu.memory_space<vmem>>[vector<16xi32>], vector<16xf32>,
      %sub3A_660 = arith.subf %gather3A_659, %get3A_597 : vector<16xf32>
      %gather3A_661 = tpu.vector_load_idx %arg12[%select_n3A_652] : memref<4096xf32, #tpu.memory_space<vmem>>[vector<16xi32>], vector<16xf32>,
      %sub3A_662 = arith.subf %gather3A_661, %get3A_601 : vector<16xf32>
      %gather3A_663 = tpu.vector_load_idx %arg13[%select_n3A_652] : memref<4096xf32, #tpu.memory_space<vmem>>[vector<16xi32>], vector<16xf32>,
      %sub3A_664 = arith.subf %gather3A_663, %get3A_605 : vector<16xf32>
      %swap3A_665 = arith.constant 0 : i32
      %swap3A_666 = arith.index_cast %swap3A_665 : i32 to index
      %swap3A_667 = arith.index_cast %add3A_654 : i32 to index
      %swap3A_668 = tpu.vector_load %arg20[%swap3A_666, %swap3A_667] {strides = array<i32>} : memref<3x1024xf32, #tpu.memory_space<vmem>>, vector<16xf32>,
      tpu.vector_store %arg20[%swap3A_666, %swap3A_667], %sub3A_660 {strides = array<i32>} : memref<3x1024xf32, #tpu.memory_space<vmem>>, vector<16xf32>,
      %swap3A_669 = arith.constant 1 : i32
      %swap3A_670 = arith.index_cast %swap3A_669 : i32 to index
      %swap3A_671 = arith.index_cast %add3A_654 : i32 to index
      %swap3A_672 = tpu.vector_load %arg20[%swap3A_670, %swap3A_671] {strides = array<i32>} : memref<3x1024xf32, #tpu.memory_space<vmem>>, vector<16xf32>,
      tpu.vector_store %arg20[%swap3A_670, %swap3A_671], %sub3A_662 {strides = array<i32>} : memref<3x1024xf32, #tpu.memory_space<vmem>>, vector<16xf32>,
      %swap3A_673 = arith.constant 2 : i32
      %swap3A_674 = arith.index_cast %swap3A_673 : i32 to index
      %swap3A_675 = arith.index_cast %add3A_654 : i32 to index
      %swap3A_676 = tpu.vector_load %arg20[%swap3A_674, %swap3A_675] {strides = array<i32>} : memref<3x1024xf32, #tpu.memory_space<vmem>>, vector<16xf32>,
      tpu.vector_store %arg20[%swap3A_674, %swap3A_675], %sub3A_664 {strides = array<i32>} : memref<3x1024xf32, #tpu.memory_space<vmem>>, vector<16xf32>,
      %scan3A_677 = arith.constant 0 : i32
      scf.yield %scan3A_677 : i32
    }
    %scan3A_323 = arith.constant 32 : i32
    %dma_start3A_324 = arith.constant 0 : i32
    %dma_start3A_325 = arith.constant 0 : i32
    %dma_start3A_326 = tpu.memref_slice %arg19[%dma_start3A_324, %dma_start3A_325] : memref<1024x64xf32, #tpu.memory_space<vmem>> -> memref<128x64xf32, #tpu.memory_space<vmem>>
    %dma_start3A_327 = arith.constant 0 : i32
    %dma_start3A_328 = tpu.memref_slice %arg18[%dma_start3A_327] : memref<1024xi32, #tpu.memory_space<vmem>> -> memref<128xi32, #tpu.memory_space<vmem>>
    %dma_start3A_329 = arith.constant 0 : i32
    %dma_start3A_330 = arith.constant 0 : i32
    %dma_start3A_331 = tpu.memref_slice %arg8[%dma_start3A_329, %dma_start3A_330] : memref<32768x64xf32, #tpu.memory_space<hbm>> -> memref<32768x64xf32, #tpu.memory_space<hbm>>
    tpu.enqueue_indirect_dma source(%dma_start3A_331 : memref<32768x64xf32, #tpu.memory_space<hbm>>) target(%dma_start3A_326 : memref<128x64xf32, #tpu.memory_space<vmem>>) offsets(%dma_start3A_328 : memref<128xi32, #tpu.memory_space<vmem>>) semaphore(%arg21 : memref<!tpu.dma_semaphore, #tpu.memory_space<semaphore_mem>>)
    %dma_start3A_332 = arith.constant 128 : i32
    %dma_start3A_333 = arith.constant 0 : i32
    %dma_start3A_334 = tpu.memref_slice %arg19[%dma_start3A_332, %dma_start3A_333] : memref<1024x64xf32, #tpu.memory_space<vmem>> -> memref<128x64xf32, #tpu.memory_space<vmem>>
    %dma_start3A_335 = arith.constant 128 : i32
    %dma_start3A_336 = tpu.memref_slice %arg18[%dma_start3A_335] : memref<1024xi32, #tpu.memory_space<vmem>> -> memref<128xi32, #tpu.memory_space<vmem>>
    %dma_start3A_337 = arith.constant 0 : i32
    %dma_start3A_338 = arith.constant 0 : i32
    %dma_start3A_339 = tpu.memref_slice %arg8[%dma_start3A_337, %dma_start3A_338] : memref<32768x64xf32, #tpu.memory_space<hbm>> -> memref<32768x64xf32, #tpu.memory_space<hbm>>
    tpu.enqueue_indirect_dma source(%dma_start3A_339 : memref<32768x64xf32, #tpu.memory_space<hbm>>) target(%dma_start3A_334 : memref<128x64xf32, #tpu.memory_space<vmem>>) offsets(%dma_start3A_336 : memref<128xi32, #tpu.memory_space<vmem>>) semaphore(%arg21 : memref<!tpu.dma_semaphore, #tpu.memory_space<semaphore_mem>>)
    %dma_start3A_340 = arith.constant 256 : i32
    %dma_start3A_341 = arith.constant 0 : i32
    %dma_start3A_342 = tpu.memref_slice %arg19[%dma_start3A_340, %dma_start3A_341] : memref<1024x64xf32, #tpu.memory_space<vmem>> -> memref<128x64xf32, #tpu.memory_space<vmem>>
    %dma_start3A_343 = arith.constant 256 : i32
    %dma_start3A_344 = tpu.memref_slice %arg18[%dma_start3A_343] : memref<1024xi32, #tpu.memory_space<vmem>> -> memref<128xi32, #tpu.memory_space<vmem>>
    %dma_start3A_345 = arith.constant 0 : i32
    %dma_start3A_346 = arith.constant 0 : i32
    %dma_start3A_347 = tpu.memref_slice %arg8[%dma_start3A_345, %dma_start3A_346] : memref<32768x64xf32, #tpu.memory_space<hbm>> -> memref<32768x64xf32, #tpu.memory_space<hbm>>
    tpu.enqueue_indirect_dma source(%dma_start3A_347 : memref<32768x64xf32, #tpu.memory_space<hbm>>) target(%dma_start3A_342 : memref<128x64xf32, #tpu.memory_space<vmem>>) offsets(%dma_start3A_344 : memref<128xi32, #tpu.memory_space<vmem>>) semaphore(%arg21 : memref<!tpu.dma_semaphore, #tpu.memory_space<semaphore_mem>>)
    %dma_start3A_348 = arith.constant 384 : i32
    %dma_start3A_349 = arith.constant 0 : i32
    %dma_start3A_350 = tpu.memref_slice %arg19[%dma_start3A_348, %dma_start3A_349] : memref<1024x64xf32, #tpu.memory_space<vmem>> -> memref<128x64xf32, #tpu.memory_space<vmem>>
    %dma_start3A_351 = arith.constant 384 : i32
    %dma_start3A_352 = tpu.memref_slice %arg18[%dma_start3A_351] : memref<1024xi32, #tpu.memory_space<vmem>> -> memref<128xi32, #tpu.memory_space<vmem>>
    %dma_start3A_353 = arith.constant 0 : i32
    %dma_start3A_354 = arith.constant 0 : i32
    %dma_start3A_355 = tpu.memref_slice %arg8[%dma_start3A_353, %dma_start3A_354] : memref<32768x64xf32, #tpu.memory_space<hbm>> -> memref<32768x64xf32, #tpu.memory_space<hbm>>
    tpu.enqueue_indirect_dma source(%dma_start3A_355 : memref<32768x64xf32, #tpu.memory_space<hbm>>) target(%dma_start3A_350 : memref<128x64xf32, #tpu.memory_space<vmem>>) offsets(%dma_start3A_352 : memref<128xi32, #tpu.memory_space<vmem>>) semaphore(%arg21 : memref<!tpu.dma_semaphore, #tpu.memory_space<semaphore_mem>>)
    %dma_start3A_356 = arith.constant 512 : i32
    %dma_start3A_357 = arith.constant 0 : i32
    %dma_start3A_358 = tpu.memref_slice %arg19[%dma_start3A_356, %dma_start3A_357] : memref<1024x64xf32, #tpu.memory_space<vmem>> -> memref<128x64xf32, #tpu.memory_space<vmem>>
    %dma_start3A_359 = arith.constant 512 : i32
    %dma_start3A_360 = tpu.memref_slice %arg18[%dma_start3A_359] : memref<1024xi32, #tpu.memory_space<vmem>> -> memref<128xi32, #tpu.memory_space<vmem>>
    %dma_start3A_361 = arith.constant 0 : i32
    %dma_start3A_362 = arith.constant 0 : i32
    %dma_start3A_363 = tpu.memref_slice %arg8[%dma_start3A_361, %dma_start3A_362] : memref<32768x64xf32, #tpu.memory_space<hbm>> -> memref<32768x64xf32, #tpu.memory_space<hbm>>
    tpu.enqueue_indirect_dma source(%dma_start3A_363 : memref<32768x64xf32, #tpu.memory_space<hbm>>) target(%dma_start3A_358 : memref<128x64xf32, #tpu.memory_space<vmem>>) offsets(%dma_start3A_360 : memref<128xi32, #tpu.memory_space<vmem>>) semaphore(%arg21 : memref<!tpu.dma_semaphore, #tpu.memory_space<semaphore_mem>>)
    %dma_start3A_364 = arith.constant 640 : i32
    %dma_start3A_365 = arith.constant 0 : i32
    %dma_start3A_366 = tpu.memref_slice %arg19[%dma_start3A_364, %dma_start3A_365] : memref<1024x64xf32, #tpu.memory_space<vmem>> -> memref<128x64xf32, #tpu.memory_space<vmem>>
    %dma_start3A_367 = arith.constant 640 : i32
    %dma_start3A_368 = tpu.memref_slice %arg18[%dma_start3A_367] : memref<1024xi32, #tpu.memory_space<vmem>> -> memref<128xi32, #tpu.memory_space<vmem>>
    %dma_start3A_369 = arith.constant 0 : i32
    %dma_start3A_370 = arith.constant 0 : i32
    %dma_start3A_371 = tpu.memref_slice %arg8[%dma_start3A_369, %dma_start3A_370] : memref<32768x64xf32, #tpu.memory_space<hbm>> -> memref<32768x64xf32, #tpu.memory_space<hbm>>
    tpu.enqueue_indirect_dma source(%dma_start3A_371 : memref<32768x64xf32, #tpu.memory_space<hbm>>) target(%dma_start3A_366 : memref<128x64xf32, #tpu.memory_space<vmem>>) offsets(%dma_start3A_368 : memref<128xi32, #tpu.memory_space<vmem>>) semaphore(%arg21 : memref<!tpu.dma_semaphore, #tpu.memory_space<semaphore_mem>>)
    %dma_start3A_372 = arith.constant 768 : i32
    %dma_start3A_373 = arith.constant 0 : i32
    %dma_start3A_374 = tpu.memref_slice %arg19[%dma_start3A_372, %dma_start3A_373] : memref<1024x64xf32, #tpu.memory_space<vmem>> -> memref<128x64xf32, #tpu.memory_space<vmem>>
    %dma_start3A_375 = arith.constant 768 : i32
    %dma_start3A_376 = tpu.memref_slice %arg18[%dma_start3A_375] : memref<1024xi32, #tpu.memory_space<vmem>> -> memref<128xi32, #tpu.memory_space<vmem>>
    %dma_start3A_377 = arith.constant 0 : i32
    %dma_start3A_378 = arith.constant 0 : i32
    %dma_start3A_379 = tpu.memref_slice %arg8[%dma_start3A_377, %dma_start3A_378] : memref<32768x64xf32, #tpu.memory_space<hbm>> -> memref<32768x64xf32, #tpu.memory_space<hbm>>
    tpu.enqueue_indirect_dma source(%dma_start3A_379 : memref<32768x64xf32, #tpu.memory_space<hbm>>) target(%dma_start3A_374 : memref<128x64xf32, #tpu.memory_space<vmem>>) offsets(%dma_start3A_376 : memref<128xi32, #tpu.memory_space<vmem>>) semaphore(%arg21 : memref<!tpu.dma_semaphore, #tpu.memory_space<semaphore_mem>>)
    %dma_start3A_380 = arith.constant 896 : i32
    %dma_start3A_381 = arith.constant 0 : i32
    %dma_start3A_382 = tpu.memref_slice %arg19[%dma_start3A_380, %dma_start3A_381] : memref<1024x64xf32, #tpu.memory_space<vmem>> -> memref<128x64xf32, #tpu.memory_space<vmem>>
    %dma_start3A_383 = arith.constant 896 : i32
    %dma_start3A_384 = tpu.memref_slice %arg18[%dma_start3A_383] : memref<1024xi32, #tpu.memory_space<vmem>> -> memref<128xi32, #tpu.memory_space<vmem>>
    %dma_start3A_385 = arith.constant 0 : i32
    %dma_start3A_386 = arith.constant 0 : i32
    %dma_start3A_387 = tpu.memref_slice %arg8[%dma_start3A_385, %dma_start3A_386] : memref<32768x64xf32, #tpu.memory_space<hbm>> -> memref<32768x64xf32, #tpu.memory_space<hbm>>
    tpu.enqueue_indirect_dma source(%dma_start3A_387 : memref<32768x64xf32, #tpu.memory_space<hbm>>) target(%dma_start3A_382 : memref<128x64xf32, #tpu.memory_space<vmem>>) offsets(%dma_start3A_384 : memref<128xi32, #tpu.memory_space<vmem>>) semaphore(%arg21 : memref<!tpu.dma_semaphore, #tpu.memory_space<semaphore_mem>>)
    %dma_wait3A_388 = arith.constant 0 : i32
    %dma_wait3A_389 = arith.constant 0 : i32
    %dma_wait3A_390 = tpu.memref_slice %arg19[%dma_wait3A_388, %dma_wait3A_389] : memref<1024x64xf32, #tpu.memory_space<vmem>> -> memref<128x64xf32, #tpu.memory_space<vmem>>
    %dma_wait3A_391 = arith.constant 0 : i32
    %dma_wait3A_392 = tpu.memref_slice %arg18[%dma_wait3A_391] : memref<1024xi32, #tpu.memory_space<vmem>> -> memref<128xi32, #tpu.memory_space<vmem>>
    %dma_wait3A_393 = arith.constant 0 : i32
    %dma_wait3A_394 = arith.constant 0 : i32
    %dma_wait3A_395 = tpu.memref_slice %arg8[%dma_wait3A_393, %dma_wait3A_394] : memref<32768x64xf32, #tpu.memory_space<hbm>> -> memref<32768x64xf32, #tpu.memory_space<hbm>>
    tpu.wait_indirect_dma semaphore(%arg21 : memref<!tpu.dma_semaphore, #tpu.memory_space<semaphore_mem>>) src(%dma_wait3A_395 : memref<32768x64xf32, #tpu.memory_space<hbm>>) dst(%dma_wait3A_390 : memref<128x64xf32, #tpu.memory_space<vmem>>)
    %dma_wait3A_396 = arith.constant 128 : i32
    %dma_wait3A_397 = arith.constant 0 : i32
    %dma_wait3A_398 = tpu.memref_slice %arg19[%dma_wait3A_396, %dma_wait3A_397] : memref<1024x64xf32, #tpu.memory_space<vmem>> -> memref<128x64xf32, #tpu.memory_space<vmem>>
    %dma_wait3A_399 = arith.constant 128 : i32
    %dma_wait3A_400 = tpu.memref_slice %arg18[%dma_wait3A_399] : memref<1024xi32, #tpu.memory_space<vmem>> -> memref<128xi32, #tpu.memory_space<vmem>>
    %dma_wait3A_401 = arith.constant 0 : i32
    %dma_wait3A_402 = arith.constant 0 : i32
    %dma_wait3A_403 = tpu.memref_slice %arg8[%dma_wait3A_401, %dma_wait3A_402] : memref<32768x64xf32, #tpu.memory_space<hbm>> -> memref<32768x64xf32, #tpu.memory_space<hbm>>
    tpu.wait_indirect_dma semaphore(%arg21 : memref<!tpu.dma_semaphore, #tpu.memory_space<semaphore_mem>>) src(%dma_wait3A_403 : memref<32768x64xf32, #tpu.memory_space<hbm>>) dst(%dma_wait3A_398 : memref<128x64xf32, #tpu.memory_space<vmem>>)
    %dma_wait3A_404 = arith.constant 256 : i32
    %dma_wait3A_405 = arith.constant 0 : i32
    %dma_wait3A_406 = tpu.memref_slice %arg19[%dma_wait3A_404, %dma_wait3A_405] : memref<1024x64xf32, #tpu.memory_space<vmem>> -> memref<128x64xf32, #tpu.memory_space<vmem>>
    %dma_wait3A_407 = arith.constant 256 : i32
    %dma_wait3A_408 = tpu.memref_slice %arg18[%dma_wait3A_407] : memref<1024xi32, #tpu.memory_space<vmem>> -> memref<128xi32, #tpu.memory_space<vmem>>
    %dma_wait3A_409 = arith.constant 0 : i32
    %dma_wait3A_410 = arith.constant 0 : i32
    %dma_wait3A_411 = tpu.memref_slice %arg8[%dma_wait3A_409, %dma_wait3A_410] : memref<32768x64xf32, #tpu.memory_space<hbm>> -> memref<32768x64xf32, #tpu.memory_space<hbm>>
    tpu.wait_indirect_dma semaphore(%arg21 : memref<!tpu.dma_semaphore, #tpu.memory_space<semaphore_mem>>) src(%dma_wait3A_411 : memref<32768x64xf32, #tpu.memory_space<hbm>>) dst(%dma_wait3A_406 : memref<128x64xf32, #tpu.memory_space<vmem>>)
    %dma_wait3A_412 = arith.constant 384 : i32
    %dma_wait3A_413 = arith.constant 0 : i32
    %dma_wait3A_414 = tpu.memref_slice %arg19[%dma_wait3A_412, %dma_wait3A_413] : memref<1024x64xf32, #tpu.memory_space<vmem>> -> memref<128x64xf32, #tpu.memory_space<vmem>>
    %dma_wait3A_415 = arith.constant 384 : i32
    %dma_wait3A_416 = tpu.memref_slice %arg18[%dma_wait3A_415] : memref<1024xi32, #tpu.memory_space<vmem>> -> memref<128xi32, #tpu.memory_space<vmem>>
    %dma_wait3A_417 = arith.constant 0 : i32
    %dma_wait3A_418 = arith.constant 0 : i32
    %dma_wait3A_419 = tpu.memref_slice %arg8[%dma_wait3A_417, %dma_wait3A_418] : memref<32768x64xf32, #tpu.memory_space<hbm>> -> memref<32768x64xf32, #tpu.memory_space<hbm>>
    tpu.wait_indirect_dma semaphore(%arg21 : memref<!tpu.dma_semaphore, #tpu.memory_space<semaphore_mem>>) src(%dma_wait3A_419 : memref<32768x64xf32, #tpu.memory_space<hbm>>) dst(%dma_wait3A_414 : memref<128x64xf32, #tpu.memory_space<vmem>>)
    %dma_wait3A_420 = arith.constant 512 : i32
    %dma_wait3A_421 = arith.constant 0 : i32
    %dma_wait3A_422 = tpu.memref_slice %arg19[%dma_wait3A_420, %dma_wait3A_421] : memref<1024x64xf32, #tpu.memory_space<vmem>> -> memref<128x64xf32, #tpu.memory_space<vmem>>
    %dma_wait3A_423 = arith.constant 512 : i32
    %dma_wait3A_424 = tpu.memref_slice %arg18[%dma_wait3A_423] : memref<1024xi32, #tpu.memory_space<vmem>> -> memref<128xi32, #tpu.memory_space<vmem>>
    %dma_wait3A_425 = arith.constant 0 : i32
    %dma_wait3A_426 = arith.constant 0 : i32
    %dma_wait3A_427 = tpu.memref_slice %arg8[%dma_wait3A_425, %dma_wait3A_426] : memref<32768x64xf32, #tpu.memory_space<hbm>> -> memref<32768x64xf32, #tpu.memory_space<hbm>>
    tpu.wait_indirect_dma semaphore(%arg21 : memref<!tpu.dma_semaphore, #tpu.memory_space<semaphore_mem>>) src(%dma_wait3A_427 : memref<32768x64xf32, #tpu.memory_space<hbm>>) dst(%dma_wait3A_422 : memref<128x64xf32, #tpu.memory_space<vmem>>)
    %dma_wait3A_428 = arith.constant 640 : i32
    %dma_wait3A_429 = arith.constant 0 : i32
    %dma_wait3A_430 = tpu.memref_slice %arg19[%dma_wait3A_428, %dma_wait3A_429] : memref<1024x64xf32, #tpu.memory_space<vmem>> -> memref<128x64xf32, #tpu.memory_space<vmem>>
    %dma_wait3A_431 = arith.constant 640 : i32
    %dma_wait3A_432 = tpu.memref_slice %arg18[%dma_wait3A_431] : memref<1024xi32, #tpu.memory_space<vmem>> -> memref<128xi32, #tpu.memory_space<vmem>>
    %dma_wait3A_433 = arith.constant 0 : i32
    %dma_wait3A_434 = arith.constant 0 : i32
    %dma_wait3A_435 = tpu.memref_slice %arg8[%dma_wait3A_433, %dma_wait3A_434] : memref<32768x64xf32, #tpu.memory_space<hbm>> -> memref<32768x64xf32, #tpu.memory_space<hbm>>
    tpu.wait_indirect_dma semaphore(%arg21 : memref<!tpu.dma_semaphore, #tpu.memory_space<semaphore_mem>>) src(%dma_wait3A_435 : memref<32768x64xf32, #tpu.memory_space<hbm>>) dst(%dma_wait3A_430 : memref<128x64xf32, #tpu.memory_space<vmem>>)
    %dma_wait3A_436 = arith.constant 768 : i32
    %dma_wait3A_437 = arith.constant 0 : i32
    %dma_wait3A_438 = tpu.memref_slice %arg19[%dma_wait3A_436, %dma_wait3A_437] : memref<1024x64xf32, #tpu.memory_space<vmem>> -> memref<128x64xf32, #tpu.memory_space<vmem>>
    %dma_wait3A_439 = arith.constant 768 : i32
    %dma_wait3A_440 = tpu.memref_slice %arg18[%dma_wait3A_439] : memref<1024xi32, #tpu.memory_space<vmem>> -> memref<128xi32, #tpu.memory_space<vmem>>
    %dma_wait3A_441 = arith.constant 0 : i32
    %dma_wait3A_442 = arith.constant 0 : i32
    %dma_wait3A_443 = tpu.memref_slice %arg8[%dma_wait3A_441, %dma_wait3A_442] : memref<32768x64xf32, #tpu.memory_space<hbm>> -> memref<32768x64xf32, #tpu.memory_space<hbm>>
    tpu.wait_indirect_dma semaphore(%arg21 : memref<!tpu.dma_semaphore, #tpu.memory_space<semaphore_mem>>) src(%dma_wait3A_443 : memref<32768x64xf32, #tpu.memory_space<hbm>>) dst(%dma_wait3A_438 : memref<128x64xf32, #tpu.memory_space<vmem>>)
    %dma_wait3A_444 = arith.constant 896 : i32
    %dma_wait3A_445 = arith.constant 0 : i32
    %dma_wait3A_446 = tpu.memref_slice %arg19[%dma_wait3A_444, %dma_wait3A_445] : memref<1024x64xf32, #tpu.memory_space<vmem>> -> memref<128x64xf32, #tpu.memory_space<vmem>>
    %dma_wait3A_447 = arith.constant 896 : i32
    %dma_wait3A_448 = tpu.memref_slice %arg18[%dma_wait3A_447] : memref<1024xi32, #tpu.memory_space<vmem>> -> memref<128xi32, #tpu.memory_space<vmem>>
    %dma_wait3A_449 = arith.constant 0 : i32
    %dma_wait3A_450 = arith.constant 0 : i32
    %dma_wait3A_451 = tpu.memref_slice %arg8[%dma_wait3A_449, %dma_wait3A_450] : memref<32768x64xf32, #tpu.memory_space<hbm>> -> memref<32768x64xf32, #tpu.memory_space<hbm>>
    tpu.wait_indirect_dma semaphore(%arg21 : memref<!tpu.dma_semaphore, #tpu.memory_space<semaphore_mem>>) src(%dma_wait3A_451 : memref<32768x64xf32, #tpu.memory_space<hbm>>) dst(%dma_wait3A_446 : memref<128x64xf32, #tpu.memory_space<vmem>>)
    %add3A_452 = arith.constant 2048 : i32
    %add3A_453 = arith.addi %mul3A_45, %add3A_452 : i32
    "tpu.region"() ({
      %run_scoped3A = tpu.sem_alloc : memref<!tpu.dma_semaphore, #tpu.memory_space<semaphore_mem>>
      %dma_start3A_591 = arith.constant 0 : i32
      %dma_start3A_592 = tpu.memref_slice %arg9[%add3A_453, %dma_start3A_591] : memref<131072x64xf32, #tpu.memory_space<hbm>> -> memref<1024x64xf32, #tpu.memory_space<hbm>>
      %dma_start3A_593 = arith.constant 0 : i32
      %dma_start3A_594 = tpu.memref_slice %arg9[%add3A_453, %dma_start3A_593] : memref<131072x64xf32, #tpu.memory_space<hbm>> -> memref<1024x64xf32, #tpu.memory_space<hbm>>
      tpu.enqueue_dma source(%arg19 : memref<1024x64xf32, #tpu.memory_space<vmem>>) target(%dma_start3A_594 : memref<1024x64xf32, #tpu.memory_space<hbm>>) target_semaphore(%run_scoped3A : memref<!tpu.dma_semaphore, #tpu.memory_space<semaphore_mem>>)
      %dma_wait3A_595 = arith.constant 0 : i32
      %dma_wait3A_596 = tpu.memref_slice %arg9[%add3A_453, %dma_wait3A_595] : memref<131072x64xf32, #tpu.memory_space<hbm>> -> memref<1024x64xf32, #tpu.memory_space<hbm>>
      %dma_wait3A_597 = arith.constant 0 : i32
      %dma_wait3A_598 = tpu.memref_slice %arg9[%add3A_453, %dma_wait3A_597] : memref<131072x64xf32, #tpu.memory_space<hbm>> -> memref<1024x64xf32, #tpu.memory_space<hbm>>
      tpu.wait_dma2 semaphore(%run_scoped3A : memref<!tpu.dma_semaphore, #tpu.memory_space<semaphore_mem>>) src(%arg19 : memref<1024x64xf32, #tpu.memory_space<vmem>>) dst(%dma_wait3A_598 : memref<1024x64xf32, #tpu.memory_space<hbm>>)
      tpu.yield
    }) : () -> ()
    "tpu.region"() ({
      %run_scoped3A = tpu.sem_alloc : memref<!tpu.dma_semaphore, #tpu.memory_space<semaphore_mem>>
      %dma_start3A_591 = arith.constant 0 : i32
      %dma_start3A_592 = tpu.memref_slice %arg10[%dma_start3A_591, %add3A_453] : memref<3x131072xf32, #tpu.memory_space<hbm>> -> memref<3x1024xf32, #tpu.memory_space<hbm>>
      %dma_start3A_593 = arith.constant 0 : i32
      %dma_start3A_594 = tpu.memref_slice %arg10[%dma_start3A_593, %add3A_453] : memref<3x131072xf32, #tpu.memory_space<hbm>> -> memref<3x1024xf32, #tpu.memory_space<hbm>>
      tpu.enqueue_dma source(%arg20 : memref<3x1024xf32, #tpu.memory_space<vmem>>) target(%dma_start3A_594 : memref<3x1024xf32, #tpu.memory_space<hbm>>) target_semaphore(%run_scoped3A : memref<!tpu.dma_semaphore, #tpu.memory_space<semaphore_mem>>)
      %dma_wait3A_595 = arith.constant 0 : i32
      %dma_wait3A_596 = tpu.memref_slice %arg10[%dma_wait3A_595, %add3A_453] : memref<3x131072xf32, #tpu.memory_space<hbm>> -> memref<3x1024xf32, #tpu.memory_space<hbm>>
      %dma_wait3A_597 = arith.constant 0 : i32
      %dma_wait3A_598 = tpu.memref_slice %arg10[%dma_wait3A_597, %add3A_453] : memref<3x131072xf32, #tpu.memory_space<hbm>> -> memref<3x1024xf32, #tpu.memory_space<hbm>>
      tpu.wait_dma2 semaphore(%run_scoped3A : memref<!tpu.dma_semaphore, #tpu.memory_space<semaphore_mem>>) src(%arg20 : memref<3x1024xf32, #tpu.memory_space<vmem>>) dst(%dma_wait3A_598 : memref<3x1024xf32, #tpu.memory_space<hbm>>)
      tpu.yield
    }) : () -> ()
    %scan3A_454 = arith.constant 0 : i32
    %scan3A_455 = arith.constant 0 : i32
    %scan3A_456 = arith.constant 32 : i32
    %scan3A_457 = arith.addi %scan3A_455, %scan3A_456 : i32
    %scan3A_458 = arith.constant 1 : i32
    %scan3A_459 = scf.for %scan3A_591 = %scan3A_455 to %scan3A_457 step %scan3A_458 iter_args(%scan3A_592 = %scan3A_454) -> (i32)  : i32 {
      %add3A_593 = arith.constant 96 : i32
      %add3A_594 = arith.addi %add3A_593, %scan3A_591 : i32
      %mul3A_595 = arith.constant 16 : i32
      %mul3A_596 = arith.muli %add3A_594, %mul3A_595 : i32
      %get3A = arith.index_cast %mul3A_596 : i32 to index
      %get3A_597 = tpu.vector_load %arg14[%get3A] {strides = array<i32>} : memref<2048xf32, #tpu.memory_space<vmem>>, vector<16xf32>,
      %mul3A_598 = arith.constant 16 : i32
      %mul3A_599 = arith.muli %add3A_594, %mul3A_598 : i32
      %get3A_600 = arith.index_cast %mul3A_599 : i32 to index
      %get3A_601 = tpu.vector_load %arg15[%get3A_600] {strides = array<i32>} : memref<2048xf32, #tpu.memory_space<vmem>>, vector<16xf32>,
      %mul3A_602 = arith.constant 16 : i32
      %mul3A_603 = arith.muli %add3A_594, %mul3A_602 : i32
      %get3A_604 = arith.index_cast %mul3A_603 : i32 to index
      %get3A_605 = tpu.vector_load %arg16[%get3A_604] {strides = array<i32>} : memref<2048xf32, #tpu.memory_space<vmem>>, vector<16xf32>,
      %mul3A_606 = arith.constant 48 : i32
      %mul3A_607 = arith.muli %scan3A_591, %mul3A_606 : i32
      %while3A = arith.constant 0 : i32
      %while3A_608 = arith.constant 0 : i32
      %while3A_609:2 = scf.while (%while3A_678 = %while3A, %while3A_679 = %while3A_608) : (i32, i32) -> (i32, i32) {
        %lt3A_680 = arith.constant 256 : i32
        %lt3A_681 = arith.cmpi slt, %while3A_678, %lt3A_680 : i32
        %lt3A_682 = arith.constant 32 : i32
        %lt3A_683 = arith.cmpi slt, %while3A_679, %lt3A_682 : i32
        %and3A_684 = arith.andi %lt3A_681, %lt3A_683 : i1
        scf.condition(%and3A_684) %while3A_678, %while3A_679 : i32, i32
      } do {
      ^bb0(%while3A_678: i32, %while3A_679: i32):
        %mul3A_680 = arith.constant 16 : i32
        %mul3A_681 = arith.muli %while3A_678, %mul3A_680 : i32
        %get3A_682 = arith.index_cast %mul3A_681 : i32 to index
        %get3A_683 = tpu.vector_load %arg11[%get3A_682] {strides = array<i32>} : memref<4096xf32, #tpu.memory_space<vmem>>, vector<16xf32>,
        %sub3A_684 = arith.subf %get3A_683, %get3A_597 : vector<16xf32>
        %get3A_685 = arith.index_cast %mul3A_681 : i32 to index
        %get3A_686 = tpu.vector_load %arg12[%get3A_685] {strides = array<i32>} : memref<4096xf32, #tpu.memory_space<vmem>>, vector<16xf32>,
        %sub3A_687 = arith.subf %get3A_686, %get3A_601 : vector<16xf32>
        %get3A_688 = arith.index_cast %mul3A_681 : i32 to index
        %get3A_689 = tpu.vector_load %arg13[%get3A_688] {strides = array<i32>} : memref<4096xf32, #tpu.memory_space<vmem>>, vector<16xf32>,
        %sub3A_690 = arith.subf %get3A_689, %get3A_605 : vector<16xf32>
        %mul3A_691 = arith.mulf %sub3A_684, %sub3A_684 : vector<16xf32>
        %mul3A_692 = arith.mulf %sub3A_687, %sub3A_687 : vector<16xf32>
        %add3A_693 = arith.addf %mul3A_691, %mul3A_692 : vector<16xf32>
        %mul3A_694 = arith.mulf %sub3A_690, %sub3A_690 : vector<16xf32>
        %add3A_695 = arith.addf %add3A_693, %mul3A_694 : vector<16xf32>
        %le3A = arith.constant 1.600000e-01 : f32
        %le3A_696 = vector.broadcast %le3A : f32 to vector<16xf32>
        %le3A_697 = arith.cmpf ole, %add3A_695, %le3A_696 : vector<16xf32>
        %convert_element_type3A = arith.extui %le3A_697 : vector<16xi1> to vector<16xi32>
        %broadcast_in_dim3A_698 = arith.constant true
        %broadcast_in_dim3A_699 = vector.broadcast %broadcast_in_dim3A_698 : i1 to vector<16xi1>
        %masked_cumsum3A = tpu.scan <sum>, %convert_element_type3A masked %broadcast_in_dim3A_699 : vector<16xi32>, vector<16xi1> -> vector<16xi32>
        %reduce_max3A = arith.constant true
        %reduce_max3A_700 = vector.broadcast %reduce_max3A : i1 to vector<16xi1>
        %reduce_max3A_701 = arith.constant -2147483648 : i32
        %reduce_max3A_702 = vector.broadcast %reduce_max3A_701 : i32 to vector<16xi32>
        %reduce_max3A_703 = arith.xori %masked_cumsum3A, %reduce_max3A_702 : vector<16xi32>
        %reduce_max3A_704 = tpu.scan <max>, %reduce_max3A_703 masked %reduce_max3A_700 : vector<16xi32>, vector<16xi1> -> vector<16xi32>
        %reduce_max3A_705 = arith.xori %reduce_max3A_704, %reduce_max3A_702 : vector<16xi32>
        %reduce_max3A_706 = vector.extract %reduce_max3A_705[15] : i32 from vector<16xi32>
        %sub3A_707 = arith.constant 1 : i32
        %sub3A_708 = arith.subi %while3A_679, %sub3A_707 : i32
        %add3A_709 = arith.addi %mul3A_607, %sub3A_708 : i32
        %add3A_710 = vector.broadcast %add3A_709 : i32 to vector<16xi32>
        %add3A_711 = arith.addi %add3A_710, %masked_cumsum3A : vector<16xi32>
        %add3A_712 = vector.broadcast %mul3A_681 : i32 to vector<16xi32>
        %add3A_713 = arith.addi %iota3A, %add3A_712 : vector<16xi32>
        tpu.vector_store_idx %arg17[%add3A_711], %add3A_713 masked %le3A_697 : memref<1536xi32, #tpu.memory_space<vmem>>[vector<16xi32>], vector<16xi32>, vector<16xi1>
        %add3A_714 = arith.constant 1 : i32
        %add3A_715 = arith.addi %while3A_678, %add3A_714 : i32
        %add3A_716 = arith.addi %while3A_679, %reduce_max3A_706 : i32
        scf.yield %add3A_715, %add3A_716 : i32, i32
      }
      %get3A_610 = arith.index_cast %mul3A_607 : i32 to index
      %get3A_611 = tpu.vector_load %arg17[%get3A_610] {strides = array<i32>} : memref<1536xi32, #tpu.memory_space<vmem>>, vector<16xi32>,
      %slice3A = vector.extract_strided_slice %get3A_611 {offsets = [0], sizes = [1], strides = [1]} : vector<16xi32> to vector<1xi32>
      %squeeze3A = vector.extract %slice3A[0] : i32 from vector<1xi32>
      %mul3A_612 = arith.constant 32 : i32
      %mul3A_613 = arith.muli %scan3A_591, %mul3A_612 : i32
      %add3A_614 = arith.constant 0 : i32
      %add3A_615 = vector.broadcast %add3A_614 : i32 to vector<16xi32>
      %add3A_616 = arith.addi %iota3A, %add3A_615 : vector<16xi32>
      %lt3A_617 = vector.broadcast %while3A_609#1 : i32 to vector<16xi32>
      %lt3A_618 = arith.cmpi slt, %add3A_616, %lt3A_617 : vector<16xi32>
      %broadcast_in_dim3A = vector.broadcast %squeeze3A : i32 to vector<16xi32>
      %select_n3A_619 = arith.select %lt3A_618, %get3A_611, %broadcast_in_dim3A : vector<16xi1>, vector<16xi32>
      %add3A_620 = arith.constant 0 : i32
      %add3A_621 = arith.addi %mul3A_613, %add3A_620 : i32
      %add3A_622 = vector.broadcast %mul3A_40 : i32 to vector<16xi32>
      %add3A_623 = arith.addi %select_n3A_619, %add3A_622 : vector<16xi32>
      %swap3A = arith.index_cast %add3A_621 : i32 to index
      %swap3A_624 = tpu.vector_load %arg18[%swap3A] {strides = array<i32>} : memref<1024xi32, #tpu.memory_space<vmem>>, vector<16xi32>,
      tpu.vector_store %arg18[%swap3A], %add3A_623 {strides = array<i32>} : memref<1024xi32, #tpu.memory_space<vmem>>, vector<16xi32>,
      %gather3A = tpu.vector_load_idx %arg11[%select_n3A_619] : memref<4096xf32, #tpu.memory_space<vmem>>[vector<16xi32>], vector<16xf32>,
      %sub3A_625 = arith.subf %gather3A, %get3A_597 : vector<16xf32>
      %gather3A_626 = tpu.vector_load_idx %arg12[%select_n3A_619] : memref<4096xf32, #tpu.memory_space<vmem>>[vector<16xi32>], vector<16xf32>,
      %sub3A_627 = arith.subf %gather3A_626, %get3A_601 : vector<16xf32>
      %gather3A_628 = tpu.vector_load_idx %arg13[%select_n3A_619] : memref<4096xf32, #tpu.memory_space<vmem>>[vector<16xi32>], vector<16xf32>,
      %sub3A_629 = arith.subf %gather3A_628, %get3A_605 : vector<16xf32>
      %swap3A_630 = arith.constant 0 : i32
      %swap3A_631 = arith.index_cast %swap3A_630 : i32 to index
      %swap3A_632 = arith.index_cast %add3A_621 : i32 to index
      %swap3A_633 = tpu.vector_load %arg20[%swap3A_631, %swap3A_632] {strides = array<i32>} : memref<3x1024xf32, #tpu.memory_space<vmem>>, vector<16xf32>,
      tpu.vector_store %arg20[%swap3A_631, %swap3A_632], %sub3A_625 {strides = array<i32>} : memref<3x1024xf32, #tpu.memory_space<vmem>>, vector<16xf32>,
      %swap3A_634 = arith.constant 1 : i32
      %swap3A_635 = arith.index_cast %swap3A_634 : i32 to index
      %swap3A_636 = arith.index_cast %add3A_621 : i32 to index
      %swap3A_637 = tpu.vector_load %arg20[%swap3A_635, %swap3A_636] {strides = array<i32>} : memref<3x1024xf32, #tpu.memory_space<vmem>>, vector<16xf32>,
      tpu.vector_store %arg20[%swap3A_635, %swap3A_636], %sub3A_627 {strides = array<i32>} : memref<3x1024xf32, #tpu.memory_space<vmem>>, vector<16xf32>,
      %swap3A_638 = arith.constant 2 : i32
      %swap3A_639 = arith.index_cast %swap3A_638 : i32 to index
      %swap3A_640 = arith.index_cast %add3A_621 : i32 to index
      %swap3A_641 = tpu.vector_load %arg20[%swap3A_639, %swap3A_640] {strides = array<i32>} : memref<3x1024xf32, #tpu.memory_space<vmem>>, vector<16xf32>,
      tpu.vector_store %arg20[%swap3A_639, %swap3A_640], %sub3A_629 {strides = array<i32>} : memref<3x1024xf32, #tpu.memory_space<vmem>>, vector<16xf32>,
      %add3A_642 = arith.constant 16 : i32
      %add3A_643 = arith.addi %mul3A_607, %add3A_642 : i32
      %get3A_644 = arith.index_cast %add3A_643 : i32 to index
      %get3A_645 = tpu.vector_load %arg17[%get3A_644] {strides = array<i32>} : memref<1536xi32, #tpu.memory_space<vmem>>, vector<16xi32>,
      %add3A_646 = arith.constant 16 : i32
      %add3A_647 = vector.broadcast %add3A_646 : i32 to vector<16xi32>
      %add3A_648 = arith.addi %iota3A, %add3A_647 : vector<16xi32>
      %lt3A_649 = vector.broadcast %while3A_609#1 : i32 to vector<16xi32>
      %lt3A_650 = arith.cmpi slt, %add3A_648, %lt3A_649 : vector<16xi32>
      %broadcast_in_dim3A_651 = vector.broadcast %squeeze3A : i32 to vector<16xi32>
      %select_n3A_652 = arith.select %lt3A_650, %get3A_645, %broadcast_in_dim3A_651 : vector<16xi1>, vector<16xi32>
      %add3A_653 = arith.constant 16 : i32
      %add3A_654 = arith.addi %mul3A_613, %add3A_653 : i32
      %add3A_655 = vector.broadcast %mul3A_40 : i32 to vector<16xi32>
      %add3A_656 = arith.addi %select_n3A_652, %add3A_655 : vector<16xi32>
      %swap3A_657 = arith.index_cast %add3A_654 : i32 to index
      %swap3A_658 = tpu.vector_load %arg18[%swap3A_657] {strides = array<i32>} : memref<1024xi32, #tpu.memory_space<vmem>>, vector<16xi32>,
      tpu.vector_store %arg18[%swap3A_657], %add3A_656 {strides = array<i32>} : memref<1024xi32, #tpu.memory_space<vmem>>, vector<16xi32>,
      %gather3A_659 = tpu.vector_load_idx %arg11[%select_n3A_652] : memref<4096xf32, #tpu.memory_space<vmem>>[vector<16xi32>], vector<16xf32>,
      %sub3A_660 = arith.subf %gather3A_659, %get3A_597 : vector<16xf32>
      %gather3A_661 = tpu.vector_load_idx %arg12[%select_n3A_652] : memref<4096xf32, #tpu.memory_space<vmem>>[vector<16xi32>], vector<16xf32>,
      %sub3A_662 = arith.subf %gather3A_661, %get3A_601 : vector<16xf32>
      %gather3A_663 = tpu.vector_load_idx %arg13[%select_n3A_652] : memref<4096xf32, #tpu.memory_space<vmem>>[vector<16xi32>], vector<16xf32>,
      %sub3A_664 = arith.subf %gather3A_663, %get3A_605 : vector<16xf32>
      %swap3A_665 = arith.constant 0 : i32
      %swap3A_666 = arith.index_cast %swap3A_665 : i32 to index
      %swap3A_667 = arith.index_cast %add3A_654 : i32 to index
      %swap3A_668 = tpu.vector_load %arg20[%swap3A_666, %swap3A_667] {strides = array<i32>} : memref<3x1024xf32, #tpu.memory_space<vmem>>, vector<16xf32>,
      tpu.vector_store %arg20[%swap3A_666, %swap3A_667], %sub3A_660 {strides = array<i32>} : memref<3x1024xf32, #tpu.memory_space<vmem>>, vector<16xf32>,
      %swap3A_669 = arith.constant 1 : i32
      %swap3A_670 = arith.index_cast %swap3A_669 : i32 to index
      %swap3A_671 = arith.index_cast %add3A_654 : i32 to index
      %swap3A_672 = tpu.vector_load %arg20[%swap3A_670, %swap3A_671] {strides = array<i32>} : memref<3x1024xf32, #tpu.memory_space<vmem>>, vector<16xf32>,
      tpu.vector_store %arg20[%swap3A_670, %swap3A_671], %sub3A_662 {strides = array<i32>} : memref<3x1024xf32, #tpu.memory_space<vmem>>, vector<16xf32>,
      %swap3A_673 = arith.constant 2 : i32
      %swap3A_674 = arith.index_cast %swap3A_673 : i32 to index
      %swap3A_675 = arith.index_cast %add3A_654 : i32 to index
      %swap3A_676 = tpu.vector_load %arg20[%swap3A_674, %swap3A_675] {strides = array<i32>} : memref<3x1024xf32, #tpu.memory_space<vmem>>, vector<16xf32>,
      tpu.vector_store %arg20[%swap3A_674, %swap3A_675], %sub3A_664 {strides = array<i32>} : memref<3x1024xf32, #tpu.memory_space<vmem>>, vector<16xf32>,
      %scan3A_677 = arith.constant 0 : i32
      scf.yield %scan3A_677 : i32
    }
    %scan3A_460 = arith.constant 32 : i32
    %dma_start3A_461 = arith.constant 0 : i32
    %dma_start3A_462 = arith.constant 0 : i32
    %dma_start3A_463 = tpu.memref_slice %arg19[%dma_start3A_461, %dma_start3A_462] : memref<1024x64xf32, #tpu.memory_space<vmem>> -> memref<128x64xf32, #tpu.memory_space<vmem>>
    %dma_start3A_464 = arith.constant 0 : i32
    %dma_start3A_465 = tpu.memref_slice %arg18[%dma_start3A_464] : memref<1024xi32, #tpu.memory_space<vmem>> -> memref<128xi32, #tpu.memory_space<vmem>>
    %dma_start3A_466 = arith.constant 0 : i32
    %dma_start3A_467 = arith.constant 0 : i32
    %dma_start3A_468 = tpu.memref_slice %arg8[%dma_start3A_466, %dma_start3A_467] : memref<32768x64xf32, #tpu.memory_space<hbm>> -> memref<32768x64xf32, #tpu.memory_space<hbm>>
    tpu.enqueue_indirect_dma source(%dma_start3A_468 : memref<32768x64xf32, #tpu.memory_space<hbm>>) target(%dma_start3A_463 : memref<128x64xf32, #tpu.memory_space<vmem>>) offsets(%dma_start3A_465 : memref<128xi32, #tpu.memory_space<vmem>>) semaphore(%arg21 : memref<!tpu.dma_semaphore, #tpu.memory_space<semaphore_mem>>)
    %dma_start3A_469 = arith.constant 128 : i32
    %dma_start3A_470 = arith.constant 0 : i32
    %dma_start3A_471 = tpu.memref_slice %arg19[%dma_start3A_469, %dma_start3A_470] : memref<1024x64xf32, #tpu.memory_space<vmem>> -> memref<128x64xf32, #tpu.memory_space<vmem>>
    %dma_start3A_472 = arith.constant 128 : i32
    %dma_start3A_473 = tpu.memref_slice %arg18[%dma_start3A_472] : memref<1024xi32, #tpu.memory_space<vmem>> -> memref<128xi32, #tpu.memory_space<vmem>>
    %dma_start3A_474 = arith.constant 0 : i32
    %dma_start3A_475 = arith.constant 0 : i32
    %dma_start3A_476 = tpu.memref_slice %arg8[%dma_start3A_474, %dma_start3A_475] : memref<32768x64xf32, #tpu.memory_space<hbm>> -> memref<32768x64xf32, #tpu.memory_space<hbm>>
    tpu.enqueue_indirect_dma source(%dma_start3A_476 : memref<32768x64xf32, #tpu.memory_space<hbm>>) target(%dma_start3A_471 : memref<128x64xf32, #tpu.memory_space<vmem>>) offsets(%dma_start3A_473 : memref<128xi32, #tpu.memory_space<vmem>>) semaphore(%arg21 : memref<!tpu.dma_semaphore, #tpu.memory_space<semaphore_mem>>)
    %dma_start3A_477 = arith.constant 256 : i32
    %dma_start3A_478 = arith.constant 0 : i32
    %dma_start3A_479 = tpu.memref_slice %arg19[%dma_start3A_477, %dma_start3A_478] : memref<1024x64xf32, #tpu.memory_space<vmem>> -> memref<128x64xf32, #tpu.memory_space<vmem>>
    %dma_start3A_480 = arith.constant 256 : i32
    %dma_start3A_481 = tpu.memref_slice %arg18[%dma_start3A_480] : memref<1024xi32, #tpu.memory_space<vmem>> -> memref<128xi32, #tpu.memory_space<vmem>>
    %dma_start3A_482 = arith.constant 0 : i32
    %dma_start3A_483 = arith.constant 0 : i32
    %dma_start3A_484 = tpu.memref_slice %arg8[%dma_start3A_482, %dma_start3A_483] : memref<32768x64xf32, #tpu.memory_space<hbm>> -> memref<32768x64xf32, #tpu.memory_space<hbm>>
    tpu.enqueue_indirect_dma source(%dma_start3A_484 : memref<32768x64xf32, #tpu.memory_space<hbm>>) target(%dma_start3A_479 : memref<128x64xf32, #tpu.memory_space<vmem>>) offsets(%dma_start3A_481 : memref<128xi32, #tpu.memory_space<vmem>>) semaphore(%arg21 : memref<!tpu.dma_semaphore, #tpu.memory_space<semaphore_mem>>)
    %dma_start3A_485 = arith.constant 384 : i32
    %dma_start3A_486 = arith.constant 0 : i32
    %dma_start3A_487 = tpu.memref_slice %arg19[%dma_start3A_485, %dma_start3A_486] : memref<1024x64xf32, #tpu.memory_space<vmem>> -> memref<128x64xf32, #tpu.memory_space<vmem>>
    %dma_start3A_488 = arith.constant 384 : i32
    %dma_start3A_489 = tpu.memref_slice %arg18[%dma_start3A_488] : memref<1024xi32, #tpu.memory_space<vmem>> -> memref<128xi32, #tpu.memory_space<vmem>>
    %dma_start3A_490 = arith.constant 0 : i32
    %dma_start3A_491 = arith.constant 0 : i32
    %dma_start3A_492 = tpu.memref_slice %arg8[%dma_start3A_490, %dma_start3A_491] : memref<32768x64xf32, #tpu.memory_space<hbm>> -> memref<32768x64xf32, #tpu.memory_space<hbm>>
    tpu.enqueue_indirect_dma source(%dma_start3A_492 : memref<32768x64xf32, #tpu.memory_space<hbm>>) target(%dma_start3A_487 : memref<128x64xf32, #tpu.memory_space<vmem>>) offsets(%dma_start3A_489 : memref<128xi32, #tpu.memory_space<vmem>>) semaphore(%arg21 : memref<!tpu.dma_semaphore, #tpu.memory_space<semaphore_mem>>)
    %dma_start3A_493 = arith.constant 512 : i32
    %dma_start3A_494 = arith.constant 0 : i32
    %dma_start3A_495 = tpu.memref_slice %arg19[%dma_start3A_493, %dma_start3A_494] : memref<1024x64xf32, #tpu.memory_space<vmem>> -> memref<128x64xf32, #tpu.memory_space<vmem>>
    %dma_start3A_496 = arith.constant 512 : i32
    %dma_start3A_497 = tpu.memref_slice %arg18[%dma_start3A_496] : memref<1024xi32, #tpu.memory_space<vmem>> -> memref<128xi32, #tpu.memory_space<vmem>>
    %dma_start3A_498 = arith.constant 0 : i32
    %dma_start3A_499 = arith.constant 0 : i32
    %dma_start3A_500 = tpu.memref_slice %arg8[%dma_start3A_498, %dma_start3A_499] : memref<32768x64xf32, #tpu.memory_space<hbm>> -> memref<32768x64xf32, #tpu.memory_space<hbm>>
    tpu.enqueue_indirect_dma source(%dma_start3A_500 : memref<32768x64xf32, #tpu.memory_space<hbm>>) target(%dma_start3A_495 : memref<128x64xf32, #tpu.memory_space<vmem>>) offsets(%dma_start3A_497 : memref<128xi32, #tpu.memory_space<vmem>>) semaphore(%arg21 : memref<!tpu.dma_semaphore, #tpu.memory_space<semaphore_mem>>)
    %dma_start3A_501 = arith.constant 640 : i32
    %dma_start3A_502 = arith.constant 0 : i32
    %dma_start3A_503 = tpu.memref_slice %arg19[%dma_start3A_501, %dma_start3A_502] : memref<1024x64xf32, #tpu.memory_space<vmem>> -> memref<128x64xf32, #tpu.memory_space<vmem>>
    %dma_start3A_504 = arith.constant 640 : i32
    %dma_start3A_505 = tpu.memref_slice %arg18[%dma_start3A_504] : memref<1024xi32, #tpu.memory_space<vmem>> -> memref<128xi32, #tpu.memory_space<vmem>>
    %dma_start3A_506 = arith.constant 0 : i32
    %dma_start3A_507 = arith.constant 0 : i32
    %dma_start3A_508 = tpu.memref_slice %arg8[%dma_start3A_506, %dma_start3A_507] : memref<32768x64xf32, #tpu.memory_space<hbm>> -> memref<32768x64xf32, #tpu.memory_space<hbm>>
    tpu.enqueue_indirect_dma source(%dma_start3A_508 : memref<32768x64xf32, #tpu.memory_space<hbm>>) target(%dma_start3A_503 : memref<128x64xf32, #tpu.memory_space<vmem>>) offsets(%dma_start3A_505 : memref<128xi32, #tpu.memory_space<vmem>>) semaphore(%arg21 : memref<!tpu.dma_semaphore, #tpu.memory_space<semaphore_mem>>)
    %dma_start3A_509 = arith.constant 768 : i32
    %dma_start3A_510 = arith.constant 0 : i32
    %dma_start3A_511 = tpu.memref_slice %arg19[%dma_start3A_509, %dma_start3A_510] : memref<1024x64xf32, #tpu.memory_space<vmem>> -> memref<128x64xf32, #tpu.memory_space<vmem>>
    %dma_start3A_512 = arith.constant 768 : i32
    %dma_start3A_513 = tpu.memref_slice %arg18[%dma_start3A_512] : memref<1024xi32, #tpu.memory_space<vmem>> -> memref<128xi32, #tpu.memory_space<vmem>>
    %dma_start3A_514 = arith.constant 0 : i32
    %dma_start3A_515 = arith.constant 0 : i32
    %dma_start3A_516 = tpu.memref_slice %arg8[%dma_start3A_514, %dma_start3A_515] : memref<32768x64xf32, #tpu.memory_space<hbm>> -> memref<32768x64xf32, #tpu.memory_space<hbm>>
    tpu.enqueue_indirect_dma source(%dma_start3A_516 : memref<32768x64xf32, #tpu.memory_space<hbm>>) target(%dma_start3A_511 : memref<128x64xf32, #tpu.memory_space<vmem>>) offsets(%dma_start3A_513 : memref<128xi32, #tpu.memory_space<vmem>>) semaphore(%arg21 : memref<!tpu.dma_semaphore, #tpu.memory_space<semaphore_mem>>)
    %dma_start3A_517 = arith.constant 896 : i32
    %dma_start3A_518 = arith.constant 0 : i32
    %dma_start3A_519 = tpu.memref_slice %arg19[%dma_start3A_517, %dma_start3A_518] : memref<1024x64xf32, #tpu.memory_space<vmem>> -> memref<128x64xf32, #tpu.memory_space<vmem>>
    %dma_start3A_520 = arith.constant 896 : i32
    %dma_start3A_521 = tpu.memref_slice %arg18[%dma_start3A_520] : memref<1024xi32, #tpu.memory_space<vmem>> -> memref<128xi32, #tpu.memory_space<vmem>>
    %dma_start3A_522 = arith.constant 0 : i32
    %dma_start3A_523 = arith.constant 0 : i32
    %dma_start3A_524 = tpu.memref_slice %arg8[%dma_start3A_522, %dma_start3A_523] : memref<32768x64xf32, #tpu.memory_space<hbm>> -> memref<32768x64xf32, #tpu.memory_space<hbm>>
    tpu.enqueue_indirect_dma source(%dma_start3A_524 : memref<32768x64xf32, #tpu.memory_space<hbm>>) target(%dma_start3A_519 : memref<128x64xf32, #tpu.memory_space<vmem>>) offsets(%dma_start3A_521 : memref<128xi32, #tpu.memory_space<vmem>>) semaphore(%arg21 : memref<!tpu.dma_semaphore, #tpu.memory_space<semaphore_mem>>)
    %dma_wait3A_525 = arith.constant 0 : i32
    %dma_wait3A_526 = arith.constant 0 : i32
    %dma_wait3A_527 = tpu.memref_slice %arg19[%dma_wait3A_525, %dma_wait3A_526] : memref<1024x64xf32, #tpu.memory_space<vmem>> -> memref<128x64xf32, #tpu.memory_space<vmem>>
    %dma_wait3A_528 = arith.constant 0 : i32
    %dma_wait3A_529 = tpu.memref_slice %arg18[%dma_wait3A_528] : memref<1024xi32, #tpu.memory_space<vmem>> -> memref<128xi32, #tpu.memory_space<vmem>>
    %dma_wait3A_530 = arith.constant 0 : i32
    %dma_wait3A_531 = arith.constant 0 : i32
    %dma_wait3A_532 = tpu.memref_slice %arg8[%dma_wait3A_530, %dma_wait3A_531] : memref<32768x64xf32, #tpu.memory_space<hbm>> -> memref<32768x64xf32, #tpu.memory_space<hbm>>
    tpu.wait_indirect_dma semaphore(%arg21 : memref<!tpu.dma_semaphore, #tpu.memory_space<semaphore_mem>>) src(%dma_wait3A_532 : memref<32768x64xf32, #tpu.memory_space<hbm>>) dst(%dma_wait3A_527 : memref<128x64xf32, #tpu.memory_space<vmem>>)
    %dma_wait3A_533 = arith.constant 128 : i32
    %dma_wait3A_534 = arith.constant 0 : i32
    %dma_wait3A_535 = tpu.memref_slice %arg19[%dma_wait3A_533, %dma_wait3A_534] : memref<1024x64xf32, #tpu.memory_space<vmem>> -> memref<128x64xf32, #tpu.memory_space<vmem>>
    %dma_wait3A_536 = arith.constant 128 : i32
    %dma_wait3A_537 = tpu.memref_slice %arg18[%dma_wait3A_536] : memref<1024xi32, #tpu.memory_space<vmem>> -> memref<128xi32, #tpu.memory_space<vmem>>
    %dma_wait3A_538 = arith.constant 0 : i32
    %dma_wait3A_539 = arith.constant 0 : i32
    %dma_wait3A_540 = tpu.memref_slice %arg8[%dma_wait3A_538, %dma_wait3A_539] : memref<32768x64xf32, #tpu.memory_space<hbm>> -> memref<32768x64xf32, #tpu.memory_space<hbm>>
    tpu.wait_indirect_dma semaphore(%arg21 : memref<!tpu.dma_semaphore, #tpu.memory_space<semaphore_mem>>) src(%dma_wait3A_540 : memref<32768x64xf32, #tpu.memory_space<hbm>>) dst(%dma_wait3A_535 : memref<128x64xf32, #tpu.memory_space<vmem>>)
    %dma_wait3A_541 = arith.constant 256 : i32
    %dma_wait3A_542 = arith.constant 0 : i32
    %dma_wait3A_543 = tpu.memref_slice %arg19[%dma_wait3A_541, %dma_wait3A_542] : memref<1024x64xf32, #tpu.memory_space<vmem>> -> memref<128x64xf32, #tpu.memory_space<vmem>>
    %dma_wait3A_544 = arith.constant 256 : i32
    %dma_wait3A_545 = tpu.memref_slice %arg18[%dma_wait3A_544] : memref<1024xi32, #tpu.memory_space<vmem>> -> memref<128xi32, #tpu.memory_space<vmem>>
    %dma_wait3A_546 = arith.constant 0 : i32
    %dma_wait3A_547 = arith.constant 0 : i32
    %dma_wait3A_548 = tpu.memref_slice %arg8[%dma_wait3A_546, %dma_wait3A_547] : memref<32768x64xf32, #tpu.memory_space<hbm>> -> memref<32768x64xf32, #tpu.memory_space<hbm>>
    tpu.wait_indirect_dma semaphore(%arg21 : memref<!tpu.dma_semaphore, #tpu.memory_space<semaphore_mem>>) src(%dma_wait3A_548 : memref<32768x64xf32, #tpu.memory_space<hbm>>) dst(%dma_wait3A_543 : memref<128x64xf32, #tpu.memory_space<vmem>>)
    %dma_wait3A_549 = arith.constant 384 : i32
    %dma_wait3A_550 = arith.constant 0 : i32
    %dma_wait3A_551 = tpu.memref_slice %arg19[%dma_wait3A_549, %dma_wait3A_550] : memref<1024x64xf32, #tpu.memory_space<vmem>> -> memref<128x64xf32, #tpu.memory_space<vmem>>
    %dma_wait3A_552 = arith.constant 384 : i32
    %dma_wait3A_553 = tpu.memref_slice %arg18[%dma_wait3A_552] : memref<1024xi32, #tpu.memory_space<vmem>> -> memref<128xi32, #tpu.memory_space<vmem>>
    %dma_wait3A_554 = arith.constant 0 : i32
    %dma_wait3A_555 = arith.constant 0 : i32
    %dma_wait3A_556 = tpu.memref_slice %arg8[%dma_wait3A_554, %dma_wait3A_555] : memref<32768x64xf32, #tpu.memory_space<hbm>> -> memref<32768x64xf32, #tpu.memory_space<hbm>>
    tpu.wait_indirect_dma semaphore(%arg21 : memref<!tpu.dma_semaphore, #tpu.memory_space<semaphore_mem>>) src(%dma_wait3A_556 : memref<32768x64xf32, #tpu.memory_space<hbm>>) dst(%dma_wait3A_551 : memref<128x64xf32, #tpu.memory_space<vmem>>)
    %dma_wait3A_557 = arith.constant 512 : i32
    %dma_wait3A_558 = arith.constant 0 : i32
    %dma_wait3A_559 = tpu.memref_slice %arg19[%dma_wait3A_557, %dma_wait3A_558] : memref<1024x64xf32, #tpu.memory_space<vmem>> -> memref<128x64xf32, #tpu.memory_space<vmem>>
    %dma_wait3A_560 = arith.constant 512 : i32
    %dma_wait3A_561 = tpu.memref_slice %arg18[%dma_wait3A_560] : memref<1024xi32, #tpu.memory_space<vmem>> -> memref<128xi32, #tpu.memory_space<vmem>>
    %dma_wait3A_562 = arith.constant 0 : i32
    %dma_wait3A_563 = arith.constant 0 : i32
    %dma_wait3A_564 = tpu.memref_slice %arg8[%dma_wait3A_562, %dma_wait3A_563] : memref<32768x64xf32, #tpu.memory_space<hbm>> -> memref<32768x64xf32, #tpu.memory_space<hbm>>
    tpu.wait_indirect_dma semaphore(%arg21 : memref<!tpu.dma_semaphore, #tpu.memory_space<semaphore_mem>>) src(%dma_wait3A_564 : memref<32768x64xf32, #tpu.memory_space<hbm>>) dst(%dma_wait3A_559 : memref<128x64xf32, #tpu.memory_space<vmem>>)
    %dma_wait3A_565 = arith.constant 640 : i32
    %dma_wait3A_566 = arith.constant 0 : i32
    %dma_wait3A_567 = tpu.memref_slice %arg19[%dma_wait3A_565, %dma_wait3A_566] : memref<1024x64xf32, #tpu.memory_space<vmem>> -> memref<128x64xf32, #tpu.memory_space<vmem>>
    %dma_wait3A_568 = arith.constant 640 : i32
    %dma_wait3A_569 = tpu.memref_slice %arg18[%dma_wait3A_568] : memref<1024xi32, #tpu.memory_space<vmem>> -> memref<128xi32, #tpu.memory_space<vmem>>
    %dma_wait3A_570 = arith.constant 0 : i32
    %dma_wait3A_571 = arith.constant 0 : i32
    %dma_wait3A_572 = tpu.memref_slice %arg8[%dma_wait3A_570, %dma_wait3A_571] : memref<32768x64xf32, #tpu.memory_space<hbm>> -> memref<32768x64xf32, #tpu.memory_space<hbm>>
    tpu.wait_indirect_dma semaphore(%arg21 : memref<!tpu.dma_semaphore, #tpu.memory_space<semaphore_mem>>) src(%dma_wait3A_572 : memref<32768x64xf32, #tpu.memory_space<hbm>>) dst(%dma_wait3A_567 : memref<128x64xf32, #tpu.memory_space<vmem>>)
    %dma_wait3A_573 = arith.constant 768 : i32
    %dma_wait3A_574 = arith.constant 0 : i32
    %dma_wait3A_575 = tpu.memref_slice %arg19[%dma_wait3A_573, %dma_wait3A_574] : memref<1024x64xf32, #tpu.memory_space<vmem>> -> memref<128x64xf32, #tpu.memory_space<vmem>>
    %dma_wait3A_576 = arith.constant 768 : i32
    %dma_wait3A_577 = tpu.memref_slice %arg18[%dma_wait3A_576] : memref<1024xi32, #tpu.memory_space<vmem>> -> memref<128xi32, #tpu.memory_space<vmem>>
    %dma_wait3A_578 = arith.constant 0 : i32
    %dma_wait3A_579 = arith.constant 0 : i32
    %dma_wait3A_580 = tpu.memref_slice %arg8[%dma_wait3A_578, %dma_wait3A_579] : memref<32768x64xf32, #tpu.memory_space<hbm>> -> memref<32768x64xf32, #tpu.memory_space<hbm>>
    tpu.wait_indirect_dma semaphore(%arg21 : memref<!tpu.dma_semaphore, #tpu.memory_space<semaphore_mem>>) src(%dma_wait3A_580 : memref<32768x64xf32, #tpu.memory_space<hbm>>) dst(%dma_wait3A_575 : memref<128x64xf32, #tpu.memory_space<vmem>>)
    %dma_wait3A_581 = arith.constant 896 : i32
    %dma_wait3A_582 = arith.constant 0 : i32
    %dma_wait3A_583 = tpu.memref_slice %arg19[%dma_wait3A_581, %dma_wait3A_582] : memref<1024x64xf32, #tpu.memory_space<vmem>> -> memref<128x64xf32, #tpu.memory_space<vmem>>
    %dma_wait3A_584 = arith.constant 896 : i32
    %dma_wait3A_585 = tpu.memref_slice %arg18[%dma_wait3A_584] : memref<1024xi32, #tpu.memory_space<vmem>> -> memref<128xi32, #tpu.memory_space<vmem>>
    %dma_wait3A_586 = arith.constant 0 : i32
    %dma_wait3A_587 = arith.constant 0 : i32
    %dma_wait3A_588 = tpu.memref_slice %arg8[%dma_wait3A_586, %dma_wait3A_587] : memref<32768x64xf32, #tpu.memory_space<hbm>> -> memref<32768x64xf32, #tpu.memory_space<hbm>>
    tpu.wait_indirect_dma semaphore(%arg21 : memref<!tpu.dma_semaphore, #tpu.memory_space<semaphore_mem>>) src(%dma_wait3A_588 : memref<32768x64xf32, #tpu.memory_space<hbm>>) dst(%dma_wait3A_583 : memref<128x64xf32, #tpu.memory_space<vmem>>)
    %add3A_589 = arith.constant 3072 : i32
    %add3A_590 = arith.addi %mul3A_45, %add3A_589 : i32
    "tpu.region"() ({
      %run_scoped3A = tpu.sem_alloc : memref<!tpu.dma_semaphore, #tpu.memory_space<semaphore_mem>>
      %dma_start3A_591 = arith.constant 0 : i32
      %dma_start3A_592 = tpu.memref_slice %arg9[%add3A_590, %dma_start3A_591] : memref<131072x64xf32, #tpu.memory_space<hbm>> -> memref<1024x64xf32, #tpu.memory_space<hbm>>
      %dma_start3A_593 = arith.constant 0 : i32
      %dma_start3A_594 = tpu.memref_slice %arg9[%add3A_590, %dma_start3A_593] : memref<131072x64xf32, #tpu.memory_space<hbm>> -> memref<1024x64xf32, #tpu.memory_space<hbm>>
      tpu.enqueue_dma source(%arg19 : memref<1024x64xf32, #tpu.memory_space<vmem>>) target(%dma_start3A_594 : memref<1024x64xf32, #tpu.memory_space<hbm>>) target_semaphore(%run_scoped3A : memref<!tpu.dma_semaphore, #tpu.memory_space<semaphore_mem>>)
      %dma_wait3A_595 = arith.constant 0 : i32
      %dma_wait3A_596 = tpu.memref_slice %arg9[%add3A_590, %dma_wait3A_595] : memref<131072x64xf32, #tpu.memory_space<hbm>> -> memref<1024x64xf32, #tpu.memory_space<hbm>>
      %dma_wait3A_597 = arith.constant 0 : i32
      %dma_wait3A_598 = tpu.memref_slice %arg9[%add3A_590, %dma_wait3A_597] : memref<131072x64xf32, #tpu.memory_space<hbm>> -> memref<1024x64xf32, #tpu.memory_space<hbm>>
      tpu.wait_dma2 semaphore(%run_scoped3A : memref<!tpu.dma_semaphore, #tpu.memory_space<semaphore_mem>>) src(%arg19 : memref<1024x64xf32, #tpu.memory_space<vmem>>) dst(%dma_wait3A_598 : memref<1024x64xf32, #tpu.memory_space<hbm>>)
      tpu.yield
    }) : () -> ()
    "tpu.region"() ({
      %run_scoped3A = tpu.sem_alloc : memref<!tpu.dma_semaphore, #tpu.memory_space<semaphore_mem>>
      %dma_start3A_591 = arith.constant 0 : i32
      %dma_start3A_592 = tpu.memref_slice %arg10[%dma_start3A_591, %add3A_590] : memref<3x131072xf32, #tpu.memory_space<hbm>> -> memref<3x1024xf32, #tpu.memory_space<hbm>>
      %dma_start3A_593 = arith.constant 0 : i32
      %dma_start3A_594 = tpu.memref_slice %arg10[%dma_start3A_593, %add3A_590] : memref<3x131072xf32, #tpu.memory_space<hbm>> -> memref<3x1024xf32, #tpu.memory_space<hbm>>
      tpu.enqueue_dma source(%arg20 : memref<3x1024xf32, #tpu.memory_space<vmem>>) target(%dma_start3A_594 : memref<3x1024xf32, #tpu.memory_space<hbm>>) target_semaphore(%run_scoped3A : memref<!tpu.dma_semaphore, #tpu.memory_space<semaphore_mem>>)
      %dma_wait3A_595 = arith.constant 0 : i32
      %dma_wait3A_596 = tpu.memref_slice %arg10[%dma_wait3A_595, %add3A_590] : memref<3x131072xf32, #tpu.memory_space<hbm>> -> memref<3x1024xf32, #tpu.memory_space<hbm>>
      %dma_wait3A_597 = arith.constant 0 : i32
      %dma_wait3A_598 = tpu.memref_slice %arg10[%dma_wait3A_597, %add3A_590] : memref<3x131072xf32, #tpu.memory_space<hbm>> -> memref<3x1024xf32, #tpu.memory_space<hbm>>
      tpu.wait_dma2 semaphore(%run_scoped3A : memref<!tpu.dma_semaphore, #tpu.memory_space<semaphore_mem>>) src(%arg20 : memref<3x1024xf32, #tpu.memory_space<vmem>>) dst(%dma_wait3A_598 : memref<3x1024xf32, #tpu.memory_space<hbm>>)
      tpu.yield
    }) : () -> ()
    return
  }
}

module attributes {stable_mosaic.version = 14 : i64} {
  func.func @_fps_body(%arg0: memref<24x4096xf32, #tpu.memory_space<vmem>>, %arg1: memref<8x1xi32, #tpu.memory_space<vmem>>, %arg2: memref<8x512xf32, #tpu.memory_space<vmem>>, %arg3: memref<8x512xf32, #tpu.memory_space<vmem>>, %arg4: memref<8x512xf32, #tpu.memory_space<vmem>>, %arg5: memref<8x4096xf32, #tpu.memory_space<vmem>>) attributes {dimension_semantics = [], scalar_prefetch = 0 : i64, scratch_operands = 1 : i64, tpu.core_type = #tpu.core_type<tc>} {
    %get3A = arith.constant 0 : index
    %get3A_0 = arith.constant 0 : index
    %get3A_1 = vector.load %arg0[%get3A, %get3A_0] : memref<24x4096xf32, #tpu.memory_space<vmem>>, vector<8x4096xf32>
    %get3A_2 = arith.constant 8 : index
    %get3A_3 = arith.constant 0 : index
    %get3A_4 = vector.load %arg0[%get3A_2, %get3A_3] : memref<24x4096xf32, #tpu.memory_space<vmem>>, vector<8x4096xf32>
    %get3A_5 = arith.constant 16 : index
    %get3A_6 = arith.constant 0 : index
    %get3A_7 = vector.load %arg0[%get3A_5, %get3A_6] : memref<24x4096xf32, #tpu.memory_space<vmem>>, vector<8x4096xf32>
    %broadcast_in_dim3A = arith.constant 1.000000e+10 : f32
    %broadcast_in_dim3A_8 = vector.broadcast %broadcast_in_dim3A : f32 to vector<8x4096xf32>
    %swap3A = arith.constant 0 : index
    %swap3A_9 = arith.constant 0 : index
    %swap3A_10 = vector.load %arg5[%swap3A, %swap3A_9] : memref<8x4096xf32, #tpu.memory_space<vmem>>, vector<8x4096xf32>
    tpu.vector_store %arg5[%swap3A, %swap3A_9], %broadcast_in_dim3A_8 {strides = array<i32>} : memref<8x4096xf32, #tpu.memory_space<vmem>>, vector<8x4096xf32>,
    %iota3A = tpu.iota {dimensions = array<i32: 1>} : vector<8x4096xi32>
    %iota3A_11 = tpu.iota {dimensions = array<i32: 1>} : vector<8x512xi32>
    %get3A_12 = arith.constant 0 : index
    %get3A_13 = arith.constant 0 : index
    %get3A_14 = vector.load %arg1[%get3A_12, %get3A_13] : memref<8x1xi32, #tpu.memory_space<vmem>>, vector<8x1xi32>
    %scan3A = arith.constant 0 : i32
    %scan3A_15 = arith.constant 512 : i32
    %scan3A_16 = arith.addi %scan3A, %scan3A_15 : i32
    %scan3A_17 = arith.constant 1 : i32
    %scan3A_18 = scf.for %scan3A_20 = %scan3A to %scan3A_16 step %scan3A_17 iter_args(%scan3A_21 = %get3A_14) -> (vector<8x1xi32>)  : i32 {
      %eq3A = vector.broadcast %scan3A_21 : vector<8x1xi32> to vector<8x4096xi32>
      %eq3A_22 = arith.cmpi eq, %iota3A, %eq3A : vector<8x4096xi32>
      %jit3A = arith.constant 0.000000e+00 : f32
      %broadcast_in_dim3A_23 = vector.broadcast %jit3A : f32 to vector<8x4096xf32>
      %select_n3A = arith.select %eq3A_22, %get3A_1, %broadcast_in_dim3A_23 : vector<8x4096xi1>, vector<8x4096xf32>
      %reduce_sum3A = arith.constant dense<0.000000e+00> : vector<8xf32>
      %reduce_sum3A_24 = vector.multi_reduction <add>, %select_n3A, %reduce_sum3A [1] : vector<8x4096xf32> to vector<8xf32>
      %broadcast_in_dim3A_25 = vector.shape_cast %reduce_sum3A_24 : vector<8xf32> to vector<8x1xf32>
      %jit3A_26 = arith.constant 0.000000e+00 : f32
      %broadcast_in_dim3A_27 = vector.broadcast %jit3A_26 : f32 to vector<8x4096xf32>
      %select_n3A_28 = arith.select %eq3A_22, %get3A_4, %broadcast_in_dim3A_27 : vector<8x4096xi1>, vector<8x4096xf32>
      %reduce_sum3A_29 = arith.constant dense<0.000000e+00> : vector<8xf32>
      %reduce_sum3A_30 = vector.multi_reduction <add>, %select_n3A_28, %reduce_sum3A_29 [1] : vector<8x4096xf32> to vector<8xf32>
      %broadcast_in_dim3A_31 = vector.shape_cast %reduce_sum3A_30 : vector<8xf32> to vector<8x1xf32>
      %jit3A_32 = arith.constant 0.000000e+00 : f32
      %broadcast_in_dim3A_33 = vector.broadcast %jit3A_32 : f32 to vector<8x4096xf32>
      %select_n3A_34 = arith.select %eq3A_22, %get3A_7, %broadcast_in_dim3A_33 : vector<8x4096xi1>, vector<8x4096xf32>
      %reduce_sum3A_35 = arith.constant dense<0.000000e+00> : vector<8xf32>
      %reduce_sum3A_36 = vector.multi_reduction <add>, %select_n3A_34, %reduce_sum3A_35 [1] : vector<8x4096xf32> to vector<8xf32>
      %broadcast_in_dim3A_37 = vector.shape_cast %reduce_sum3A_36 : vector<8xf32> to vector<8x1xf32>
      %eq3A_38 = vector.broadcast %scan3A_20 : i32 to vector<8x512xi32>
      %eq3A_39 = arith.cmpi eq, %iota3A_11, %eq3A_38 : vector<8x512xi32>
      %get3A_40 = arith.constant 0 : index
      %get3A_41 = arith.constant 0 : index
      %get3A_42 = vector.load %arg2[%get3A_40, %get3A_41] : memref<8x512xf32, #tpu.memory_space<vmem>>, vector<8x512xf32>
      %broadcast_in_dim3A_43 = vector.shape_cast %broadcast_in_dim3A_25 : vector<8x1xf32> to vector<8x1xf32>
      %broadcast_in_dim3A_44 = vector.broadcast %broadcast_in_dim3A_43 : vector<8x1xf32> to vector<8x512xf32>
      %select_n3A_45 = arith.select %eq3A_39, %broadcast_in_dim3A_44, %get3A_42 : vector<8x512xi1>, vector<8x512xf32>
      %swap3A_46 = arith.constant 0 : index
      %swap3A_47 = arith.constant 0 : index
      %swap3A_48 = vector.load %arg2[%swap3A_46, %swap3A_47] : memref<8x512xf32, #tpu.memory_space<vmem>>, vector<8x512xf32>
      tpu.vector_store %arg2[%swap3A_46, %swap3A_47], %select_n3A_45 {strides = array<i32>} : memref<8x512xf32, #tpu.memory_space<vmem>>, vector<8x512xf32>,
      %get3A_49 = arith.constant 0 : index
      %get3A_50 = arith.constant 0 : index
      %get3A_51 = vector.load %arg3[%get3A_49, %get3A_50] : memref<8x512xf32, #tpu.memory_space<vmem>>, vector<8x512xf32>
      %broadcast_in_dim3A_52 = vector.shape_cast %broadcast_in_dim3A_31 : vector<8x1xf32> to vector<8x1xf32>
      %broadcast_in_dim3A_53 = vector.broadcast %broadcast_in_dim3A_52 : vector<8x1xf32> to vector<8x512xf32>
      %select_n3A_54 = arith.select %eq3A_39, %broadcast_in_dim3A_53, %get3A_51 : vector<8x512xi1>, vector<8x512xf32>
      %swap3A_55 = arith.constant 0 : index
      %swap3A_56 = arith.constant 0 : index
      %swap3A_57 = vector.load %arg3[%swap3A_55, %swap3A_56] : memref<8x512xf32, #tpu.memory_space<vmem>>, vector<8x512xf32>
      tpu.vector_store %arg3[%swap3A_55, %swap3A_56], %select_n3A_54 {strides = array<i32>} : memref<8x512xf32, #tpu.memory_space<vmem>>, vector<8x512xf32>,
      %get3A_58 = arith.constant 0 : index
      %get3A_59 = arith.constant 0 : index
      %get3A_60 = vector.load %arg4[%get3A_58, %get3A_59] : memref<8x512xf32, #tpu.memory_space<vmem>>, vector<8x512xf32>
      %broadcast_in_dim3A_61 = vector.shape_cast %broadcast_in_dim3A_37 : vector<8x1xf32> to vector<8x1xf32>
      %broadcast_in_dim3A_62 = vector.broadcast %broadcast_in_dim3A_61 : vector<8x1xf32> to vector<8x512xf32>
      %select_n3A_63 = arith.select %eq3A_39, %broadcast_in_dim3A_62, %get3A_60 : vector<8x512xi1>, vector<8x512xf32>
      %swap3A_64 = arith.constant 0 : index
      %swap3A_65 = arith.constant 0 : index
      %swap3A_66 = vector.load %arg4[%swap3A_64, %swap3A_65] : memref<8x512xf32, #tpu.memory_space<vmem>>, vector<8x512xf32>
      tpu.vector_store %arg4[%swap3A_64, %swap3A_65], %select_n3A_63 {strides = array<i32>} : memref<8x512xf32, #tpu.memory_space<vmem>>, vector<8x512xf32>,
      %sub3A = vector.broadcast %broadcast_in_dim3A_25 : vector<8x1xf32> to vector<8x4096xf32>
      %sub3A_67 = arith.subf %get3A_1, %sub3A : vector<8x4096xf32>
      %sub3A_68 = vector.broadcast %broadcast_in_dim3A_31 : vector<8x1xf32> to vector<8x4096xf32>
      %sub3A_69 = arith.subf %get3A_4, %sub3A_68 : vector<8x4096xf32>
      %sub3A_70 = vector.broadcast %broadcast_in_dim3A_37 : vector<8x1xf32> to vector<8x4096xf32>
      %sub3A_71 = arith.subf %get3A_7, %sub3A_70 : vector<8x4096xf32>
      %mul3A = arith.mulf %sub3A_67, %sub3A_67 : vector<8x4096xf32>
      %mul3A_72 = arith.mulf %sub3A_69, %sub3A_69 : vector<8x4096xf32>
      %add3A = arith.addf %mul3A, %mul3A_72 : vector<8x4096xf32>
      %mul3A_73 = arith.mulf %sub3A_71, %sub3A_71 : vector<8x4096xf32>
      %add3A_74 = arith.addf %add3A, %mul3A_73 : vector<8x4096xf32>
      %get3A_75 = arith.constant 0 : index
      %get3A_76 = arith.constant 0 : index
      %get3A_77 = vector.load %arg5[%get3A_75, %get3A_76] : memref<8x4096xf32, #tpu.memory_space<vmem>>, vector<8x4096xf32>
      %min3A = arith.minimumf %get3A_77, %add3A_74 : vector<8x4096xf32>
      %swap3A_78 = arith.constant 0 : index
      %swap3A_79 = arith.constant 0 : index
      %swap3A_80 = vector.load %arg5[%swap3A_78, %swap3A_79] : memref<8x4096xf32, #tpu.memory_space<vmem>>, vector<8x4096xf32>
      tpu.vector_store %arg5[%swap3A_78, %swap3A_79], %min3A {strides = array<i32>} : memref<8x4096xf32, #tpu.memory_space<vmem>>, vector<8x4096xf32>,
      %reduce_max3A = arith.constant dense<0xFF800000> : vector<8xf32>
      %reduce_max3A_81 = vector.multi_reduction <maximumf>, %min3A, %reduce_max3A [1] : vector<8x4096xf32> to vector<8xf32>
      %broadcast_in_dim3A_82 = vector.shape_cast %reduce_max3A_81 : vector<8xf32> to vector<8x1xf32>
      %eq3A_83 = vector.broadcast %broadcast_in_dim3A_82 : vector<8x1xf32> to vector<8x4096xf32>
      %eq3A_84 = arith.cmpf oeq, %min3A, %eq3A_83 : vector<8x4096xf32>
      %jit3A_85 = arith.constant 4096 : i32
      %broadcast_in_dim3A_86 = vector.broadcast %jit3A_85 : i32 to vector<8x4096xi32>
      %select_n3A_87 = arith.select %eq3A_84, %iota3A, %broadcast_in_dim3A_86 : vector<8x4096xi1>, vector<8x4096xi32>
      %reduce_min3A = arith.constant dense<2147483647> : vector<8xi32>
      %reduce_min3A_88 = vector.multi_reduction <minsi>, %select_n3A_87, %reduce_min3A [1] : vector<8x4096xi32> to vector<8xi32>
      %broadcast_in_dim3A_89 = vector.shape_cast %reduce_min3A_88 : vector<8xi32> to vector<8x1xi32>
      scf.yield %broadcast_in_dim3A_89 : vector<8x1xi32>
    }
    %scan3A_19 = arith.constant 512 : i32
    return
  }
}

module attributes {stable_mosaic.version = 14 : i64} {
  func.func @_gram0_body(%arg0: i32, %arg1: memref<2048x64xf32, #tpu.memory_space<vmem>>, %arg2: memref<3x2048xf32, #tpu.memory_space<vmem>>, %arg3: memref<64x64xf32, #tpu.memory_space<vmem>>, %arg4: memref<8x64xf32, #tpu.memory_space<vmem>>, %arg5: memref<8x8xf32, #tpu.memory_space<vmem>>, %arg6: memref<1x64xf32, #tpu.memory_space<vmem>>, %arg7: memref<8x1xf32, #tpu.memory_space<vmem>>) attributes {dimension_semantics = [#tpu.dimension_semantics<arbitrary>], iteration_bounds = array<i64: 64>, scalar_prefetch = 0 : i64, scratch_operands = 0 : i64, tpu.core_type = #tpu.core_type<tc>, window_params = [{transform_indices = @transform_0, window_bounds = array<i64: 2048, 64>}, {transform_indices = @transform_1, window_bounds = array<i64: 3, 2048>}, {pipeline_mode = #tpu.pipeline_mode<synchronous>, transform_indices = @transform_2, window_bounds = array<i64: 64, 64>}, {pipeline_mode = #tpu.pipeline_mode<synchronous>, transform_indices = @transform_3, window_bounds = array<i64: 8, 64>}, {pipeline_mode = #tpu.pipeline_mode<synchronous>, transform_indices = @transform_4, window_bounds = array<i64: 8, 8>}, {pipeline_mode = #tpu.pipeline_mode<synchronous>, transform_indices = @transform_5, window_bounds = array<i64: 1, 64>}, {pipeline_mode = #tpu.pipeline_mode<synchronous>, transform_indices = @transform_6, window_bounds = array<i64: 8, 1>}]} {
    %eq3A = arith.constant 0 : i32
    %eq3A_0 = arith.cmpi eq, %arg0, %eq3A : i32
    %convert_element_type3A = arith.extui %eq3A_0 : i1 to i32
    %cond3A = arith.constant 0 : i32
    %cond3A_1 = arith.cmpi ne, %convert_element_type3A, %cond3A : i32
    scf.if %cond3A_1 {
      %broadcast_in_dim3A_51 = arith.constant 0.000000e+00 : f32
      %broadcast_in_dim3A_52 = vector.broadcast %broadcast_in_dim3A_51 : f32 to vector<64x64xf32>
      %swap3A_53 = arith.constant 0 : index
      %swap3A_54 = arith.constant 0 : index
      %swap3A_55 = vector.load %arg3[%swap3A_53, %swap3A_54] : memref<64x64xf32, #tpu.memory_space<vmem>>, vector<64x64xf32>
      tpu.vector_store %arg3[%swap3A_53, %swap3A_54], %broadcast_in_dim3A_52 {strides = array<i32>} : memref<64x64xf32, #tpu.memory_space<vmem>>, vector<64x64xf32>,
      %broadcast_in_dim3A_56 = arith.constant 0.000000e+00 : f32
      %broadcast_in_dim3A_57 = vector.broadcast %broadcast_in_dim3A_56 : f32 to vector<8x64xf32>
      %swap3A_58 = arith.constant 0 : index
      %swap3A_59 = arith.constant 0 : index
      %swap3A_60 = vector.load %arg4[%swap3A_58, %swap3A_59] : memref<8x64xf32, #tpu.memory_space<vmem>>, vector<8x64xf32>
      tpu.vector_store %arg4[%swap3A_58, %swap3A_59], %broadcast_in_dim3A_57 {strides = array<i32>} : memref<8x64xf32, #tpu.memory_space<vmem>>, vector<8x64xf32>,
      %broadcast_in_dim3A_61 = arith.constant 0.000000e+00 : f32
      %broadcast_in_dim3A_62 = vector.broadcast %broadcast_in_dim3A_61 : f32 to vector<8x8xf32>
      %swap3A_63 = arith.constant 0 : index
      %swap3A_64 = arith.constant 0 : index
      %swap3A_65 = vector.load %arg5[%swap3A_63, %swap3A_64] : memref<8x8xf32, #tpu.memory_space<vmem>>, vector<8x8xf32>
      tpu.vector_store %arg5[%swap3A_63, %swap3A_64], %broadcast_in_dim3A_62 {strides = array<i32>} : memref<8x8xf32, #tpu.memory_space<vmem>>, vector<8x8xf32>,
      %broadcast_in_dim3A_66 = arith.constant 0.000000e+00 : f32
      %broadcast_in_dim3A_67 = vector.broadcast %broadcast_in_dim3A_66 : f32 to vector<1x64xf32>
      %swap3A_68 = arith.constant 0 : index
      %swap3A_69 = arith.constant 0 : index
      %swap3A_70 = vector.load %arg6[%swap3A_68, %swap3A_69] : memref<1x64xf32, #tpu.memory_space<vmem>>, vector<1x64xf32>
      tpu.vector_store %arg6[%swap3A_68, %swap3A_69], %broadcast_in_dim3A_67 {strides = array<i32>} : memref<1x64xf32, #tpu.memory_space<vmem>>, vector<1x64xf32>,
      %broadcast_in_dim3A_71 = arith.constant 0.000000e+00 : f32
      %broadcast_in_dim3A_72 = vector.broadcast %broadcast_in_dim3A_71 : f32 to vector<8x1xf32>
      %swap3A_73 = arith.constant 0 : index
      %swap3A_74 = arith.constant 0 : index
      %swap3A_75 = vector.load %arg7[%swap3A_73, %swap3A_74] : memref<8x1xf32, #tpu.memory_space<vmem>>, vector<8x1xf32>
      tpu.vector_store %arg7[%swap3A_73, %swap3A_74], %broadcast_in_dim3A_72 {strides = array<i32>} : memref<8x1xf32, #tpu.memory_space<vmem>>, vector<8x1xf32>,
    } else {
    }
    %get3A = arith.constant 0 : index
    %get3A_2 = arith.constant 0 : index
    %get3A_3 = vector.load %arg1[%get3A, %get3A_2] : memref<2048x64xf32, #tpu.memory_space<vmem>>, vector<2048x64xf32>
    %get3A_4 = arith.constant 0 : index
    %get3A_5 = arith.constant 0 : index
    %get3A_6 = vector.load %arg2[%get3A_4, %get3A_5] : memref<3x2048xf32, #tpu.memory_space<vmem>>, vector<3x2048xf32>
    %broadcast_in_dim3A = arith.constant 0.000000e+00 : f32
    %broadcast_in_dim3A_7 = vector.broadcast %broadcast_in_dim3A : f32 to vector<5x2048xf32>
    %concatenate3A = tpu.concatenate %get3A_6, %broadcast_in_dim3A_7 in 0 : vector<3x2048xf32>, vector<5x2048xf32> -> vector<8x2048xf32>
    %get3A_8 = arith.constant 0 : index
    %get3A_9 = arith.constant 0 : index
    %get3A_10 = vector.load %arg3[%get3A_8, %get3A_9] : memref<64x64xf32, #tpu.memory_space<vmem>>, vector<64x64xf32>
    %dot_general3A = arith.constant dense<0.000000e+00> : vector<64x64xf32>
    %dot_general3A_11 = tpu.matmul %get3A_3, %get3A_3, %dot_general3A {dimension_numbers = #tpu.dot_dimension_numbers<[0], [0], [1], [1], [0, 1, 1, 1], [], []>, transpose_lhs_hint = false} : vector<2048x64xf32>, vector<2048x64xf32>, vector<64x64xf32> -> vector<64x64xf32>
    %add3A = arith.addf %get3A_10, %dot_general3A_11 : vector<64x64xf32>
    %swap3A = arith.constant 0 : index
    %swap3A_12 = arith.constant 0 : index
    %swap3A_13 = vector.load %arg3[%swap3A, %swap3A_12] : memref<64x64xf32, #tpu.memory_space<vmem>>, vector<64x64xf32>
    tpu.vector_store %arg3[%swap3A, %swap3A_12], %add3A {strides = array<i32>} : memref<64x64xf32, #tpu.memory_space<vmem>>, vector<64x64xf32>,
    %get3A_14 = arith.constant 0 : index
    %get3A_15 = arith.constant 0 : index
    %get3A_16 = vector.load %arg4[%get3A_14, %get3A_15] : memref<8x64xf32, #tpu.memory_space<vmem>>, vector<8x64xf32>
    %dot_general3A_17 = arith.constant dense<0.000000e+00> : vector<8x64xf32>
    %dot_general3A_18 = tpu.matmul %concatenate3A, %get3A_3, %dot_general3A_17 {dimension_numbers = #tpu.dot_dimension_numbers<[1], [0], [0], [1], [0, 0, 1, 1], [], []>, transpose_lhs_hint = false} : vector<8x2048xf32>, vector<2048x64xf32>, vector<8x64xf32> -> vector<8x64xf32>
    %add3A_19 = arith.addf %get3A_16, %dot_general3A_18 : vector<8x64xf32>
    %swap3A_20 = arith.constant 0 : index
    %swap3A_21 = arith.constant 0 : index
    %swap3A_22 = vector.load %arg4[%swap3A_20, %swap3A_21] : memref<8x64xf32, #tpu.memory_space<vmem>>, vector<8x64xf32>
    tpu.vector_store %arg4[%swap3A_20, %swap3A_21], %add3A_19 {strides = array<i32>} : memref<8x64xf32, #tpu.memory_space<vmem>>, vector<8x64xf32>,
    %get3A_23 = arith.constant 0 : index
    %get3A_24 = arith.constant 0 : index
    %get3A_25 = vector.load %arg5[%get3A_23, %get3A_24] : memref<8x8xf32, #tpu.memory_space<vmem>>, vector<8x8xf32>
    %dot_general3A_26 = arith.constant dense<0.000000e+00> : vector<8x8xf32>
    %dot_general3A_27 = tpu.matmul %concatenate3A, %concatenate3A, %dot_general3A_26 {dimension_numbers = #tpu.dot_dimension_numbers<[1], [1], [0], [0], [0, 0, 1, 0], [], []>, transpose_lhs_hint = false} : vector<8x2048xf32>, vector<8x2048xf32>, vector<8x8xf32> -> vector<8x8xf32>
    %add3A_28 = arith.addf %get3A_25, %dot_general3A_27 : vector<8x8xf32>
    %swap3A_29 = arith.constant 0 : index
    %swap3A_30 = arith.constant 0 : index
    %swap3A_31 = vector.load %arg5[%swap3A_29, %swap3A_30] : memref<8x8xf32, #tpu.memory_space<vmem>>, vector<8x8xf32>
    tpu.vector_store %arg5[%swap3A_29, %swap3A_30], %add3A_28 {strides = array<i32>} : memref<8x8xf32, #tpu.memory_space<vmem>>, vector<8x8xf32>,
    %get3A_32 = arith.constant 0 : index
    %get3A_33 = arith.constant 0 : index
    %get3A_34 = vector.load %arg6[%get3A_32, %get3A_33] : memref<1x64xf32, #tpu.memory_space<vmem>>, vector<1x64xf32>
    %reduce_sum3A = arith.constant dense<0.000000e+00> : vector<64xf32>
    %reduce_sum3A_35 = vector.multi_reduction <add>, %get3A_3, %reduce_sum3A [0] : vector<2048x64xf32> to vector<64xf32>
    %broadcast_in_dim3A_36 = vector.shape_cast %reduce_sum3A_35 : vector<64xf32> to vector<1x64xf32>
    %add3A_37 = arith.addf %get3A_34, %broadcast_in_dim3A_36 : vector<1x64xf32>
    %swap3A_38 = arith.constant 0 : index
    %swap3A_39 = arith.constant 0 : index
    %swap3A_40 = vector.load %arg6[%swap3A_38, %swap3A_39] : memref<1x64xf32, #tpu.memory_space<vmem>>, vector<1x64xf32>
    tpu.vector_store %arg6[%swap3A_38, %swap3A_39], %add3A_37 {strides = array<i32>} : memref<1x64xf32, #tpu.memory_space<vmem>>, vector<1x64xf32>,
    %get3A_41 = arith.constant 0 : index
    %get3A_42 = arith.constant 0 : index
    %get3A_43 = vector.load %arg7[%get3A_41, %get3A_42] : memref<8x1xf32, #tpu.memory_space<vmem>>, vector<8x1xf32>
    %reduce_sum3A_44 = arith.constant dense<0.000000e+00> : vector<8xf32>
    %reduce_sum3A_45 = vector.multi_reduction <add>, %concatenate3A, %reduce_sum3A_44 [1] : vector<8x2048xf32> to vector<8xf32>
    %broadcast_in_dim3A_46 = vector.shape_cast %reduce_sum3A_45 : vector<8xf32> to vector<8x1xf32>
    %add3A_47 = arith.addf %get3A_43, %broadcast_in_dim3A_46 : vector<8x1xf32>
    %swap3A_48 = arith.constant 0 : index
    %swap3A_49 = arith.constant 0 : index
    %swap3A_50 = vector.load %arg7[%swap3A_48, %swap3A_49] : memref<8x1xf32, #tpu.memory_space<vmem>>, vector<8x1xf32>
    tpu.vector_store %arg7[%swap3A_48, %swap3A_49], %add3A_47 {strides = array<i32>} : memref<8x1xf32, #tpu.memory_space<vmem>>, vector<8x1xf32>,
    return
  }
  func.func @transform_0(%arg0: i32) -> (i32, i32) {
    %c0_i32 = arith.constant 0 : i32
    %c0_i32_0 = arith.constant 0 : i32
    return %arg0, %c0_i32 : i32, i32
  }
  func.func @transform_1(%arg0: i32) -> (i32, i32) {
    %c0_i32 = arith.constant 0 : i32
    %c0_i32_0 = arith.constant 0 : i32
    return %c0_i32, %arg0 : i32, i32
  }
  func.func @transform_2(%arg0: i32) -> (i32, i32) {
    %c0_i32 = arith.constant 0 : i32
    %c0_i32_0 = arith.constant 0 : i32
    %c0_i32_1 = arith.constant 0 : i32
    return %c0_i32, %c0_i32_0 : i32, i32
  }
  func.func @transform_3(%arg0: i32) -> (i32, i32) {
    %c0_i32 = arith.constant 0 : i32
    %c0_i32_0 = arith.constant 0 : i32
    %c0_i32_1 = arith.constant 0 : i32
    return %c0_i32, %c0_i32_0 : i32, i32
  }
  func.func @transform_4(%arg0: i32) -> (i32, i32) {
    %c0_i32 = arith.constant 0 : i32
    %c0_i32_0 = arith.constant 0 : i32
    %c0_i32_1 = arith.constant 0 : i32
    return %c0_i32, %c0_i32_0 : i32, i32
  }
  func.func @transform_5(%arg0: i32) -> (i32, i32) {
    %c0_i32 = arith.constant 0 : i32
    %c0_i32_0 = arith.constant 0 : i32
    %c0_i32_1 = arith.constant 0 : i32
    return %c0_i32, %c0_i32_0 : i32, i32
  }
  func.func @transform_6(%arg0: i32) -> (i32, i32) {
    %c0_i32 = arith.constant 0 : i32
    %c0_i32_0 = arith.constant 0 : i32
    %c0_i32_1 = arith.constant 0 : i32
    return %c0_i32, %c0_i32_0 : i32, i32
  }
}

module attributes {stable_mosaic.version = 14 : i64} {
  func.func @_layer1_body(%arg0: i32, %arg1: memref<2048x64xf32, #tpu.memory_space<vmem>>, %arg2: memref<3x2048xf32, #tpu.memory_space<vmem>>, %arg3: memref<128x64xf32, #tpu.memory_space<vmem>>, %arg4: memref<128x8xf32, #tpu.memory_space<vmem>>, %arg5: memref<64x64xf32, #tpu.memory_space<vmem>>, %arg6: memref<8x64xf32, #tpu.memory_space<vmem>>, %arg7: memref<8x8xf32, #tpu.memory_space<vmem>>, %arg8: memref<1x64xf32, #tpu.memory_space<vmem>>, %arg9: memref<8x1xf32, #tpu.memory_space<vmem>>, %arg10: memref<2048x128xf32, #tpu.memory_space<vmem>>, %arg11: memref<128x128xf32, #tpu.memory_space<vmem>>, %arg12: memref<1x128xf32, #tpu.memory_space<vmem>>, %arg13: memref<2x128xf32, #tpu.memory_space<vmem>>) attributes {dimension_semantics = [#tpu.dimension_semantics<arbitrary>], iteration_bounds = array<i64: 64>, scalar_prefetch = 0 : i64, scratch_operands = 1 : i64, tpu.core_type = #tpu.core_type<tc>, window_params = [{transform_indices = @transform_0, window_bounds = array<i64: 2048, 64>}, {transform_indices = @transform_1, window_bounds = array<i64: 3, 2048>}, {pipeline_mode = #tpu.pipeline_mode<synchronous>, transform_indices = @transform_2, window_bounds = array<i64: 128, 64>}, {pipeline_mode = #tpu.pipeline_mode<synchronous>, transform_indices = @transform_3, window_bounds = array<i64: 128, 8>}, {pipeline_mode = #tpu.pipeline_mode<synchronous>, transform_indices = @transform_4, window_bounds = array<i64: 64, 64>}, {pipeline_mode = #tpu.pipeline_mode<synchronous>, transform_indices = @transform_5, window_bounds = array<i64: 8, 64>}, {pipeline_mode = #tpu.pipeline_mode<synchronous>, transform_indices = @transform_6, window_bounds = array<i64: 8, 8>}, {pipeline_mode = #tpu.pipeline_mode<synchronous>, transform_indices = @transform_7, window_bounds = array<i64: 1, 64>}, {pipeline_mode = #tpu.pipeline_mode<synchronous>, transform_indices = @transform_8, window_bounds = array<i64: 8, 1>}, {transform_indices = @transform_9, window_bounds = array<i64: 2048, 128>}, {pipeline_mode = #tpu.pipeline_mode<synchronous>, transform_indices = @transform_10, window_bounds = array<i64: 128, 128>}, {pipeline_mode = #tpu.pipeline_mode<synchronous>, transform_indices = @transform_11, window_bounds = array<i64: 1, 128>}]} {
    %eq3A = arith.constant 0 : i32
    %eq3A_0 = arith.cmpi eq, %arg0, %eq3A : i32
    %convert_element_type3A = arith.extui %eq3A_0 : i1 to i32
    %cond3A = arith.constant 1.310720e+05 : f32
    %cond3A_1 = arith.constant 0 : i32
    %cond3A_2 = arith.cmpi ne, %convert_element_type3A, %cond3A_1 : i32
    scf.if %cond3A_2 {
      %get3A_52 = arith.constant 0 : index
      %get3A_53 = arith.constant 0 : index
      %get3A_54 = vector.load %arg3[%get3A_52, %get3A_53] : memref<128x64xf32, #tpu.memory_space<vmem>>, vector<128x64xf32>
      %get3A_55 = arith.constant 0 : index
      %get3A_56 = arith.constant 0 : index
      %get3A_57 = vector.load %arg4[%get3A_55, %get3A_56] : memref<128x8xf32, #tpu.memory_space<vmem>>, vector<128x8xf32>
      %get3A_58 = arith.constant 0 : index
      %get3A_59 = arith.constant 0 : index
      %get3A_60 = vector.load %arg8[%get3A_58, %get3A_59] : memref<1x64xf32, #tpu.memory_space<vmem>>, vector<1x64xf32>
      %div3A = vector.broadcast %cond3A : f32 to vector<1x64xf32>
      %div3A_61 = arith.divf %get3A_60, %div3A : vector<1x64xf32>
      %get3A_62 = arith.constant 0 : index
      %get3A_63 = arith.constant 0 : index
      %get3A_64 = vector.load %arg9[%get3A_62, %get3A_63] : memref<8x1xf32, #tpu.memory_space<vmem>>, vector<8x1xf32>
      %div3A_65 = vector.broadcast %cond3A : f32 to vector<8x1xf32>
      %div3A_66 = arith.divf %get3A_64, %div3A_65 : vector<8x1xf32>
      %get3A_67 = arith.constant 0 : index
      %get3A_68 = arith.constant 0 : index
      %get3A_69 = vector.load %arg5[%get3A_67, %get3A_68] : memref<64x64xf32, #tpu.memory_space<vmem>>, vector<64x64xf32>
      %div3A_70 = vector.broadcast %cond3A : f32 to vector<64x64xf32>
      %div3A_71 = arith.divf %get3A_69, %div3A_70 : vector<64x64xf32>
      %dot_general3A_72 = arith.constant dense<0.000000e+00> : vector<64x64xf32>
      %dot_general3A_73 = tpu.matmul %div3A_61, %div3A_61, %dot_general3A_72 {dimension_numbers = #tpu.dot_dimension_numbers<[0], [0], [1], [1], [0, 1, 1, 1], [], []>, transpose_lhs_hint = false} : vector<1x64xf32>, vector<1x64xf32>, vector<64x64xf32> -> vector<64x64xf32>
      %sub3A = arith.subf %div3A_71, %dot_general3A_73 : vector<64x64xf32>
      %get3A_74 = arith.constant 0 : index
      %get3A_75 = arith.constant 0 : index
      %get3A_76 = vector.load %arg6[%get3A_74, %get3A_75] : memref<8x64xf32, #tpu.memory_space<vmem>>, vector<8x64xf32>
      %div3A_77 = vector.broadcast %cond3A : f32 to vector<8x64xf32>
      %div3A_78 = arith.divf %get3A_76, %div3A_77 : vector<8x64xf32>
      %dot_general3A_79 = arith.constant dense<0.000000e+00> : vector<8x64xf32>
      %dot_general3A_80 = tpu.matmul %div3A_66, %div3A_61, %dot_general3A_79 {dimension_numbers = #tpu.dot_dimension_numbers<[1], [0], [0], [1], [0, 0, 1, 1], [], []>, transpose_lhs_hint = false} : vector<8x1xf32>, vector<1x64xf32>, vector<8x64xf32> -> vector<8x64xf32>
      %sub3A_81 = arith.subf %div3A_78, %dot_general3A_80 : vector<8x64xf32>
      %get3A_82 = arith.constant 0 : index
      %get3A_83 = arith.constant 0 : index
      %get3A_84 = vector.load %arg7[%get3A_82, %get3A_83] : memref<8x8xf32, #tpu.memory_space<vmem>>, vector<8x8xf32>
      %div3A_85 = vector.broadcast %cond3A : f32 to vector<8x8xf32>
      %div3A_86 = arith.divf %get3A_84, %div3A_85 : vector<8x8xf32>
      %dot_general3A_87 = arith.constant dense<0.000000e+00> : vector<8x8xf32>
      %dot_general3A_88 = tpu.matmul %div3A_66, %div3A_66, %dot_general3A_87 {dimension_numbers = #tpu.dot_dimension_numbers<[1], [1], [0], [0], [0, 0, 1, 0], [], []>, transpose_lhs_hint = false} : vector<8x1xf32>, vector<8x1xf32>, vector<8x8xf32> -> vector<8x8xf32>
      %sub3A_89 = arith.subf %div3A_86, %dot_general3A_88 : vector<8x8xf32>
      %dot_general3A_90 = arith.constant dense<0.000000e+00> : vector<128x64xf32>
      %dot_general3A_91 = tpu.matmul %get3A_54, %sub3A, %dot_general3A_90 {dimension_numbers = #tpu.dot_dimension_numbers<[1], [0], [0], [1], [0, 0, 1, 1], [], []>, transpose_lhs_hint = false} : vector<128x64xf32>, vector<64x64xf32>, vector<128x64xf32> -> vector<128x64xf32>
      %mul3A_92 = arith.mulf %dot_general3A_91, %get3A_54 : vector<128x64xf32>
      %reduce_sum3A_93 = arith.constant dense<0.000000e+00> : vector<128xf32>
      %reduce_sum3A_94 = vector.multi_reduction <add>, %mul3A_92, %reduce_sum3A_93 [1] : vector<128x64xf32> to vector<128xf32>
      %broadcast_in_dim3A_95 = vector.shape_cast %reduce_sum3A_94 : vector<128xf32> to vector<128x1xf32>
      %dot_general3A_96 = arith.constant dense<0.000000e+00> : vector<8x128xf32>
      %dot_general3A_97 = tpu.matmul %sub3A_81, %get3A_54, %dot_general3A_96 {dimension_numbers = #tpu.dot_dimension_numbers<[1], [1], [0], [0], [0, 0, 1, 0], [], []>, transpose_lhs_hint = false} : vector<8x64xf32>, vector<128x64xf32>, vector<8x128xf32> -> vector<8x128xf32>
      %dot_general3A_98 = arith.constant dense<0.000000e+00> : vector<128x128xf32>
      %dot_general3A_99 = tpu.matmul %get3A_57, %dot_general3A_97, %dot_general3A_98 {dimension_numbers = #tpu.dot_dimension_numbers<[1], [0], [0], [1], [0, 0, 1, 1], [], []>, transpose_lhs_hint = false} : vector<128x8xf32>, vector<8x128xf32>, vector<128x128xf32> -> vector<128x128xf32>
      %iota3A = tpu.iota {dimensions = array<i32: 0>} : vector<128x128xi32>
      %iota3A_100 = tpu.iota {dimensions = array<i32: 1>} : vector<128x128xi32>
      %eq3A_101 = arith.cmpi eq, %iota3A, %iota3A_100 : vector<128x128xi32>
      %convert_element_type3A_102 = arith.extui %eq3A_101 : vector<128x128xi1> to vector<128x128xi32>
      %convert_element_type3A_103 = arith.sitofp %convert_element_type3A_102 : vector<128x128xi32> to vector<128x128xf32>
      %mul3A_104 = arith.mulf %dot_general3A_99, %convert_element_type3A_103 : vector<128x128xf32>
      %reduce_sum3A_105 = arith.constant dense<0.000000e+00> : vector<128xf32>
      %reduce_sum3A_106 = vector.multi_reduction <add>, %mul3A_104, %reduce_sum3A_105 [1] : vector<128x128xf32> to vector<128xf32>
      %broadcast_in_dim3A_107 = vector.shape_cast %reduce_sum3A_106 : vector<128xf32> to vector<128x1xf32>
      %dot_general3A_108 = arith.constant dense<0.000000e+00> : vector<128x8xf32>
      %dot_general3A_109 = tpu.matmul %get3A_57, %sub3A_89, %dot_general3A_108 {dimension_numbers = #tpu.dot_dimension_numbers<[1], [0], [0], [1], [0, 0, 1, 1], [], []>, transpose_lhs_hint = false} : vector<128x8xf32>, vector<8x8xf32>, vector<128x8xf32> -> vector<128x8xf32>
      %mul3A_110 = arith.mulf %dot_general3A_109, %get3A_57 : vector<128x8xf32>
      %reduce_sum3A_111 = arith.constant dense<0.000000e+00> : vector<128xf32>
      %reduce_sum3A_112 = vector.multi_reduction <add>, %mul3A_110, %reduce_sum3A_111 [1] : vector<128x8xf32> to vector<128xf32>
      %broadcast_in_dim3A_113 = vector.shape_cast %reduce_sum3A_112 : vector<128xf32> to vector<128x1xf32>
      %mul3A_114 = arith.constant 2.000000e+00 : f32
      %mul3A_115 = vector.broadcast %mul3A_114 : f32 to vector<128x1xf32>
      %mul3A_116 = arith.mulf %mul3A_115, %broadcast_in_dim3A_107 : vector<128x1xf32>
      %add3A_117 = arith.addf %broadcast_in_dim3A_95, %mul3A_116 : vector<128x1xf32>
      %add3A_118 = arith.addf %add3A_117, %broadcast_in_dim3A_113 : vector<128x1xf32>
      %iota3A_119 = tpu.iota {dimensions = array<i32: 0>} : vector<128x128xi32>
      %iota3A_120 = tpu.iota {dimensions = array<i32: 1>} : vector<128x128xi32>
      %eq3A_121 = arith.cmpi eq, %iota3A_119, %iota3A_120 : vector<128x128xi32>
      %convert_element_type3A_122 = arith.extui %eq3A_121 : vector<128x128xi1> to vector<128x128xi32>
      %convert_element_type3A_123 = arith.sitofp %convert_element_type3A_122 : vector<128x128xi32> to vector<128x128xf32>
      %dot_general3A_124 = arith.constant dense<0.000000e+00> : vector<1x128xf32>
      %dot_general3A_125 = tpu.matmul %add3A_118, %convert_element_type3A_123, %dot_general3A_124 {dimension_numbers = #tpu.dot_dimension_numbers<[0], [0], [1], [1], [0, 1, 1, 1], [], []>, transpose_lhs_hint = false} : vector<128x1xf32>, vector<128x128xf32>, vector<1x128xf32> -> vector<1x128xf32>
      %dot_general3A_126 = arith.constant dense<0.000000e+00> : vector<1x128xf32>
      %dot_general3A_127 = tpu.matmul %div3A_61, %get3A_54, %dot_general3A_126 {dimension_numbers = #tpu.dot_dimension_numbers<[1], [1], [0], [0], [0, 0, 1, 0], [], []>, transpose_lhs_hint = false} : vector<1x64xf32>, vector<128x64xf32>, vector<1x128xf32> -> vector<1x128xf32>
      %dot_general3A_128 = arith.constant dense<0.000000e+00> : vector<1x128xf32>
      %dot_general3A_129 = tpu.matmul %div3A_66, %get3A_57, %dot_general3A_128 {dimension_numbers = #tpu.dot_dimension_numbers<[0], [1], [1], [0], [0, 1, 1, 0], [], []>, transpose_lhs_hint = false} : vector<8x1xf32>, vector<128x8xf32>, vector<1x128xf32> -> vector<1x128xf32>
      %add3A_130 = arith.addf %dot_general3A_127, %dot_general3A_129 : vector<1x128xf32>
      %add3A_131 = arith.constant 9.99999974E-6 : f32
      %add3A_132 = vector.broadcast %add3A_131 : f32 to vector<1x128xf32>
      %add3A_133 = arith.addf %dot_general3A_125, %add3A_132 : vector<1x128xf32>
      %rsqrt3A = math.rsqrt %add3A_133 : vector<1x128xf32>
      %swap3A_134 = arith.constant 0 : index
      %swap3A_135 = arith.constant 0 : index
      %swap3A_136 = vector.load %arg13[%swap3A_134, %swap3A_135] : memref<2x128xf32, #tpu.memory_space<vmem>>, vector<1x128xf32>
      tpu.vector_store %arg13[%swap3A_134, %swap3A_135], %rsqrt3A {strides = array<i32>} : memref<2x128xf32, #tpu.memory_space<vmem>>, vector<1x128xf32>,
      %neg3A = arith.constant 0.000000e+00 : f32
      %neg3A_137 = vector.broadcast %neg3A : f32 to vector<1x128xf32>
      %neg3A_138 = arith.subf %neg3A_137, %add3A_130 : vector<1x128xf32>
      %mul3A_139 = arith.mulf %neg3A_138, %rsqrt3A : vector<1x128xf32>
      %swap3A_140 = arith.constant 1 : index
      %swap3A_141 = arith.constant 0 : index
      %swap3A_142 = vector.load %arg13[%swap3A_140, %swap3A_141] : memref<2x128xf32, #tpu.memory_space<vmem>>, vector<1x128xf32>
      tpu.vector_store %arg13[%swap3A_140, %swap3A_141], %mul3A_139 {strides = array<i32>} : memref<2x128xf32, #tpu.memory_space<vmem>>, vector<1x128xf32>,
    } else {
    }
    %get3A = arith.constant 0 : index
    %get3A_3 = arith.constant 0 : index
    %get3A_4 = vector.load %arg1[%get3A, %get3A_3] : memref<2048x64xf32, #tpu.memory_space<vmem>>, vector<2048x64xf32>
    %get3A_5 = arith.constant 0 : index
    %get3A_6 = arith.constant 0 : index
    %get3A_7 = vector.load %arg2[%get3A_5, %get3A_6] : memref<3x2048xf32, #tpu.memory_space<vmem>>, vector<3x2048xf32>
    %get3A_8 = arith.constant 0 : index
    %get3A_9 = arith.constant 0 : index
    %get3A_10 = vector.load %arg4[%get3A_8, %get3A_9] : memref<128x8xf32, #tpu.memory_space<vmem>>, vector<128x3xf32>
    %get3A_11 = arith.constant 0 : index
    %get3A_12 = arith.constant 0 : index
    %get3A_13 = vector.load %arg3[%get3A_11, %get3A_12] : memref<128x64xf32, #tpu.memory_space<vmem>>, vector<128x64xf32>
    %dot_general3A = arith.constant dense<0.000000e+00> : vector<2048x128xf32>
    %dot_general3A_14 = tpu.matmul %get3A_4, %get3A_13, %dot_general3A {dimension_numbers = #tpu.dot_dimension_numbers<[1], [1], [0], [0], [0, 0, 1, 0], [], []>, transpose_lhs_hint = false} : vector<2048x64xf32>, vector<128x64xf32>, vector<2048x128xf32> -> vector<2048x128xf32>
    %dot_general3A_15 = arith.constant dense<0.000000e+00> : vector<2048x128xf32>
    %dot_general3A_16 = tpu.matmul %get3A_7, %get3A_10, %dot_general3A_15 {dimension_numbers = #tpu.dot_dimension_numbers<[0], [1], [1], [0], [0, 1, 1, 0], [], []>, transpose_lhs_hint = false} : vector<3x2048xf32>, vector<128x3xf32>, vector<2048x128xf32> -> vector<2048x128xf32>
    %add3A = arith.addf %dot_general3A_14, %dot_general3A_16 : vector<2048x128xf32>
    %get3A_17 = arith.constant 0 : index
    %get3A_18 = arith.constant 0 : index
    %get3A_19 = vector.load %arg13[%get3A_17, %get3A_18] : memref<2x128xf32, #tpu.memory_space<vmem>>, vector<1x128xf32>
    %get3A_20 = arith.constant 1 : index
    %get3A_21 = arith.constant 0 : index
    %get3A_22 = vector.load %arg13[%get3A_20, %get3A_21] : memref<2x128xf32, #tpu.memory_space<vmem>>, vector<1x128xf32>
    %mul3A = vector.broadcast %get3A_19 : vector<1x128xf32> to vector<2048x128xf32>
    %mul3A_23 = arith.mulf %add3A, %mul3A : vector<2048x128xf32>
    %add3A_24 = vector.broadcast %get3A_22 : vector<1x128xf32> to vector<2048x128xf32>
    %add3A_25 = arith.addf %mul3A_23, %add3A_24 : vector<2048x128xf32>
    %max3A = arith.constant 0.000000e+00 : f32
    %max3A_26 = vector.broadcast %max3A : f32 to vector<2048x128xf32>
    %max3A_27 = arith.maximumf %add3A_25, %max3A_26 : vector<2048x128xf32>
    %swap3A = arith.constant 0 : index
    %swap3A_28 = arith.constant 0 : index
    %swap3A_29 = vector.load %arg10[%swap3A, %swap3A_28] : memref<2048x128xf32, #tpu.memory_space<vmem>>, vector<2048x128xf32>
    tpu.vector_store %arg10[%swap3A, %swap3A_28], %max3A_27 {strides = array<i32>} : memref<2048x128xf32, #tpu.memory_space<vmem>>, vector<2048x128xf32>,
    %eq3A_30 = arith.constant 0 : i32
    %eq3A_31 = arith.cmpi eq, %arg0, %eq3A_30 : i32
    %convert_element_type3A_32 = arith.extui %eq3A_31 : i1 to i32
    %cond3A_33 = arith.constant 0 : i32
    %cond3A_34 = arith.cmpi ne, %convert_element_type3A_32, %cond3A_33 : i32
    scf.if %cond3A_34 {
      %broadcast_in_dim3A_52 = arith.constant 0.000000e+00 : f32
      %broadcast_in_dim3A_53 = vector.broadcast %broadcast_in_dim3A_52 : f32 to vector<128x128xf32>
      %swap3A_54 = arith.constant 0 : index
      %swap3A_55 = arith.constant 0 : index
      %swap3A_56 = vector.load %arg11[%swap3A_54, %swap3A_55] : memref<128x128xf32, #tpu.memory_space<vmem>>, vector<128x128xf32>
      tpu.vector_store %arg11[%swap3A_54, %swap3A_55], %broadcast_in_dim3A_53 {strides = array<i32>} : memref<128x128xf32, #tpu.memory_space<vmem>>, vector<128x128xf32>,
      %broadcast_in_dim3A_57 = arith.constant 0.000000e+00 : f32
      %broadcast_in_dim3A_58 = vector.broadcast %broadcast_in_dim3A_57 : f32 to vector<1x128xf32>
      %swap3A_59 = arith.constant 0 : index
      %swap3A_60 = arith.constant 0 : index
      %swap3A_61 = vector.load %arg12[%swap3A_59, %swap3A_60] : memref<1x128xf32, #tpu.memory_space<vmem>>, vector<1x128xf32>
      tpu.vector_store %arg12[%swap3A_59, %swap3A_60], %broadcast_in_dim3A_58 {strides = array<i32>} : memref<1x128xf32, #tpu.memory_space<vmem>>, vector<1x128xf32>,
    } else {
    }
    %get3A_35 = arith.constant 0 : index
    %get3A_36 = arith.constant 0 : index
    %get3A_37 = vector.load %arg11[%get3A_35, %get3A_36] : memref<128x128xf32, #tpu.memory_space<vmem>>, vector<128x128xf32>
    %dot_general3A_38 = arith.constant dense<0.000000e+00> : vector<128x128xf32>
    %dot_general3A_39 = tpu.matmul %max3A_27, %max3A_27, %dot_general3A_38 {dimension_numbers = #tpu.dot_dimension_numbers<[0], [0], [1], [1], [0, 1, 1, 1], [], []>, transpose_lhs_hint = false} : vector<2048x128xf32>, vector<2048x128xf32>, vector<128x128xf32> -> vector<128x128xf32>
    %add3A_40 = arith.addf %get3A_37, %dot_general3A_39 : vector<128x128xf32>
    %swap3A_41 = arith.constant 0 : index
    %swap3A_42 = arith.constant 0 : index
    %swap3A_43 = vector.load %arg11[%swap3A_41, %swap3A_42] : memref<128x128xf32, #tpu.memory_space<vmem>>, vector<128x128xf32>
    tpu.vector_store %arg11[%swap3A_41, %swap3A_42], %add3A_40 {strides = array<i32>} : memref<128x128xf32, #tpu.memory_space<vmem>>, vector<128x128xf32>,
    %get3A_44 = arith.constant 0 : index
    %get3A_45 = arith.constant 0 : index
    %get3A_46 = vector.load %arg12[%get3A_44, %get3A_45] : memref<1x128xf32, #tpu.memory_space<vmem>>, vector<1x128xf32>
    %reduce_sum3A = arith.constant dense<0.000000e+00> : vector<128xf32>
    %reduce_sum3A_47 = vector.multi_reduction <add>, %max3A_27, %reduce_sum3A [0] : vector<2048x128xf32> to vector<128xf32>
    %broadcast_in_dim3A = vector.shape_cast %reduce_sum3A_47 : vector<128xf32> to vector<1x128xf32>
    %add3A_48 = arith.addf %get3A_46, %broadcast_in_dim3A : vector<1x128xf32>
    %swap3A_49 = arith.constant 0 : index
    %swap3A_50 = arith.constant 0 : index
    %swap3A_51 = vector.load %arg12[%swap3A_49, %swap3A_50] : memref<1x128xf32, #tpu.memory_space<vmem>>, vector<1x128xf32>
    tpu.vector_store %arg12[%swap3A_49, %swap3A_50], %add3A_48 {strides = array<i32>} : memref<1x128xf32, #tpu.memory_space<vmem>>, vector<1x128xf32>,
    return
  }
  func.func @transform_0(%arg0: i32) -> (i32, i32) {
    %c0_i32 = arith.constant 0 : i32
    %c0_i32_0 = arith.constant 0 : i32
    return %arg0, %c0_i32 : i32, i32
  }
  func.func @transform_1(%arg0: i32) -> (i32, i32) {
    %c0_i32 = arith.constant 0 : i32
    %c0_i32_0 = arith.constant 0 : i32
    return %c0_i32, %arg0 : i32, i32
  }
  func.func @transform_2(%arg0: i32) -> (i32, i32) {
    %c0_i32 = arith.constant 0 : i32
    %c0_i32_0 = arith.constant 0 : i32
    %c0_i32_1 = arith.constant 0 : i32
    return %c0_i32, %c0_i32_0 : i32, i32
  }
  func.func @transform_3(%arg0: i32) -> (i32, i32) {
    %c0_i32 = arith.constant 0 : i32
    %c0_i32_0 = arith.constant 0 : i32
    %c0_i32_1 = arith.constant 0 : i32
    return %c0_i32, %c0_i32_0 : i32, i32
  }
  func.func @transform_4(%arg0: i32) -> (i32, i32) {
    %c0_i32 = arith.constant 0 : i32
    %c0_i32_0 = arith.constant 0 : i32
    %c0_i32_1 = arith.constant 0 : i32
    return %c0_i32, %c0_i32_0 : i32, i32
  }
  func.func @transform_5(%arg0: i32) -> (i32, i32) {
    %c0_i32 = arith.constant 0 : i32
    %c0_i32_0 = arith.constant 0 : i32
    %c0_i32_1 = arith.constant 0 : i32
    return %c0_i32, %c0_i32_0 : i32, i32
  }
  func.func @transform_6(%arg0: i32) -> (i32, i32) {
    %c0_i32 = arith.constant 0 : i32
    %c0_i32_0 = arith.constant 0 : i32
    %c0_i32_1 = arith.constant 0 : i32
    return %c0_i32, %c0_i32_0 : i32, i32
  }
  func.func @transform_7(%arg0: i32) -> (i32, i32) {
    %c0_i32 = arith.constant 0 : i32
    %c0_i32_0 = arith.constant 0 : i32
    %c0_i32_1 = arith.constant 0 : i32
    return %c0_i32, %c0_i32_0 : i32, i32
  }
  func.func @transform_8(%arg0: i32) -> (i32, i32) {
    %c0_i32 = arith.constant 0 : i32
    %c0_i32_0 = arith.constant 0 : i32
    %c0_i32_1 = arith.constant 0 : i32
    return %c0_i32, %c0_i32_0 : i32, i32
  }
  func.func @transform_9(%arg0: i32) -> (i32, i32) {
    %c0_i32 = arith.constant 0 : i32
    %c0_i32_0 = arith.constant 0 : i32
    return %arg0, %c0_i32 : i32, i32
  }
  func.func @transform_10(%arg0: i32) -> (i32, i32) {
    %c0_i32 = arith.constant 0 : i32
    %c0_i32_0 = arith.constant 0 : i32
    %c0_i32_1 = arith.constant 0 : i32
    return %c0_i32, %c0_i32_0 : i32, i32
  }
  func.func @transform_11(%arg0: i32) -> (i32, i32) {
    %c0_i32 = arith.constant 0 : i32
    %c0_i32_0 = arith.constant 0 : i32
    %c0_i32_1 = arith.constant 0 : i32
    return %c0_i32, %c0_i32_0 : i32, i32
  }
}

module attributes {stable_mosaic.version = 14 : i64} {
  func.func @_layer2_body(%arg0: i32, %arg1: memref<2048x128xf32, #tpu.memory_space<vmem>>, %arg2: memref<128x128xf32, #tpu.memory_space<vmem>>, %arg3: memref<128x128xf32, #tpu.memory_space<vmem>>, %arg4: memref<1x128xf32, #tpu.memory_space<vmem>>, %arg5: memref<2048x128xf32, #tpu.memory_space<vmem>>, %arg6: memref<128x128xf32, #tpu.memory_space<vmem>>, %arg7: memref<1x128xf32, #tpu.memory_space<vmem>>, %arg8: memref<2x128xf32, #tpu.memory_space<vmem>>) attributes {dimension_semantics = [#tpu.dimension_semantics<arbitrary>], iteration_bounds = array<i64: 64>, scalar_prefetch = 0 : i64, scratch_operands = 1 : i64, tpu.core_type = #tpu.core_type<tc>, window_params = [{transform_indices = @transform_0, window_bounds = array<i64: 2048, 128>}, {pipeline_mode = #tpu.pipeline_mode<synchronous>, transform_indices = @transform_1, window_bounds = array<i64: 128, 128>}, {pipeline_mode = #tpu.pipeline_mode<synchronous>, transform_indices = @transform_2, window_bounds = array<i64: 128, 128>}, {pipeline_mode = #tpu.pipeline_mode<synchronous>, transform_indices = @transform_3, window_bounds = array<i64: 1, 128>}, {transform_indices = @transform_4, window_bounds = array<i64: 2048, 128>}, {pipeline_mode = #tpu.pipeline_mode<synchronous>, transform_indices = @transform_5, window_bounds = array<i64: 128, 128>}, {pipeline_mode = #tpu.pipeline_mode<synchronous>, transform_indices = @transform_6, window_bounds = array<i64: 1, 128>}]} {
    %eq3A = arith.constant 0 : i32
    %eq3A_0 = arith.cmpi eq, %arg0, %eq3A : i32
    %convert_element_type3A = arith.extui %eq3A_0 : i1 to i32
    %cond3A = arith.constant 1.310720e+05 : f32
    %cond3A_1 = arith.constant 0 : i32
    %cond3A_2 = arith.cmpi ne, %convert_element_type3A, %cond3A_1 : i32
    scf.if %cond3A_2 {
      %get3A_43 = arith.constant 0 : index
      %get3A_44 = arith.constant 0 : index
      %get3A_45 = vector.load %arg2[%get3A_43, %get3A_44] : memref<128x128xf32, #tpu.memory_space<vmem>>, vector<128x128xf32>
      %get3A_46 = arith.constant 0 : index
      %get3A_47 = arith.constant 0 : index
      %get3A_48 = vector.load %arg4[%get3A_46, %get3A_47] : memref<1x128xf32, #tpu.memory_space<vmem>>, vector<1x128xf32>
      %div3A = vector.broadcast %cond3A : f32 to vector<1x128xf32>
      %div3A_49 = arith.divf %get3A_48, %div3A : vector<1x128xf32>
      %get3A_50 = arith.constant 0 : index
      %get3A_51 = arith.constant 0 : index
      %get3A_52 = vector.load %arg3[%get3A_50, %get3A_51] : memref<128x128xf32, #tpu.memory_space<vmem>>, vector<128x128xf32>
      %div3A_53 = vector.broadcast %cond3A : f32 to vector<128x128xf32>
      %div3A_54 = arith.divf %get3A_52, %div3A_53 : vector<128x128xf32>
      %dot_general3A_55 = arith.constant dense<0.000000e+00> : vector<128x128xf32>
      %dot_general3A_56 = tpu.matmul %div3A_49, %div3A_49, %dot_general3A_55 {dimension_numbers = #tpu.dot_dimension_numbers<[0], [0], [1], [1], [0, 1, 1, 1], [], []>, transpose_lhs_hint = false} : vector<1x128xf32>, vector<1x128xf32>, vector<128x128xf32> -> vector<128x128xf32>
      %sub3A = arith.subf %div3A_54, %dot_general3A_56 : vector<128x128xf32>
      %dot_general3A_57 = arith.constant dense<0.000000e+00> : vector<128x128xf32>
      %dot_general3A_58 = tpu.matmul %get3A_45, %sub3A, %dot_general3A_57 {dimension_numbers = #tpu.dot_dimension_numbers<[1], [0], [0], [1], [0, 0, 1, 1], [], []>, transpose_lhs_hint = false} : vector<128x128xf32>, vector<128x128xf32>, vector<128x128xf32> -> vector<128x128xf32>
      %mul3A_59 = arith.mulf %dot_general3A_58, %get3A_45 : vector<128x128xf32>
      %reduce_sum3A_60 = arith.constant dense<0.000000e+00> : vector<128xf32>
      %reduce_sum3A_61 = vector.multi_reduction <add>, %mul3A_59, %reduce_sum3A_60 [1] : vector<128x128xf32> to vector<128xf32>
      %broadcast_in_dim3A_62 = vector.shape_cast %reduce_sum3A_61 : vector<128xf32> to vector<128x1xf32>
      %iota3A = tpu.iota {dimensions = array<i32: 0>} : vector<128x128xi32>
      %iota3A_63 = tpu.iota {dimensions = array<i32: 1>} : vector<128x128xi32>
      %eq3A_64 = arith.cmpi eq, %iota3A, %iota3A_63 : vector<128x128xi32>
      %convert_element_type3A_65 = arith.extui %eq3A_64 : vector<128x128xi1> to vector<128x128xi32>
      %convert_element_type3A_66 = arith.sitofp %convert_element_type3A_65 : vector<128x128xi32> to vector<128x128xf32>
      %dot_general3A_67 = arith.constant dense<0.000000e+00> : vector<1x128xf32>
      %dot_general3A_68 = tpu.matmul %broadcast_in_dim3A_62, %convert_element_type3A_66, %dot_general3A_67 {dimension_numbers = #tpu.dot_dimension_numbers<[0], [0], [1], [1], [0, 1, 1, 1], [], []>, transpose_lhs_hint = false} : vector<128x1xf32>, vector<128x128xf32>, vector<1x128xf32> -> vector<1x128xf32>
      %dot_general3A_69 = arith.constant dense<0.000000e+00> : vector<1x128xf32>
      %dot_general3A_70 = tpu.matmul %div3A_49, %get3A_45, %dot_general3A_69 {dimension_numbers = #tpu.dot_dimension_numbers<[1], [1], [0], [0], [0, 0, 1, 0], [], []>, transpose_lhs_hint = false} : vector<1x128xf32>, vector<128x128xf32>, vector<1x128xf32> -> vector<1x128xf32>
      %add3A_71 = arith.constant 9.99999974E-6 : f32
      %add3A_72 = vector.broadcast %add3A_71 : f32 to vector<1x128xf32>
      %add3A_73 = arith.addf %dot_general3A_68, %add3A_72 : vector<1x128xf32>
      %rsqrt3A = math.rsqrt %add3A_73 : vector<1x128xf32>
      %swap3A_74 = arith.constant 0 : index
      %swap3A_75 = arith.constant 0 : index
      %swap3A_76 = vector.load %arg8[%swap3A_74, %swap3A_75] : memref<2x128xf32, #tpu.memory_space<vmem>>, vector<1x128xf32>
      tpu.vector_store %arg8[%swap3A_74, %swap3A_75], %rsqrt3A {strides = array<i32>} : memref<2x128xf32, #tpu.memory_space<vmem>>, vector<1x128xf32>,
      %neg3A = arith.constant 0.000000e+00 : f32
      %neg3A_77 = vector.broadcast %neg3A : f32 to vector<1x128xf32>
      %neg3A_78 = arith.subf %neg3A_77, %dot_general3A_70 : vector<1x128xf32>
      %mul3A_79 = arith.mulf %neg3A_78, %rsqrt3A : vector<1x128xf32>
      %swap3A_80 = arith.constant 1 : index
      %swap3A_81 = arith.constant 0 : index
      %swap3A_82 = vector.load %arg8[%swap3A_80, %swap3A_81] : memref<2x128xf32, #tpu.memory_space<vmem>>, vector<1x128xf32>
      tpu.vector_store %arg8[%swap3A_80, %swap3A_81], %mul3A_79 {strides = array<i32>} : memref<2x128xf32, #tpu.memory_space<vmem>>, vector<1x128xf32>,
    } else {
    }
    %get3A = arith.constant 0 : index
    %get3A_3 = arith.constant 0 : index
    %get3A_4 = vector.load %arg1[%get3A, %get3A_3] : memref<2048x128xf32, #tpu.memory_space<vmem>>, vector<2048x128xf32>
    %get3A_5 = arith.constant 0 : index
    %get3A_6 = arith.constant 0 : index
    %get3A_7 = vector.load %arg2[%get3A_5, %get3A_6] : memref<128x128xf32, #tpu.memory_space<vmem>>, vector<128x128xf32>
    %dot_general3A = arith.constant dense<0.000000e+00> : vector<2048x128xf32>
    %dot_general3A_8 = tpu.matmul %get3A_4, %get3A_7, %dot_general3A {dimension_numbers = #tpu.dot_dimension_numbers<[1], [1], [0], [0], [0, 0, 1, 0], [], []>, transpose_lhs_hint = false} : vector<2048x128xf32>, vector<128x128xf32>, vector<2048x128xf32> -> vector<2048x128xf32>
    %get3A_9 = arith.constant 0 : index
    %get3A_10 = arith.constant 0 : index
    %get3A_11 = vector.load %arg8[%get3A_9, %get3A_10] : memref<2x128xf32, #tpu.memory_space<vmem>>, vector<1x128xf32>
    %mul3A = vector.broadcast %get3A_11 : vector<1x128xf32> to vector<2048x128xf32>
    %mul3A_12 = arith.mulf %dot_general3A_8, %mul3A : vector<2048x128xf32>
    %get3A_13 = arith.constant 1 : index
    %get3A_14 = arith.constant 0 : index
    %get3A_15 = vector.load %arg8[%get3A_13, %get3A_14] : memref<2x128xf32, #tpu.memory_space<vmem>>, vector<1x128xf32>
    %add3A = vector.broadcast %get3A_15 : vector<1x128xf32> to vector<2048x128xf32>
    %add3A_16 = arith.addf %mul3A_12, %add3A : vector<2048x128xf32>
    %max3A = arith.constant 0.000000e+00 : f32
    %max3A_17 = vector.broadcast %max3A : f32 to vector<2048x128xf32>
    %max3A_18 = arith.maximumf %add3A_16, %max3A_17 : vector<2048x128xf32>
    %swap3A = arith.constant 0 : index
    %swap3A_19 = arith.constant 0 : index
    %swap3A_20 = vector.load %arg5[%swap3A, %swap3A_19] : memref<2048x128xf32, #tpu.memory_space<vmem>>, vector<2048x128xf32>
    tpu.vector_store %arg5[%swap3A, %swap3A_19], %max3A_18 {strides = array<i32>} : memref<2048x128xf32, #tpu.memory_space<vmem>>, vector<2048x128xf32>,
    %eq3A_21 = arith.constant 0 : i32
    %eq3A_22 = arith.cmpi eq, %arg0, %eq3A_21 : i32
    %convert_element_type3A_23 = arith.extui %eq3A_22 : i1 to i32
    %cond3A_24 = arith.constant 0 : i32
    %cond3A_25 = arith.cmpi ne, %convert_element_type3A_23, %cond3A_24 : i32
    scf.if %cond3A_25 {
      %broadcast_in_dim3A_43 = arith.constant 0.000000e+00 : f32
      %broadcast_in_dim3A_44 = vector.broadcast %broadcast_in_dim3A_43 : f32 to vector<128x128xf32>
      %swap3A_45 = arith.constant 0 : index
      %swap3A_46 = arith.constant 0 : index
      %swap3A_47 = vector.load %arg6[%swap3A_45, %swap3A_46] : memref<128x128xf32, #tpu.memory_space<vmem>>, vector<128x128xf32>
      tpu.vector_store %arg6[%swap3A_45, %swap3A_46], %broadcast_in_dim3A_44 {strides = array<i32>} : memref<128x128xf32, #tpu.memory_space<vmem>>, vector<128x128xf32>,
      %broadcast_in_dim3A_48 = arith.constant 0.000000e+00 : f32
      %broadcast_in_dim3A_49 = vector.broadcast %broadcast_in_dim3A_48 : f32 to vector<1x128xf32>
      %swap3A_50 = arith.constant 0 : index
      %swap3A_51 = arith.constant 0 : index
      %swap3A_52 = vector.load %arg7[%swap3A_50, %swap3A_51] : memref<1x128xf32, #tpu.memory_space<vmem>>, vector<1x128xf32>
      tpu.vector_store %arg7[%swap3A_50, %swap3A_51], %broadcast_in_dim3A_49 {strides = array<i32>} : memref<1x128xf32, #tpu.memory_space<vmem>>, vector<1x128xf32>,
    } else {
    }
    %get3A_26 = arith.constant 0 : index
    %get3A_27 = arith.constant 0 : index
    %get3A_28 = vector.load %arg6[%get3A_26, %get3A_27] : memref<128x128xf32, #tpu.memory_space<vmem>>, vector<128x128xf32>
    %dot_general3A_29 = arith.constant dense<0.000000e+00> : vector<128x128xf32>
    %dot_general3A_30 = tpu.matmul %max3A_18, %max3A_18, %dot_general3A_29 {dimension_numbers = #tpu.dot_dimension_numbers<[0], [0], [1], [1], [0, 1, 1, 1], [], []>, transpose_lhs_hint = false} : vector<2048x128xf32>, vector<2048x128xf32>, vector<128x128xf32> -> vector<128x128xf32>
    %add3A_31 = arith.addf %get3A_28, %dot_general3A_30 : vector<128x128xf32>
    %swap3A_32 = arith.constant 0 : index
    %swap3A_33 = arith.constant 0 : index
    %swap3A_34 = vector.load %arg6[%swap3A_32, %swap3A_33] : memref<128x128xf32, #tpu.memory_space<vmem>>, vector<128x128xf32>
    tpu.vector_store %arg6[%swap3A_32, %swap3A_33], %add3A_31 {strides = array<i32>} : memref<128x128xf32, #tpu.memory_space<vmem>>, vector<128x128xf32>,
    %get3A_35 = arith.constant 0 : index
    %get3A_36 = arith.constant 0 : index
    %get3A_37 = vector.load %arg7[%get3A_35, %get3A_36] : memref<1x128xf32, #tpu.memory_space<vmem>>, vector<1x128xf32>
    %reduce_sum3A = arith.constant dense<0.000000e+00> : vector<128xf32>
    %reduce_sum3A_38 = vector.multi_reduction <add>, %max3A_18, %reduce_sum3A [0] : vector<2048x128xf32> to vector<128xf32>
    %broadcast_in_dim3A = vector.shape_cast %reduce_sum3A_38 : vector<128xf32> to vector<1x128xf32>
    %add3A_39 = arith.addf %get3A_37, %broadcast_in_dim3A : vector<1x128xf32>
    %swap3A_40 = arith.constant 0 : index
    %swap3A_41 = arith.constant 0 : index
    %swap3A_42 = vector.load %arg7[%swap3A_40, %swap3A_41] : memref<1x128xf32, #tpu.memory_space<vmem>>, vector<1x128xf32>
    tpu.vector_store %arg7[%swap3A_40, %swap3A_41], %add3A_39 {strides = array<i32>} : memref<1x128xf32, #tpu.memory_space<vmem>>, vector<1x128xf32>,
    return
  }
  func.func @transform_0(%arg0: i32) -> (i32, i32) {
    %c0_i32 = arith.constant 0 : i32
    %c0_i32_0 = arith.constant 0 : i32
    return %arg0, %c0_i32 : i32, i32
  }
  func.func @transform_1(%arg0: i32) -> (i32, i32) {
    %c0_i32 = arith.constant 0 : i32
    %c0_i32_0 = arith.constant 0 : i32
    %c0_i32_1 = arith.constant 0 : i32
    return %c0_i32, %c0_i32_0 : i32, i32
  }
  func.func @transform_2(%arg0: i32) -> (i32, i32) {
    %c0_i32 = arith.constant 0 : i32
    %c0_i32_0 = arith.constant 0 : i32
    %c0_i32_1 = arith.constant 0 : i32
    return %c0_i32, %c0_i32_0 : i32, i32
  }
  func.func @transform_3(%arg0: i32) -> (i32, i32) {
    %c0_i32 = arith.constant 0 : i32
    %c0_i32_0 = arith.constant 0 : i32
    %c0_i32_1 = arith.constant 0 : i32
    return %c0_i32, %c0_i32_0 : i32, i32
  }
  func.func @transform_4(%arg0: i32) -> (i32, i32) {
    %c0_i32 = arith.constant 0 : i32
    %c0_i32_0 = arith.constant 0 : i32
    return %arg0, %c0_i32 : i32, i32
  }
  func.func @transform_5(%arg0: i32) -> (i32, i32) {
    %c0_i32 = arith.constant 0 : i32
    %c0_i32_0 = arith.constant 0 : i32
    %c0_i32_1 = arith.constant 0 : i32
    return %c0_i32, %c0_i32_0 : i32, i32
  }
  func.func @transform_6(%arg0: i32) -> (i32, i32) {
    %c0_i32 = arith.constant 0 : i32
    %c0_i32_0 = arith.constant 0 : i32
    %c0_i32_1 = arith.constant 0 : i32
    return %c0_i32, %c0_i32_0 : i32, i32
  }
}

module attributes {stable_mosaic.version = 14 : i64} {
  func.func @_layer3_body(%arg0: i32, %arg1: memref<2048x128xf32, #tpu.memory_space<vmem>>, %arg2: memref<256x128xf32, #tpu.memory_space<vmem>>, %arg3: memref<128x128xf32, #tpu.memory_space<vmem>>, %arg4: memref<1x128xf32, #tpu.memory_space<vmem>>, %arg5: memref<64x256xf32, #tpu.memory_space<vmem>>, %arg6: memref<2x256xf32, #tpu.memory_space<vmem>>) attributes {dimension_semantics = [#tpu.dimension_semantics<arbitrary>], iteration_bounds = array<i64: 64>, scalar_prefetch = 0 : i64, scratch_operands = 1 : i64, tpu.core_type = #tpu.core_type<tc>, window_params = [{transform_indices = @transform_0, window_bounds = array<i64: 2048, 128>}, {pipeline_mode = #tpu.pipeline_mode<synchronous>, transform_indices = @transform_1, window_bounds = array<i64: 256, 128>}, {pipeline_mode = #tpu.pipeline_mode<synchronous>, transform_indices = @transform_2, window_bounds = array<i64: 128, 128>}, {pipeline_mode = #tpu.pipeline_mode<synchronous>, transform_indices = @transform_3, window_bounds = array<i64: 1, 128>}, {transform_indices = @transform_4, window_bounds = array<i64: 64, 256>}]} {
    %eq3A = arith.constant 0 : i32
    %eq3A_0 = arith.cmpi eq, %arg0, %eq3A : i32
    %convert_element_type3A = arith.extui %eq3A_0 : i1 to i32
    %cond3A = arith.constant 1.310720e+05 : f32
    %cond3A_1 = arith.constant 0 : i32
    %cond3A_2 = arith.cmpi ne, %convert_element_type3A, %cond3A_1 : i32
    scf.if %cond3A_2 {
      %get3A_22 = arith.constant 0 : index
      %get3A_23 = arith.constant 0 : index
      %get3A_24 = vector.load %arg2[%get3A_22, %get3A_23] : memref<256x128xf32, #tpu.memory_space<vmem>>, vector<256x128xf32>
      %get3A_25 = arith.constant 0 : index
      %get3A_26 = arith.constant 0 : index
      %get3A_27 = vector.load %arg4[%get3A_25, %get3A_26] : memref<1x128xf32, #tpu.memory_space<vmem>>, vector<1x128xf32>
      %div3A = vector.broadcast %cond3A : f32 to vector<1x128xf32>
      %div3A_28 = arith.divf %get3A_27, %div3A : vector<1x128xf32>
      %get3A_29 = arith.constant 0 : index
      %get3A_30 = arith.constant 0 : index
      %get3A_31 = vector.load %arg3[%get3A_29, %get3A_30] : memref<128x128xf32, #tpu.memory_space<vmem>>, vector<128x128xf32>
      %div3A_32 = vector.broadcast %cond3A : f32 to vector<128x128xf32>
      %div3A_33 = arith.divf %get3A_31, %div3A_32 : vector<128x128xf32>
      %dot_general3A_34 = arith.constant dense<0.000000e+00> : vector<128x128xf32>
      %dot_general3A_35 = tpu.matmul %div3A_28, %div3A_28, %dot_general3A_34 {dimension_numbers = #tpu.dot_dimension_numbers<[0], [0], [1], [1], [0, 1, 1, 1], [], []>, transpose_lhs_hint = false} : vector<1x128xf32>, vector<1x128xf32>, vector<128x128xf32> -> vector<128x128xf32>
      %sub3A = arith.subf %div3A_33, %dot_general3A_35 : vector<128x128xf32>
      %dot_general3A_36 = arith.constant dense<0.000000e+00> : vector<256x128xf32>
      %dot_general3A_37 = tpu.matmul %get3A_24, %sub3A, %dot_general3A_36 {dimension_numbers = #tpu.dot_dimension_numbers<[1], [0], [0], [1], [0, 0, 1, 1], [], []>, transpose_lhs_hint = false} : vector<256x128xf32>, vector<128x128xf32>, vector<256x128xf32> -> vector<256x128xf32>
      %mul3A_38 = arith.mulf %dot_general3A_37, %get3A_24 : vector<256x128xf32>
      %reduce_sum3A = arith.constant dense<0.000000e+00> : vector<256xf32>
      %reduce_sum3A_39 = vector.multi_reduction <add>, %mul3A_38, %reduce_sum3A [1] : vector<256x128xf32> to vector<256xf32>
      %broadcast_in_dim3A = vector.shape_cast %reduce_sum3A_39 : vector<256xf32> to vector<256x1xf32>
      %iota3A = tpu.iota {dimensions = array<i32: 0>} : vector<256x256xi32>
      %iota3A_40 = tpu.iota {dimensions = array<i32: 1>} : vector<256x256xi32>
      %eq3A_41 = arith.cmpi eq, %iota3A, %iota3A_40 : vector<256x256xi32>
      %convert_element_type3A_42 = arith.extui %eq3A_41 : vector<256x256xi1> to vector<256x256xi32>
      %convert_element_type3A_43 = arith.sitofp %convert_element_type3A_42 : vector<256x256xi32> to vector<256x256xf32>
      %dot_general3A_44 = arith.constant dense<0.000000e+00> : vector<1x256xf32>
      %dot_general3A_45 = tpu.matmul %broadcast_in_dim3A, %convert_element_type3A_43, %dot_general3A_44 {dimension_numbers = #tpu.dot_dimension_numbers<[0], [0], [1], [1], [0, 1, 1, 1], [], []>, transpose_lhs_hint = false} : vector<256x1xf32>, vector<256x256xf32>, vector<1x256xf32> -> vector<1x256xf32>
      %dot_general3A_46 = arith.constant dense<0.000000e+00> : vector<1x256xf32>
      %dot_general3A_47 = tpu.matmul %div3A_28, %get3A_24, %dot_general3A_46 {dimension_numbers = #tpu.dot_dimension_numbers<[1], [1], [0], [0], [0, 0, 1, 0], [], []>, transpose_lhs_hint = false} : vector<1x128xf32>, vector<256x128xf32>, vector<1x256xf32> -> vector<1x256xf32>
      %add3A_48 = arith.constant 9.99999974E-6 : f32
      %add3A_49 = vector.broadcast %add3A_48 : f32 to vector<1x256xf32>
      %add3A_50 = arith.addf %dot_general3A_45, %add3A_49 : vector<1x256xf32>
      %rsqrt3A = math.rsqrt %add3A_50 : vector<1x256xf32>
      %swap3A_51 = arith.constant 0 : index
      %swap3A_52 = arith.constant 0 : index
      %swap3A_53 = vector.load %arg6[%swap3A_51, %swap3A_52] : memref<2x256xf32, #tpu.memory_space<vmem>>, vector<1x256xf32>
      tpu.vector_store %arg6[%swap3A_51, %swap3A_52], %rsqrt3A {strides = array<i32>} : memref<2x256xf32, #tpu.memory_space<vmem>>, vector<1x256xf32>,
      %neg3A = arith.constant 0.000000e+00 : f32
      %neg3A_54 = vector.broadcast %neg3A : f32 to vector<1x256xf32>
      %neg3A_55 = arith.subf %neg3A_54, %dot_general3A_47 : vector<1x256xf32>
      %mul3A_56 = arith.mulf %neg3A_55, %rsqrt3A : vector<1x256xf32>
      %swap3A_57 = arith.constant 1 : index
      %swap3A_58 = arith.constant 0 : index
      %swap3A_59 = vector.load %arg6[%swap3A_57, %swap3A_58] : memref<2x256xf32, #tpu.memory_space<vmem>>, vector<1x256xf32>
      tpu.vector_store %arg6[%swap3A_57, %swap3A_58], %mul3A_56 {strides = array<i32>} : memref<2x256xf32, #tpu.memory_space<vmem>>, vector<1x256xf32>,
    } else {
    }
    %get3A = arith.constant 0 : index
    %get3A_3 = arith.constant 0 : index
    %get3A_4 = vector.load %arg1[%get3A, %get3A_3] : memref<2048x128xf32, #tpu.memory_space<vmem>>, vector<2048x128xf32>
    %get3A_5 = arith.constant 0 : index
    %get3A_6 = arith.constant 0 : index
    %get3A_7 = vector.load %arg2[%get3A_5, %get3A_6] : memref<256x128xf32, #tpu.memory_space<vmem>>, vector<256x128xf32>
    %dot_general3A = arith.constant dense<0.000000e+00> : vector<2048x256xf32>
    %dot_general3A_8 = tpu.matmul %get3A_4, %get3A_7, %dot_general3A {dimension_numbers = #tpu.dot_dimension_numbers<[1], [1], [0], [0], [0, 0, 1, 0], [], []>, transpose_lhs_hint = false} : vector<2048x128xf32>, vector<256x128xf32>, vector<2048x256xf32> -> vector<2048x256xf32>
    %reshape3A = vector.shape_cast %dot_general3A_8 : vector<2048x256xf32> to vector<64x32x256xf32>
    %reduce_max3A = arith.constant dense<0xFF800000> : vector<64x256xf32>
    %reduce_max3A_9 = vector.multi_reduction <maximumf>, %reshape3A, %reduce_max3A [1] : vector<64x32x256xf32> to vector<64x256xf32>
    %get3A_10 = arith.constant 0 : index
    %get3A_11 = arith.constant 0 : index
    %get3A_12 = vector.load %arg6[%get3A_10, %get3A_11] : memref<2x256xf32, #tpu.memory_space<vmem>>, vector<1x256xf32>
    %mul3A = vector.broadcast %get3A_12 : vector<1x256xf32> to vector<64x256xf32>
    %mul3A_13 = arith.mulf %reduce_max3A_9, %mul3A : vector<64x256xf32>
    %get3A_14 = arith.constant 1 : index
    %get3A_15 = arith.constant 0 : index
    %get3A_16 = vector.load %arg6[%get3A_14, %get3A_15] : memref<2x256xf32, #tpu.memory_space<vmem>>, vector<1x256xf32>
    %add3A = vector.broadcast %get3A_16 : vector<1x256xf32> to vector<64x256xf32>
    %add3A_17 = arith.addf %mul3A_13, %add3A : vector<64x256xf32>
    %max3A = arith.constant 0.000000e+00 : f32
    %max3A_18 = vector.broadcast %max3A : f32 to vector<64x256xf32>
    %max3A_19 = arith.maximumf %add3A_17, %max3A_18 : vector<64x256xf32>
    %swap3A = arith.constant 0 : index
    %swap3A_20 = arith.constant 0 : index
    %swap3A_21 = vector.load %arg5[%swap3A, %swap3A_20] : memref<64x256xf32, #tpu.memory_space<vmem>>, vector<64x256xf32>
    tpu.vector_store %arg5[%swap3A, %swap3A_20], %max3A_19 {strides = array<i32>} : memref<64x256xf32, #tpu.memory_space<vmem>>, vector<64x256xf32>,
    return
  }
  func.func @transform_0(%arg0: i32) -> (i32, i32) {
    %c0_i32 = arith.constant 0 : i32
    %c0_i32_0 = arith.constant 0 : i32
    return %arg0, %c0_i32 : i32, i32
  }
  func.func @transform_1(%arg0: i32) -> (i32, i32) {
    %c0_i32 = arith.constant 0 : i32
    %c0_i32_0 = arith.constant 0 : i32
    %c0_i32_1 = arith.constant 0 : i32
    return %c0_i32, %c0_i32_0 : i32, i32
  }
  func.func @transform_2(%arg0: i32) -> (i32, i32) {
    %c0_i32 = arith.constant 0 : i32
    %c0_i32_0 = arith.constant 0 : i32
    %c0_i32_1 = arith.constant 0 : i32
    return %c0_i32, %c0_i32_0 : i32, i32
  }
  func.func @transform_3(%arg0: i32) -> (i32, i32) {
    %c0_i32 = arith.constant 0 : i32
    %c0_i32_0 = arith.constant 0 : i32
    %c0_i32_1 = arith.constant 0 : i32
    return %c0_i32, %c0_i32_0 : i32, i32
  }
  func.func @transform_4(%arg0: i32) -> (i32, i32) {
    %c0_i32 = arith.constant 0 : i32
    %c0_i32_0 = arith.constant 0 : i32
    return %arg0, %c0_i32 : i32, i32
  }
}

</mosaic_0001>

<sc_bundles>
// kernel: kernel.8.cloned.1.call-start
scs
__scs_entry_jumppad:
0x0: {  	(pc) =	sbr.rel $0x88, $3  }
0x1: {  	(tag) =	ssettag $0x0;
	lr =	simm.s32 $0x1  }
0x2: {  	[smem:$0x3F9C] =	sst lr;
	_ =	strace $0xD0000000  }
0x3: {  	_ = 	snop  }
0x4: {  	_ = 	snop  }
0x5: {  	_ = 	snop  }
0x6: {  	_ = 	snop  }
0x7: {  	_ = 	snop  }
__scs_overlays_trampoline_lowered:
0x8: {  	[smem:$0x3FAB] =	sst s0  }
0x9: {  	[smem:$0x3FAC] =	sst s1  }
0xa: {  	[smem:$0x3FAD] =	sst s2  }
0xb: {  	[smem:$0x3FAE] =	sst s3  }
0xc: {  	[smem:$0x3FAF] =	sst s4  }
0xd: {  	[smem:$0x3FB0] =	sst s5  }
0xe: {  	[smem:$0x3FB1] =	sst s6  }
0xf: {  	[smem:$0x3FB2] =	sst s7  }
0x10: {  	[smem:$0x3FB3] =	sst s8  }
0x11: {  	[smem:$0x3FB4] =	sst s9;
	s0 =	simm.s32 @!p0 $0x0  }
0x12: {  	s1 =	sld [smem:$0x3F9A];
	s0 =	simm.s32 @p0 $0x1  }
0x13: {  	[smem:$0x3FB5] =	sst s0;
	s0 =	simm.s32 @!p1 $0x0  }
0x14: {  	s2 =	sld [smem:$0x3F99];
	s0 =	simm.s32 @p1 $0x1  }
0x15: {  	[smem:$0x3FB6] =	sst s0;
	s0 =	simm.s32 @!p2 $0x0  }
0x16: {  	s3 =	sld [smem:$0x3FDB];
	s0 =	simm.s32 @p2 $0x1  }
0x17: {  	s4 =	simm.s32 $0x1BF5;
	[smem:$0x3FB8] =	sst s0  }
0x18: {  	s0 =	sld [smem:$0x3F9B];
	_ =	swait.ge [sflag:s4], $0x0  }
0x19: {  	s7 =	sld [smem:$0x3F9C]  }
0x1a: {  	s8 =	sadd.s32 $0xFFFFE003, lr  }
0x1b: {  	s9 =	sadd.s32 $0xFFFFFEF7, lr;
	s5 =	simm.s32 $0xFFFFFFFF;
	p2 =	slt.u32 s8, $0xFFFFF086  }
0x1c: {  	p1 =	slt.u32 s9, $0xF7A;
	s5 =	simm.s32 @!p2 $0x0  }
0x1d: {  	s5 =	simm.s32 @p1 $0x1;
	p0 =	seq.s32 s7, s2  }
0x1e: {  	s7 =	smul.u32 @!p0 $0xF7A, s2;
	p2 =	seq.s32 @!p0 s5, $0x0  }
0x1f: {  	s9 =	smul.u32 $0xF7A, s1;
	s8 =	simm.s32 @!p0 $0x1BF5;
	p2 =	por !p2, p0  }
0x20: {  	[sflag:s8] =	ssyncset.s32 @!p0 $0xFFFFF086;
	s6 =	sadd.s32 @!p0 s3, s7;
	s7 =	simm.s32 @!p0 $0x108  }
0x21: {  	s3 =	sadd.s32 s3, s9;
	s6 =	sadd.s32 @!p0 $0x88, s6;
	s7 =	simm.s32 @p2 $0x1082  }
0x22: {  	[simem:s7], [sflag:s8] =	dma.local @!p0 [hbm:s6], $0xF7A  }
0x23: {  	s9 =	sor.u32 $0xD0000000, s2;
	s6 =	simm.s32 $0x108;
	_ =	swait.ge @!p0 [sflag:s8], $0x0  }
0x24: {  	s3 =	sadd.s32 $0x88, s3;
	s6 =	simm.s32 @!p1 $0x1082;
	[sflag:s4] =	ssyncset.s32 $0xFFFFF086  }
0x25: {  	[simem:s6], [sflag:s4] =	dma.local [hbm:s3], $0xF7A  }
0x26: {  	[smem:$0x3F9C] =	sst s1;
	(tag) =	ssettag s2;
	_ =	strace s9  }
0x27: {  	s1 =	sld [smem:$0x3FAC]  }
0x28: {  	s2 =	sld [smem:$0x3FAD]  }
0x29: {  	s4 =	sld [smem:$0x3FAF]  }
0x2a: {  	p0 =	seq.s32 s5, $0x0;
	s5 =	sld [smem:$0x3FB0]  }
0x2b: {  	s6 =	sld [smem:$0x3FB1]  }
0x2c: {  	s7 =	sld [smem:$0x3FB2]  }
0x2d: {  	s3 =	simm.s32 $0x108;
	s8 =	sld [smem:$0x3FB3]  }
0x2e: {  	s3 =	simm.s32 @!p0 $0x1082;
	s9 =	sld [smem:$0x3FB4]  }
0x2f: {  	lr =	sadd.s32 s0, s3;
	s0 =	sld [smem:$0x3FAB]  }
0x30: {  	s3 =	sld [smem:$0x3FAE]  }
0x31: {  	[smem:$0x3FB7] =	sst s10  }
0x32: {  	s10 =	sld [smem:$0x3FB5];
	_ =	sdelay $0x3  }
0x33: {  	p0 =	seq.s32 s10, $0x1;
	s10 =	sld [smem:$0x3FB7];
	_ =	sdelay $0x3  }
0x34: {  	[smem:$0x3FB7] =	sst s10  }
0x35: {  	s10 =	sld [smem:$0x3FB6];
	_ =	sdelay $0x3  }
0x36: {  	p1 =	seq.s32 s10, $0x1;
	s10 =	sld [smem:$0x3FB7];
	_ =	sdelay $0x3  }
0x37: {  	[smem:$0x3FB7] =	sst s10  }
0x38: {  	s10 =	sld [smem:$0x3FB8]  }
0x39: {  	_ = 	snop;
	(pc) =	sbr.ind lr, $3  }
0x3a: {  	_ = 	snop  }
0x3b: {  	_ = 	snop  }
0x3c: {  	p2 =	seq.s32 s10, $0x1;
	s10 =	sld [smem:$0x3FB7]  }
0x3d: {  	_ =	shalt  }
0x3e: {  	_ =	shalt  }
0x3f: {  	_ =	shalt  }
0x40: {  	_ =	shalt  }
0x41: {  	_ =	shalt  }
0x42: {  	_ =	shalt  }
0x43: {  	_ =	shalt  }
0x44: {  	_ =	shalt  }
0x45: {  	_ =	shalt  }
0x46: {  	_ =	shalt  }
0x47: {  	_ =	shalt  }
0x48: {  	_ =	shalt  }
0x49: {  	_ =	shalt  }
0x4a: {  	_ =	shalt  }
0x4b: {  	_ =	shalt  }
0x4c: {  	_ =	shalt  }
0x4d: {  	_ =	shalt  }
0x4e: {  	_ =	shalt  }
0x4f: {  	_ =	shalt  }
0x50: {  	_ =	shalt  }
0x51: {  	_ =	shalt  }
0x52: {  	_ =	shalt  }
0x53: {  	_ =	shalt  }
0x54: {  	_ =	shalt  }
0x55: {  	_ =	shalt  }
0x56: {  	_ =	shalt  }
0x57: {  	_ =	shalt  }
0x58: {  	_ =	shalt  }
0x59: {  	_ =	shalt  }
0x5a: {  	_ =	shalt  }
0x5b: {  	_ =	shalt  }
0x5c: {  	_ =	shalt  }
0x5d: {  	_ =	shalt  }
0x5e: {  	_ =	shalt  }
0x5f: {  	_ =	shalt  }
0x60: {  	_ =	shalt  }
0x61: {  	_ =	shalt  }
0x62: {  	_ =	shalt  }
0x63: {  	_ =	shalt  }
0x64: {  	_ =	shalt  }
0x65: {  	_ =	shalt  }
0x66: {  	_ =	shalt  }
0x67: {  	_ =	shalt  }
0x68: {  	_ =	shalt  }
0x69: {  	_ =	shalt  }
0x6a: {  	_ =	shalt  }
0x6b: {  	_ =	shalt  }
0x6c: {  	_ =	shalt  }
0x6d: {  	_ =	shalt  }
0x6e: {  	_ =	shalt  }
0x6f: {  	_ =	shalt  }
0x70: {  	_ =	shalt  }
0x71: {  	_ =	shalt  }
0x72: {  	_ =	shalt  }
0x73: {  	_ =	shalt  }
0x74: {  	_ =	shalt  }
0x75: {  	_ =	shalt  }
0x76: {  	_ =	shalt  }
0x77: {  	_ =	shalt  }
0x78: {  	_ =	shalt  }
0x79: {  	_ =	shalt  }
0x7a: {  	_ =	shalt  }
0x7b: {  	_ =	shalt  }
0x7c: {  	_ =	shalt  }
0x7d: {  	_ =	shalt  }
0x7e: {  	_ =	shalt  }
0x7f: {  	_ =	shalt  }
0x80: {  	_ =	shalt  }
0x81: {  	_ =	shalt  }
0x82: {  	_ =	shalt  }
0x83: {  	_ =	shalt  }
0x84: {  	_ =	shalt  }
0x85: {  	_ =	shalt  }
0x86: {  	_ =	shalt  }
0x87: {  	_ =	shalt  }
.Lfunc_end0:
.L_simem_size_0:
called_computation_lowered:
.L_overlay_start_0:
0x88: {  	s2 =	sld [smem:$0x3FD9]  }
0x89: {  	s3 =	sld [smem:$0x3FFE];
	_ =	sdelay $0x1  }
0x8a: {  	s1 =	srdreg.scid  }
0x8b: {  	s0 =	sand.u32 $0x1, s1  }
0x8c: {  	s14 =	sshll.u32 s0, $0xA;
	s2 =	sadd.s32 s3, s2  }
0x8d: {  	s2 =	sadd.s32 s2, s14  }
0x8e: {  	[smem:$0x3FC3] =	sst s2  }
0x8f: {  	_ = 	snop  }
0x90: {  	s2 =	sld [smem:$0x3FD0];
	_ =	sdelay $0x2  }
0x91: {  	s15 =	simm.s32 $0xA;
	s4 =	simm.s32 $0x10  }
0x92: {  	[smem:s4], [sflag:s15] =	dma.local [hbm:s2], $0x1  }
0x93: {  	_ =	swait.eq [sflag:s15], $0x1  }
0x94: {  	[sflag:s15] =	ssyncset.done $0x0  }
0x95: {  	[sflag:s15] =	ssyncadd.s32 $0xFFFFFFFF  }
0x96: {  	s16 =	sld [smem:$0x11];
	(tm) =	ssettm $0x1  }
0x97: {  	s17 =	sld [smem:$0x3FFB];
	_ =	sdelay $0x3  }
0x98: {  	_ =	strace s17  }
0x99: {  	s3 =	sld [smem:$0x3FFC];
	_ =	sdelay $0x3  }
0x9a: {  	_ =	strace s3  }
0x9b: {  	s3 =	sld [smem:$0x3FFD];
	_ =	sdelay $0x3  }
0x9c: {  	_ =	strace s3  }
0x9d: {  	_ =	strace $0x8FFFFFFF  }
0x9e: {  	s18 =	sld [smem:$0x3FDB];
	_ =	sdelay $0x1  }
0x9f: {  	s19 =	simm.s32 $_scs_section_size  }
0xa0: {  	s5 =	simm.s32 $_size__tile_overlayer_lowered;
	s6 =	simm.s32 $_tile_overlayer_lowered  }
0xa1: {  	s22 =	simm.s32 $0x1BFF;
	s21 =	sshll.u32 s6, $0x1;
	s3 =	sadd.s32 s19, s18  }
0xa2: {  	s7 =	simm.s32 $0x0;
	s20 =	sshll.u32 s5, $0x1;
	s5 =	sadd.s32 s21, s3  }
0xa3: {  	[timem:s7], [sflag:s22] =	dma.local [hbm:s5], s20  }
0xa4: {  	_ =	swait.ge [sflag:s22], s20  }
0xa5: {  	s4 =	ssub.s32 $0x0, s20;
	[sflag:s22] =	ssyncset.done $0x0  }
0xa6: {  	[sflag:s22] =	ssyncadd.s32 s4;
	_ =	sdelay $0x1  }
0xa7: {  	s23 =	simm.s32 $0x1B8B  }
0xa8: {  	_ =	swait.ge [sflag:s23], $0x1  }
0xa9: {  	[sflag:s23] =	ssyncset.done $0x0  }
0xaa: {  	s25 =	simm.s32 $0x1B8E;
	s24 =	sld [smem:$0x3FFE];
	[sflag:s23] =	ssyncadd.s32 $0xFFFFFFFF  }
0xab: {  	s26 =	simm.s32 $execute0_lowered;
	[smem:$0x3FD2] =	sst s25  }
0xac: {  	s5 =	sshll.u32 s26, $0x1;
	_ =	strace $0x80000046;
	[dreg:$0x1] =	wrdreg $0xFFFFFFFF  }
0xad: {  	s28 =	simm.s32 $_size_execute0_lowered;
	s3 =	sadd.s32 s3, s5;
	[dreg:$0x0] =	wrdreg $0x0  }
0xae: {  	s5 =	sshll.u32 s28, $0x1;
	[dreg:$0x2] =	wrdreg s3  }
0xaf: {  	[dreg:$0x3] =	wrdreg s5  }
0xb0: {  	[dreg:$0x4] =	wrdreg $0xC0  }
0xb1: {  	_ =	task [dreg:s7], $0x5FFFF  }
0xb2: {  	[dreg:$0x1] =	wrdreg $0xFFFFFFFF  }
0xb3: {  	[dreg:$0x0] =	wrdreg $0x60  }
0xb4: {  	[dreg:$0x2] =	wrdreg s24  }
0xb5: {  	[dreg:$0x3] =	wrdreg s16  }
0xb6: {  	[dreg:$0x4] =	wrdreg $0x9  }
0xb7: {  	_ =	task.clear_ibuf [dreg:s7], $0x5FFFF;
	_ =	strace $0x90000046  }
0xb8: {  	s29 =	simm.s32 $0x9;
	_ =	strace $0x80000048  }
0xb9: {  	_ =	swait.ge [sflag:s29], $0x1  }
0xba: {  	[sflag:s29] =	ssyncadd.s32 $0xFFFFFFFF  }
0xbb: {  	_ =	strace $0x90000048  }
0xbc: {  	_ =	sfence  }
0xbd: {  	s30 =	sld [smem:$0x0];
	_ =	sdelay $0x2  }
0xbe: {  	s31 =	sshll.u32 s1, $0xD;
	s1 =	sshrl.u32 s1, $0x2  }
0xbf: {  	s3 =	sand.u32 $0x4000, s31;
	s1 =	sadd.s32 s1, s30  }
0xc0: {  	s0 =	sor.u32 s3, s0;
	s1 =	sshll.u32 s1, $0x11  }
0xc1: {  	s0 =	sor.u32 s1, s0  }
0xc2: {  	s0 =	sadd.s32 $0x8F2B, s0  }
0xc3: {  	[sflag:s0] =	ssyncadd.remote.s32 $0x1  }
0xc4: {  	_ =	sfence.sel $0xFFFF  }
0xc5: {  	[dreg:$0x0] =	wrdreg $0xFFFFFFFF;
	(pc) =	sbr.abs _section_cstart, $3  }
0xc6: {  	[dreg:$0x1] =	wrdreg $0xFFFFFFFF  }
0xc7: {  	_ =	task.clear_ibuf [dreg:s7], $0x2FFFF;
	_ =	strace $0x9FFFFFFF  }
0xc8: {  	(tm) =	ssettm $0x7FFFFFFF  }
0xc9: {  	_ =	shalt  }
tec
execute0_lowered:
.L_overlay_start_1:
0x0: {  	(tag) =	ssettag $0x1  }
0x1: {  	s0 =	rddreg [dreg:$0x0];
	s5 =	stileid.u32  }
0x2: {  	s1 =	rddreg [dreg:$0x1];
	s2 =	srdreg.scid;
	s29 =	simm.s32 $0x5200  }
0x3: {  	s3 =	sshll.u32 s5, $0x1;
	s4 =	sand.u32 $0x1, s2;
	s2 =	simm.s32 $0x0  }
0x4: {  	s5 =	sshrl.u32 s5, $0x1;
	s3 =	sand.u32 $0x2, s3;
	[smem:$0x7FF] =	sst s2  }
0x5: {  	s9 =	sshll.u32 s5, $0xA;
	s8 =	sshll.u32 s5, $0x9;
	s13 =	sshll.u32 s5, $0xC  }
0x6: {  	s5 =	sshll.u32 s5, $0xE;
	s6 =	sor.u32 s4, s3;
	_ =	strace $0x80000047  }
0x7: {  	s10 =	sadd.s32 s8, s0;
	s4 =	ssub.s32 $0x2, s4;
	s8 =	simm.s32 $0x11200  }
0x8: {  	v1 =	vmov s13;
	s13 =	simm.s32 $0x20000;
	s7 =	sshll.u32 s6, $0x8;
	s12 =	sadd.s32 $0x4400, s10  }
0x9: {  	s6 =	sshll.u32 s6, $0xC;
	s14 =	sadd.s32 $0x3400, s10;
	[dreg:$0x3] =	wrdreg s12  }
0xa: {  	s3 =	sor.u32 s9, s7;
	s9 =	sshrl.u32 s4, $0x1;
	[dreg:$0x4] =	wrdreg s14  }
0xb: {  	s7 =	sadd.s32 $0x2400, s10;
	s5 =	sor.u32 s5, s6;
	s10 =	simm.s32 $0x13200  }
0xc: {  	s12 =	simm.s32 $0x400;
	s14 =	simm.s32 $0x15200;
	s11 =	sadd.s32 s3, s0  }
0xd: {  	s3 =	sadd.s32 $0xB400, s0;
	s0 =	sadd.s32 $0x4B400, s0;
	s4 =	ssub.s32 s4, s9  }
0xe: {  	[dreg:$0x5] =	wrdreg s7;
	s18 =	sshll.u32 s5, $0x3;
	s19 =	sshrl.u32 s5, $0x3  }
0xf: {  	s20 =	sor.u32 $0x400, s5;
	s22 =	sor.u32 $0x800, s5;
	s5 =	sor.u32 $0xC00, s5  }
0x10: {  	s7 =	simm.s32 $0x5100;
	s9 =	simm.s32 $0x5180;
	s15 =	sadd.s32 $0x5400, s11  }
0x11: {  	s16 =	sadd.s32 $0x7400, s11;
	s17 =	sadd.s32 $0x9400, s11;
	s6 =	sadd.s32 s0, s18  }
0x12: {  	s21 =	sshll.u32 s20, $0x3;
	s23 =	sshrl.u32 s20, $0x3;
	[dreg:$0x6] =	wrdreg s15  }
0x13: {  	s24 =	sshll.u32 s22, $0x3;
	s26 =	sshrl.u32 s22, $0x3;
	[dreg:$0x7] =	wrdreg s16  }
0x14: {  	s28 =	sshll.u32 s5, $0x3;
	s5 =	sshrl.u32 s5, $0x3;
	[dreg:$0x8] =	wrdreg s17  }
0x15: {  	s31 =	smax.u32 s4, $0x1;
	s20 =	simm.s32 $0x1000;
	[dreg:$0x9] =	wrdreg s6  }
0x16: {  	s4 =	simm.s32 $0xD200;
	s6 =	sadd.s32 s1, s19;
	[dreg:$0x11] =	wrdreg s31  }
0x17: {  	s11 =	simm.s32 $0x1;
	s25 =	sadd.s32 s0, s24;
	[dreg:$0xa] =	wrdreg s6  }
0x18: {  	s30 =	sadd.s32 s1, s5;
	s19 =	simm.s32 $0x2;
	[dreg:$0xd] =	wrdreg s25  }
0x19: {  	s5 =	simm.s32 $0x5080;
	s6 =	sadd.s32 s0, s21;
	[dreg:$0x10] =	wrdreg s30  }
0x1a: {  	s15 =	simm.s32 $0x0;
	s0 =	sadd.s32 s0, s28;
	[dreg:$0xb] =	wrdreg s6  }
0x1b: {  	s21 =	simm.s32 $0x2000;
	s6 =	sadd.s32 s1, s23;
	[dreg:$0xf] =	wrdreg s0  }
0x1c: {  	v0 =	vlaneseq.u32;
	s25 =	simm.s32 $0x4800;
	[dreg:$0xc] =	wrdreg s6;
	s6 =	sadd.s32 s1, s26  }
0x1d: {  	v2 =	vimm.s32 $0x0;
	v3 =	vor.u32 $0x10, v0;
	s26 =	simm.s32 $0x80;
	[dreg:$0xe] =	wrdreg s6;
	s6 =	simm.s32 $0xF200  }
.LBB2_1:
0x1e: {  	s0 =	rddreg [dreg:$0x3]  }
0x1f: {  	[tilespmem:s2], [sflag:$0x2] =	stream.linear.gather [hbm4b:s0+s2], $0x1000, $0x38;
	[tilespmem:$0x15E00] =	vst v63  }
0x20: {  	_ =	swait.ge [sflag:s19], $0x1000  }
0x21: {  	[sflag:s19] =	ssyncset.done $0x0  }
0x22: {  	s18 =	rddreg [dreg:$0x4];
	[sflag:s19] =	ssyncadd.s32 $0xFFFFF000  }
0x23: {  	[tilespmem:s20], [sflag:$0x2] =	stream.linear.gather [hbm4b:s18+s2], $0x1000, $0x38;
	[tilespmem:$0x15E00] =	vst v63  }
0x24: {  	_ =	swait.ge [sflag:s19], $0x1000  }
0x25: {  	[sflag:s19] =	ssyncset.done $0x0  }
0x26: {  	s22 =	rddreg [dreg:$0x5];
	[sflag:s19] =	ssyncadd.s32 $0xFFFFF000  }
0x27: {  	[tilespmem:s21], [sflag:$0x2] =	stream.linear.gather [hbm4b:s22+s2], $0x1000, $0x38;
	[tilespmem:$0x15E00] =	vst v63  }
0x28: {  	_ =	swait.ge [sflag:s19], $0x1000  }
0x29: {  	[sflag:s19] =	ssyncset.done $0x0  }
0x2a: {  	s1 =	simm.s32 $0x3000;
	s23 =	rddreg [dreg:$0x6];
	[sflag:s19] =	ssyncadd.s32 $0xFFFFF000  }
0x2b: {  	[tilespmem:s1], [sflag:$0x2] =	stream.linear.gather [hbm4b:s23+s2], $0x800, $0x38;
	[tilespmem:$0x15E00] =	vst v63  }
0x2c: {  	_ =	swait.ge [sflag:s19], $0x800  }
0x2d: {  	[sflag:s19] =	ssyncset.done $0x0  }
0x2e: {  	s28 =	simm.s32 $0x3800;
	s24 =	rddreg [dreg:$0x7];
	[sflag:s19] =	ssyncadd.s32 $0xFFFFF800  }
0x2f: {  	[tilespmem:s28], [sflag:$0x2] =	stream.linear.gather [hbm4b:s24+s2], $0x800, $0x38;
	[tilespmem:$0x15E00] =	vst v63  }
0x30: {  	_ =	swait.ge [sflag:s19], $0x800  }
0x31: {  	[sflag:s19] =	ssyncset.done $0x0  }
0x32: {  	s31 =	simm.s32 $0x4000;
	s30 =	rddreg [dreg:$0x8];
	[sflag:s19] =	ssyncadd.s32 $0xFFFFF800  }
0x33: {  	[tilespmem:s31], [sflag:$0x2] =	stream.linear.gather [hbm4b:s30+s2], $0x800, $0x38;
	[tilespmem:$0x15E00] =	vst v63  }
0x34: {  	_ =	swait.ge [sflag:s19], $0x800  }
0x35: {  	[sflag:s19] =	ssyncset.done $0x0  }
0x36: {  	s16 =	simm.s32 $0x0;
	[sflag:s19] =	ssyncadd.s32 $0xFFFFF800  }
.LBB2_2:
0x37: {  	s0 =	sshll.u32 s16, $0x4  }
0x38: {  	s17 =	smul.u32 $0x30, s16;
	s22 =	simm.s32 $0x0;
	v4 =	vld [tilespmem:s0+$0x3000]  }
0x39: {  	s28 =	simm.s32 $0x1000;
	s30 =	simm.s32 $0x2000;
	s1 =	simm.s32 $0x0;
	v5 =	vld [tilespmem:s0+$0x3800]  }
0x3a: {  	s31 =	simm.s32 $0x0;
	v6 =	vld [tilespmem:s0+$0x4000];
	s0 =	simm.s32 $0x0;
	s18 =	sadd.s32 $0xFFFFFFFF, s17  }
.LBB2_3:
0x3b: {  	v7 =	vld [tilespmem:s31+$0x0]  }
0x3c: {  	v8 =	vld [tilespmem:s28+$0x0];
	_ =	sdelay $0x1  }
0x3d: {  	v9 =	vld [tilespmem:s30+$0x0];
	_ =	sdelay $0x2  }
0x3e: {  	v7 =	vsub.f32 v7, v4;
	v8 =	vsub.f32 v8, v5;
	_ =	sdelay $0x1  }
0x3f: {  	v9 =	vsub.f32 v9, v6;
	v7 =	vmul.f32 v7, v7;
	v8 =	vmul.f32 v8, v8;
	_ =	sdelay $0x1  }
0x40: {  	v7 =	vadd.f32 v8, v7;
	v8 =	vmul.f32 v9, v9;
	_ =	sdelay $0x1  }
0x41: {  	v7 =	vadd.f32 v8, v7;
	_ =	sdelay $0x1  }
0x42: {  	vm0 =	vle.f32 v7, $1.599999960e-01  }
0x43: {  	v7 =	vsel vm0, $0x1, v2  }
0x44: {  	(xrf0) =	vadd.scan.msk.s32 $0xffff, v7;
	_ =	sdelay $0x5  }
0x45: {  	v7, _, _ =	vpop (xrf0)  }
0x46: {  	v8 =	vxor.u32 $0x80000000, v7  }
0x47: {  	(xrf0) =	vmax.scan.msk.u32 $0xffff, v8;
	_ =	sdelay $0x5  }
0x48: {  	v8, _, _ =	vpop (xrf0)  }
0x49: {  	(v2sf) =	vpush v8, $0xF;
	_ =	sdelay $0xe  }
0x4a: {  	s24 =	spop (v2sf)  }
0x4b: {  	s24 =	sadd.s32 s24, s0  }
0x4c: {  	s23 =	sadd.s32 s0, s18;
	p0 =	sgt.u32 s22, $0xFE;
	s0 =	sadd.s32 $0x80000000, s24  }
0x4d: {  	p1 =	slt.s32 @!p0 s0, $0x20  }
0x4e: {  	v7 =	vadd.s32 s23, v7;
	p0 =	por p0, !p1  }
.Ltmp0:
0x4f: {  	_ = 	snop;
	(pc) =	sbr.rel @!p0 .LBB2_3-.Ltmp0, $3  }
0x50: {  	_ =	sdelay $0x1  }
0x51: {  	s22 =	sadd.s32 $0x1, s22;
	s31 =	sadd.s32 $0x10, s31;
	v8 =	vor.u32 s1, v0  }
0x52: {  	s28 =	sadd.s32 $0x10, s28;
	s30 =	sadd.s32 $0x10, s30;
	s1 =	sadd.s32 $0x10, s1;
	[tilespmem:v7+s25+$0x0] =	vst.idx.msk vm0, v8  }
0x53: {  	v7 =	vld [tilespmem:s17+$0x4800];
	_ =	sdelay $0x4  }
0x54: {  	v8 =	vmov s0;
	v9 =	vbroadcast v7, $0x0  }
0x55: {  	vm0 =	vgt.s32 v8, v0  }
0x56: {  	v7 =	vsel vm0, v7, v9;
	_ =	sdelay $0x2  }
0x57: {  	s31 =	sshll.u32 s16, $0x5;
	v10 =	vadd.s32 v1, v7  }
0x58: {  	[tilespmem:s31+$0x4E00] =	vst v10  }
0x59: {  	v10 =	vld.idx.msk [tilespmem:v7+s2+$0x0], $0xffff  }
0x5a: {  	v11 =	vld.idx.msk [tilespmem:v7+s20+$0x0], $0xffff  }
0x5b: {  	v7 =	vld.idx.msk [tilespmem:v7+s21+$0x0], $0xffff;
	_ =	sdelay $0x2  }
0x5c: {  	v10 =	vsub.f32 v10, v4  }
0x5d: {  	v11 =	vsub.f32 v11, v5  }
0x5e: {  	v7 =	vsub.f32 v7, v6;
	[tilespmem:s31+$0x15200] =	vst v10  }
0x5f: {  	[tilespmem:s31+$0x15600] =	vst v11  }
0x60: {  	[tilespmem:s31+$0x15A00] =	vst v7  }
0x61: {  	v7 =	vld [tilespmem:s17+$0x4810];
	_ =	sdelay $0x3  }
0x62: {  	vm15 =	vgt.s32 v8, v3  }
0x63: {  	v7 =	vsel vm15, v7, v9;
	_ =	sdelay $0x2  }
0x64: {  	v62 =	vadd.s32 v1, v7  }
0x65: {  	[tilespmem:s31+$0x4E10] =	vst v62  }
0x66: {  	v8 =	vld.idx.msk [tilespmem:v7+s2+$0x0], $0xffff  }
0x67: {  	v9 =	vld.idx.msk [tilespmem:v7+s20+$0x0], $0xffff  }
0x68: {  	v7 =	vld.idx.msk [tilespmem:v7+s21+$0x0], $0xffff  }
0x69: {  	s16 =	sadd.s32 $0x1, s16  }
0x6a: {  	p0 =	sne.s32 s16, $0x20  }
.Ltmp1:
0x6b: {  	v4 =	vsub.f32 v8, v4;
	(pc) =	sbr.rel @p0 .LBB2_2-.Ltmp1, $4  }
0x6c: {  	v5 =	vsub.f32 v9, v5  }
0x6d: {  	v63 =	vsub.f32 v7, v6;
	[tilespmem:s31+$0x15210] =	vst v4  }
0x6e: {  	[tilespmem:s31+$0x15610] =	vst v5  }
0x6f: {  	[tilespmem:s31+$0x15A10] =	vst v63  }
0x70: {  	s0 =	simm.s32 $0x4E00  }
0x71: {  	[tilespmem:s29], [sflag:$0x1] =	stream.indirect.gather [hbm4b:s3+s26], $0x40, s0, s26, $0xb8;
	[tilespmem:$0x15E00] =	vst v63  }
0x72: {  	s17 =	simm.s32 $0x4E80;
	s1 =	simm.s32 $0x7200  }
0x73: {  	[tilespmem:s1], [sflag:$0x1] =	stream.indirect.gather [hbm4b:s3+s26], $0x40, s17, s26, $0xb8;
	[tilespmem:$0x15E00] =	vst v63  }
0x74: {  	s18 =	simm.s32 $0x4F00;
	s22 =	simm.s32 $0x9200  }
0x75: {  	[tilespmem:s22], [sflag:$0x1] =	stream.indirect.gather [hbm4b:s3+s26], $0x40, s18, s26, $0xb8;
	[tilespmem:$0x15E00] =	vst v63  }
0x76: {  	s23 =	simm.s32 $0x4F80;
	s24 =	simm.s32 $0xB200  }
0x77: {  	[tilespmem:s24], [sflag:$0x1] =	stream.indirect.gather [hbm4b:s3+s26], $0x40, s23, s26, $0xb8;
	[tilespmem:$0x15E00] =	vst v63  }
0x78: {  	s28 =	simm.s32 $0x5000  }
0x79: {  	[tilespmem:s4], [sflag:$0x1] =	stream.indirect.gather [hbm4b:s3+s26], $0x40, s28, s26, $0xb8;
	[tilespmem:$0x15E00] =	vst v63  }
0x7a: {  	_ = 	snop  }
0x7b: {  	[tilespmem:s6], [sflag:$0x1] =	stream.indirect.gather [hbm4b:s3+s26], $0x40, s5, s26, $0xb8;
	[tilespmem:$0x15E00] =	vst v63  }
0x7c: {  	_ = 	snop  }
0x7d: {  	[tilespmem:s8], [sflag:$0x1] =	stream.indirect.gather [hbm4b:s3+s26], $0x40, s7, s26, $0xb8;
	[tilespmem:$0x15E00] =	vst v63  }
0x7e: {  	_ = 	snop  }
0x7f: {  	[tilespmem:s10], [sflag:$0x1] =	stream.indirect.gather [hbm4b:s3+s26], $0x40, s9, s26, $0xb8;
	[tilespmem:$0x15E00] =	vst v63  }
0x80: {  	_ =	swait.ge [sflag:s11], $0x2000  }
0x81: {  	[sflag:s11] =	ssyncset.done $0x0  }
0x82: {  	[sflag:s11] =	ssyncadd.s32 $0xFFFFE000  }
0x83: {  	_ =	swait.ge [sflag:s11], $0x2000  }
0x84: {  	[sflag:s11] =	ssyncset.done $0x0  }
0x85: {  	[sflag:s11] =	ssyncadd.s32 $0xFFFFE000  }
0x86: {  	_ =	swait.ge [sflag:s11], $0x2000  }
0x87: {  	[sflag:s11] =	ssyncset.done $0x0  }
0x88: {  	[sflag:s11] =	ssyncadd.s32 $0xFFFFE000  }
0x89: {  	_ =	swait.ge [sflag:s11], $0x2000  }
0x8a: {  	[sflag:s11] =	ssyncset.done $0x0  }
0x8b: {  	[sflag:s11] =	ssyncadd.s32 $0xFFFFE000  }
0x8c: {  	_ =	swait.ge [sflag:s11], $0x2000  }
0x8d: {  	[sflag:s11] =	ssyncset.done $0x0  }
0x8e: {  	[sflag:s11] =	ssyncadd.s32 $0xFFFFE000  }
0x8f: {  	_ =	swait.ge [sflag:s11], $0x2000  }
0x90: {  	[sflag:s11] =	ssyncset.done $0x0  }
0x91: {  	[sflag:s11] =	ssyncadd.s32 $0xFFFFE000  }
0x92: {  	_ =	swait.ge [sflag:s11], $0x2000  }
0x93: {  	[sflag:s11] =	ssyncset.done $0x0  }
0x94: {  	[sflag:s11] =	ssyncadd.s32 $0xFFFFE000  }
0x95: {  	_ =	swait.ge [sflag:s11], $0x2000  }
0x96: {  	[sflag:s11] =	ssyncset.done $0x0  }
0x97: {  	s16 =	simm.s32 $0x0;
	s30 =	rddreg [dreg:$0x9];
	[sflag:s11] =	ssyncadd.s32 $0xFFFFE000  }
0x98: {  	[hbm4b:s30+s16] =	stream.linear.scatter [tilespmem:s29], [sflag:$0x2], $0x10000, $0x38;
	[tilespmem:$0x15E00] =	vst v63  }
0x99: {  	_ =	swait.ge [sflag:s19], $0x10000  }
0x9a: {  	[sflag:s19] =	ssyncset.done $0x0  }
0x9b: {  	s31 =	rddreg [dreg:$0xa];
	[sflag:s19] =	ssyncadd.s32 $0xFFFF0000  }
0x9c: {  	[hbm4b:s31+s12] =	stream.strided.scatter [tilespmem:s14], [sflag:$0x2], $0xC00, s13, s12, $0x38;
	[tilespmem:$0x15E00] =	vst v63  }
0x9d: {  	_ =	swait.ge [sflag:s19], $0xC00  }
0x9e: {  	[sflag:s19] =	ssyncset.done $0x0  }
0x9f: {  	[sflag:s19] =	ssyncadd.s32 $0xFFFFF400  }
.LBB2_6:
0xa0: {  	s0 =	sshll.u32 s16, $0x4  }
0xa1: {  	s17 =	smul.u32 $0x30, s16;
	s28 =	simm.s32 $0x1000;
	v4 =	vld [tilespmem:s0+$0x3200]  }
0xa2: {  	s30 =	simm.s32 $0x2000;
	s31 =	simm.s32 $0x0;
	s1 =	simm.s32 $0x0;
	v5 =	vld [tilespmem:s0+$0x3A00]  }
0xa3: {  	s22 =	simm.s32 $0x0;
	v6 =	vld [tilespmem:s0+$0x4200];
	s0 =	simm.s32 $0x0;
	s18 =	sadd.s32 $0xFFFFFFFF, s17  }
.LBB2_7:
0xa4: {  	v7 =	vld [tilespmem:s0+$0x0]  }
0xa5: {  	v8 =	vld [tilespmem:s28+$0x0];
	_ =	sdelay $0x1  }
0xa6: {  	v9 =	vld [tilespmem:s30+$0x0];
	_ =	sdelay $0x2  }
0xa7: {  	v7 =	vsub.f32 v7, v4;
	v8 =	vsub.f32 v8, v5;
	_ =	sdelay $0x1  }
0xa8: {  	v9 =	vsub.f32 v9, v6;
	v7 =	vmul.f32 v7, v7;
	v8 =	vmul.f32 v8, v8;
	_ =	sdelay $0x1  }
0xa9: {  	v7 =	vadd.f32 v8, v7;
	v8 =	vmul.f32 v9, v9;
	_ =	sdelay $0x1  }
0xaa: {  	v7 =	vadd.f32 v8, v7;
	_ =	sdelay $0x1  }
0xab: {  	vm0 =	vle.f32 v7, $1.599999960e-01  }
0xac: {  	v7 =	vsel vm0, $0x1, v2  }
0xad: {  	(xrf0) =	vadd.scan.msk.s32 $0xffff, v7;
	_ =	sdelay $0x5  }
0xae: {  	v7, _, _ =	vpop (xrf0)  }
0xaf: {  	v8 =	vxor.u32 $0x80000000, v7  }
0xb0: {  	(xrf0) =	vmax.scan.msk.u32 $0xffff, v8;
	_ =	sdelay $0x5  }
0xb1: {  	v8, _, _ =	vpop (xrf0)  }
0xb2: {  	(v2sf) =	vpush v8, $0xF;
	_ =	sdelay $0xe  }
0xb3: {  	s24 =	spop (v2sf)  }
0xb4: {  	s24 =	sadd.s32 s24, s1  }
0xb5: {  	s23 =	sadd.s32 s1, s18;
	p0 =	sgt.u32 s22, $0xFE;
	s1 =	sadd.s32 $0x80000000, s24  }
0xb6: {  	p1 =	slt.s32 @!p0 s1, $0x20  }
0xb7: {  	v7 =	vadd.s32 s23, v7;
	p0 =	por p0, !p1  }
.Ltmp2:
0xb8: {  	_ = 	snop;
	(pc) =	sbr.rel @!p0 .LBB2_7-.Ltmp2, $3  }
0xb9: {  	_ =	sdelay $0x1  }
0xba: {  	s22 =	sadd.s32 $0x1, s22;
	s0 =	sadd.s32 $0x10, s0;
	v8 =	vor.u32 s31, v0  }
0xbb: {  	s28 =	sadd.s32 $0x10, s28;
	s30 =	sadd.s32 $0x10, s30;
	s31 =	sadd.s32 $0x10, s31;
	[tilespmem:v7+s25+$0x0] =	vst.idx.msk vm0, v8  }
0xbc: {  	v7 =	vld [tilespmem:s17+$0x4800];
	_ =	sdelay $0x4  }
0xbd: {  	v8 =	vmov s1;
	v9 =	vbroadcast v7, $0x0  }
0xbe: {  	vm0 =	vgt.s32 v8, v0  }
0xbf: {  	v7 =	vsel vm0, v7, v9;
	_ =	sdelay $0x2  }
0xc0: {  	s0 =	sshll.u32 s16, $0x5;
	v10 =	vadd.s32 v1, v7  }
0xc1: {  	[tilespmem:s0+$0x4E00] =	vst v10  }
0xc2: {  	v10 =	vld.idx.msk [tilespmem:v7+s2+$0x0], $0xffff  }
0xc3: {  	v11 =	vld.idx.msk [tilespmem:v7+s20+$0x0], $0xffff  }
0xc4: {  	v7 =	vld.idx.msk [tilespmem:v7+s21+$0x0], $0xffff;
	_ =	sdelay $0x2  }
0xc5: {  	v10 =	vsub.f32 v10, v4  }
0xc6: {  	v11 =	vsub.f32 v11, v5  }
0xc7: {  	v7 =	vsub.f32 v7, v6;
	[tilespmem:s0+$0x15200] =	vst v10  }
0xc8: {  	[tilespmem:s0+$0x15600] =	vst v11  }
0xc9: {  	[tilespmem:s0+$0x15A00] =	vst v7  }
0xca: {  	v7 =	vld [tilespmem:s17+$0x4810];
	_ =	sdelay $0x3  }
0xcb: {  	vm15 =	vgt.s32 v8, v3  }
0xcc: {  	v7 =	vsel vm15, v7, v9;
	_ =	sdelay $0x2  }
0xcd: {  	v62 =	vadd.s32 v1, v7  }
0xce: {  	[tilespmem:s0+$0x4E10] =	vst v62  }
0xcf: {  	v8 =	vld.idx.msk [tilespmem:v7+s2+$0x0], $0xffff  }
0xd0: {  	v9 =	vld.idx.msk [tilespmem:v7+s20+$0x0], $0xffff  }
0xd1: {  	v7 =	vld.idx.msk [tilespmem:v7+s21+$0x0], $0xffff  }
0xd2: {  	s16 =	sadd.s32 $0x1, s16  }
0xd3: {  	p0 =	sne.s32 s16, $0x20  }
.Ltmp3:
0xd4: {  	v4 =	vsub.f32 v8, v4;
	(pc) =	sbr.rel @p0 .LBB2_6-.Ltmp3, $4  }
0xd5: {  	v5 =	vsub.f32 v9, v5  }
0xd6: {  	v63 =	vsub.f32 v7, v6;
	[tilespmem:s0+$0x15210] =	vst v4  }
0xd7: {  	[tilespmem:s0+$0x15610] =	vst v5  }
0xd8: {  	[tilespmem:s0+$0x15A10] =	vst v63  }
0xd9: {  	s0 =	simm.s32 $0x4E00  }
0xda: {  	[tilespmem:s29], [sflag:$0x1] =	stream.indirect.gather [hbm4b:s3+s26], $0x40, s0, s26, $0xb8;
	[tilespmem:$0x15E00] =	vst v63  }
0xdb: {  	s17 =	simm.s32 $0x4E80;
	s1 =	simm.s32 $0x7200  }
0xdc: {  	[tilespmem:s1], [sflag:$0x1] =	stream.indirect.gather [hbm4b:s3+s26], $0x40, s17, s26, $0xb8;
	[tilespmem:$0x15E00] =	vst v63  }
0xdd: {  	s18 =	simm.s32 $0x4F00;
	s22 =	simm.s32 $0x9200  }
0xde: {  	[tilespmem:s22], [sflag:$0x1] =	stream.indirect.gather [hbm4b:s3+s26], $0x40, s18, s26, $0xb8;
	[tilespmem:$0x15E00] =	vst v63  }
0xdf: {  	s23 =	simm.s32 $0x4F80;
	s24 =	simm.s32 $0xB200  }
0xe0: {  	[tilespmem:s24], [sflag:$0x1] =	stream.indirect.gather [hbm4b:s3+s26], $0x40, s23, s26, $0xb8;
	[tilespmem:$0x15E00] =	vst v63  }
0xe1: {  	s28 =	simm.s32 $0x5000  }
0xe2: {  	[tilespmem:s4], [sflag:$0x1] =	stream.indirect.gather [hbm4b:s3+s26], $0x40, s28, s26, $0xb8;
	[tilespmem:$0x15E00] =	vst v63  }
0xe3: {  	_ = 	snop  }
0xe4: {  	[tilespmem:s6], [sflag:$0x1] =	stream.indirect.gather [hbm4b:s3+s26], $0x40, s5, s26, $0xb8;
	[tilespmem:$0x15E00] =	vst v63  }
0xe5: {  	_ = 	snop  }
0xe6: {  	[tilespmem:s8], [sflag:$0x1] =	stream.indirect.gather [hbm4b:s3+s26], $0x40, s7, s26, $0xb8;
	[tilespmem:$0x15E00] =	vst v63  }
0xe7: {  	_ = 	snop  }
0xe8: {  	[tilespmem:s10], [sflag:$0x1] =	stream.indirect.gather [hbm4b:s3+s26], $0x40, s9, s26, $0xb8;
	[tilespmem:$0x15E00] =	vst v63  }
0xe9: {  	_ =	swait.ge [sflag:s11], $0x2000  }
0xea: {  	[sflag:s11] =	ssyncset.done $0x0  }
0xeb: {  	[sflag:s11] =	ssyncadd.s32 $0xFFFFE000  }
0xec: {  	_ =	swait.ge [sflag:s11], $0x2000  }
0xed: {  	[sflag:s11] =	ssyncset.done $0x0  }
0xee: {  	[sflag:s11] =	ssyncadd.s32 $0xFFFFE000  }
0xef: {  	_ =	swait.ge [sflag:s11], $0x2000  }
0xf0: {  	[sflag:s11] =	ssyncset.done $0x0  }
0xf1: {  	[sflag:s11] =	ssyncadd.s32 $0xFFFFE000  }
0xf2: {  	_ =	swait.ge [sflag:s11], $0x2000  }
0xf3: {  	[sflag:s11] =	ssyncset.done $0x0  }
0xf4: {  	[sflag:s11] =	ssyncadd.s32 $0xFFFFE000  }
0xf5: {  	_ =	swait.ge [sflag:s11], $0x2000  }
0xf6: {  	[sflag:s11] =	ssyncset.done $0x0  }
0xf7: {  	[sflag:s11] =	ssyncadd.s32 $0xFFFFE000  }
0xf8: {  	_ =	swait.ge [sflag:s11], $0x2000  }
0xf9: {  	[sflag:s11] =	ssyncset.done $0x0  }
0xfa: {  	[sflag:s11] =	ssyncadd.s32 $0xFFFFE000  }
0xfb: {  	_ =	swait.ge [sflag:s11], $0x2000  }
0xfc: {  	[sflag:s11] =	ssyncset.done $0x0  }
0xfd: {  	[sflag:s11] =	ssyncadd.s32 $0xFFFFE000  }
0xfe: {  	_ =	swait.ge [sflag:s11], $0x2000  }
0xff: {  	[sflag:s11] =	ssyncset.done $0x0  }
0x100: {  	s16 =	simm.s32 $0x0;
	s30 =	rddreg [dreg:$0xb];
	[sflag:s11] =	ssyncadd.s32 $0xFFFFE000  }
0x101: {  	[hbm4b:s30+s16] =	stream.linear.scatter [tilespmem:s29], [sflag:$0x2], $0x10000, $0x38;
	[tilespmem:$0x15E00] =	vst v63  }
0x102: {  	_ =	swait.ge [sflag:s19], $0x10000  }
0x103: {  	[sflag:s19] =	ssyncset.done $0x0  }
0x104: {  	s31 =	rddreg [dreg:$0xc];
	[sflag:s19] =	ssyncadd.s32 $0xFFFF0000  }
0x105: {  	[hbm4b:s31+s12] =	stream.strided.scatter [tilespmem:s14], [sflag:$0x2], $0xC00, s13, s12, $0x38;
	[tilespmem:$0x15E00] =	vst v63  }
0x106: {  	_ =	swait.ge [sflag:s19], $0xC00  }
0x107: {  	[sflag:s19] =	ssyncset.done $0x0  }
0x108: {  	[sflag:s19] =	ssyncadd.s32 $0xFFFFF400  }
.LBB2_10:
0x109: {  	s0 =	sshll.u32 s16, $0x4  }
0x10a: {  	s17 =	smul.u32 $0x30, s16;
	s28 =	simm.s32 $0x1000;
	v4 =	vld [tilespmem:s0+$0x3400]  }
0x10b: {  	s30 =	simm.s32 $0x2000;
	s31 =	simm.s32 $0x0;
	s1 =	simm.s32 $0x0;
	v5 =	vld [tilespmem:s0+$0x3C00]  }
0x10c: {  	s22 =	simm.s32 $0x0;
	v6 =	vld [tilespmem:s0+$0x4400];
	s0 =	simm.s32 $0x0;
	s18 =	sadd.s32 $0xFFFFFFFF, s17  }
.LBB2_11:
0x10d: {  	v7 =	vld [tilespmem:s0+$0x0]  }
0x10e: {  	v8 =	vld [tilespmem:s28+$0x0];
	_ =	sdelay $0x1  }
0x10f: {  	v9 =	vld [tilespmem:s30+$0x0];
	_ =	sdelay $0x2  }
0x110: {  	v7 =	vsub.f32 v7, v4;
	v8 =	vsub.f32 v8, v5;
	_ =	sdelay $0x1  }
0x111: {  	v9 =	vsub.f32 v9, v6;
	v7 =	vmul.f32 v7, v7;
	v8 =	vmul.f32 v8, v8;
	_ =	sdelay $0x1  }
0x112: {  	v7 =	vadd.f32 v8, v7;
	v8 =	vmul.f32 v9, v9;
	_ =	sdelay $0x1  }
0x113: {  	v7 =	vadd.f32 v8, v7;
	_ =	sdelay $0x1  }
0x114: {  	vm0 =	vle.f32 v7, $1.599999960e-01  }
0x115: {  	v7 =	vsel vm0, $0x1, v2  }
0x116: {  	(xrf0) =	vadd.scan.msk.s32 $0xffff, v7;
	_ =	sdelay $0x5  }
0x117: {  	v7, _, _ =	vpop (xrf0)  }
0x118: {  	v8 =	vxor.u32 $0x80000000, v7  }
0x119: {  	(xrf0) =	vmax.scan.msk.u32 $0xffff, v8;
	_ =	sdelay $0x5  }
0x11a: {  	v8, _, _ =	vpop (xrf0)  }
0x11b: {  	(v2sf) =	vpush v8, $0xF;
	_ =	sdelay $0xe  }
0x11c: {  	s24 =	spop (v2sf)  }
0x11d: {  	s24 =	sadd.s32 s24, s1  }
0x11e: {  	s23 =	sadd.s32 s1, s18;
	p0 =	sgt.u32 s22, $0xFE;
	s1 =	sadd.s32 $0x80000000, s24  }
0x11f: {  	p1 =	slt.s32 @!p0 s1, $0x20  }
0x120: {  	v7 =	vadd.s32 s23, v7;
	p0 =	por p0, !p1  }
.Ltmp4:
0x121: {  	_ = 	snop;
	(pc) =	sbr.rel @!p0 .LBB2_11-.Ltmp4, $3  }
0x122: {  	_ =	sdelay $0x1  }
0x123: {  	s22 =	sadd.s32 $0x1, s22;
	s0 =	sadd.s32 $0x10, s0;
	v8 =	vor.u32 s31, v0  }
0x124: {  	s28 =	sadd.s32 $0x10, s28;
	s30 =	sadd.s32 $0x10, s30;
	s31 =	sadd.s32 $0x10, s31;
	[tilespmem:v7+s25+$0x0] =	vst.idx.msk vm0, v8  }
0x125: {  	v7 =	vld [tilespmem:s17+$0x4800];
	_ =	sdelay $0x4  }
0x126: {  	v8 =	vmov s1;
	v9 =	vbroadcast v7, $0x0  }
0x127: {  	vm0 =	vgt.s32 v8, v0  }
0x128: {  	v7 =	vsel vm0, v7, v9;
	_ =	sdelay $0x2  }
0x129: {  	s0 =	sshll.u32 s16, $0x5;
	v10 =	vadd.s32 v1, v7  }
0x12a: {  	[tilespmem:s0+$0x4E00] =	vst v10  }
0x12b: {  	v10 =	vld.idx.msk [tilespmem:v7+s2+$0x0], $0xffff  }
0x12c: {  	v11 =	vld.idx.msk [tilespmem:v7+s20+$0x0], $0xffff  }
0x12d: {  	v7 =	vld.idx.msk [tilespmem:v7+s21+$0x0], $0xffff;
	_ =	sdelay $0x2  }
0x12e: {  	v10 =	vsub.f32 v10, v4  }
0x12f: {  	v11 =	vsub.f32 v11, v5  }
0x130: {  	v7 =	vsub.f32 v7, v6;
	[tilespmem:s0+$0x15200] =	vst v10  }
0x131: {  	[tilespmem:s0+$0x15600] =	vst v11  }
0x132: {  	[tilespmem:s0+$0x15A00] =	vst v7  }
0x133: {  	v7 =	vld [tilespmem:s17+$0x4810];
	_ =	sdelay $0x3  }
0x134: {  	vm15 =	vgt.s32 v8, v3  }
0x135: {  	v7 =	vsel vm15, v7, v9;
	_ =	sdelay $0x2  }
0x136: {  	v62 =	vadd.s32 v1, v7  }
0x137: {  	[tilespmem:s0+$0x4E10] =	vst v62  }
0x138: {  	v8 =	vld.idx.msk [tilespmem:v7+s2+$0x0], $0xffff  }
0x139: {  	v9 =	vld.idx.msk [tilespmem:v7+s20+$0x0], $0xffff  }
0x13a: {  	v7 =	vld.idx.msk [tilespmem:v7+s21+$0x0], $0xffff  }
0x13b: {  	s16 =	sadd.s32 $0x1, s16  }
0x13c: {  	p0 =	sne.s32 s16, $0x20  }
.Ltmp5:
0x13d: {  	v4 =	vsub.f32 v8, v4;
	(pc) =	sbr.rel @p0 .LBB2_10-.Ltmp5, $4  }
0x13e: {  	v5 =	vsub.f32 v9, v5  }
0x13f: {  	v63 =	vsub.f32 v7, v6;
	[tilespmem:s0+$0x15210] =	vst v4  }
0x140: {  	[tilespmem:s0+$0x15610] =	vst v5  }
0x141: {  	[tilespmem:s0+$0x15A10] =	vst v63  }
0x142: {  	s0 =	simm.s32 $0x4E00  }
0x143: {  	[tilespmem:s29], [sflag:$0x1] =	stream.indirect.gather [hbm4b:s3+s26], $0x40, s0, s26, $0xb8;
	[tilespmem:$0x15E00] =	vst v63  }
0x144: {  	s17 =	simm.s32 $0x4E80;
	s1 =	simm.s32 $0x7200  }
0x145: {  	[tilespmem:s1], [sflag:$0x1] =	stream.indirect.gather [hbm4b:s3+s26], $0x40, s17, s26, $0xb8;
	[tilespmem:$0x15E00] =	vst v63  }
0x146: {  	s18 =	simm.s32 $0x4F00;
	s22 =	simm.s32 $0x9200  }
0x147: {  	[tilespmem:s22], [sflag:$0x1] =	stream.indirect.gather [hbm4b:s3+s26], $0x40, s18, s26, $0xb8;
	[tilespmem:$0x15E00] =	vst v63  }
0x148: {  	s23 =	simm.s32 $0x4F80;
	s24 =	simm.s32 $0xB200  }
0x149: {  	[tilespmem:s24], [sflag:$0x1] =	stream.indirect.gather [hbm4b:s3+s26], $0x40, s23, s26, $0xb8;
	[tilespmem:$0x15E00] =	vst v63  }
0x14a: {  	s28 =	simm.s32 $0x5000  }
0x14b: {  	[tilespmem:s4], [sflag:$0x1] =	stream.indirect.gather [hbm4b:s3+s26], $0x40, s28, s26, $0xb8;
	[tilespmem:$0x15E00] =	vst v63  }
0x14c: {  	_ = 	snop  }
0x14d: {  	[tilespmem:s6], [sflag:$0x1] =	stream.indirect.gather [hbm4b:s3+s26], $0x40, s5, s26, $0xb8;
	[tilespmem:$0x15E00] =	vst v63  }
0x14e: {  	_ = 	snop  }
0x14f: {  	[tilespmem:s8], [sflag:$0x1] =	stream.indirect.gather [hbm4b:s3+s26], $0x40, s7, s26, $0xb8;
	[tilespmem:$0x15E00] =	vst v63  }
0x150: {  	_ = 	snop  }
0x151: {  	[tilespmem:s10], [sflag:$0x1] =	stream.indirect.gather [hbm4b:s3+s26], $0x40, s9, s26, $0xb8;
	[tilespmem:$0x15E00] =	vst v63  }
0x152: {  	_ =	swait.ge [sflag:s11], $0x2000  }
0x153: {  	[sflag:s11] =	ssyncset.done $0x0  }
0x154: {  	[sflag:s11] =	ssyncadd.s32 $0xFFFFE000  }
0x155: {  	_ =	swait.ge [sflag:s11], $0x2000  }
0x156: {  	[sflag:s11] =	ssyncset.done $0x0  }
0x157: {  	[sflag:s11] =	ssyncadd.s32 $0xFFFFE000  }
0x158: {  	_ =	swait.ge [sflag:s11], $0x2000  }
0x159: {  	[sflag:s11] =	ssyncset.done $0x0  }
0x15a: {  	[sflag:s11] =	ssyncadd.s32 $0xFFFFE000  }
0x15b: {  	_ =	swait.ge [sflag:s11], $0x2000  }
0x15c: {  	[sflag:s11] =	ssyncset.done $0x0  }
0x15d: {  	[sflag:s11] =	ssyncadd.s32 $0xFFFFE000  }
0x15e: {  	_ =	swait.ge [sflag:s11], $0x2000  }
0x15f: {  	[sflag:s11] =	ssyncset.done $0x0  }
0x160: {  	[sflag:s11] =	ssyncadd.s32 $0xFFFFE000  }
0x161: {  	_ =	swait.ge [sflag:s11], $0x2000  }
0x162: {  	[sflag:s11] =	ssyncset.done $0x0  }
0x163: {  	[sflag:s11] =	ssyncadd.s32 $0xFFFFE000  }
0x164: {  	_ =	swait.ge [sflag:s11], $0x2000  }
0x165: {  	[sflag:s11] =	ssyncset.done $0x0  }
0x166: {  	[sflag:s11] =	ssyncadd.s32 $0xFFFFE000  }
0x167: {  	_ =	swait.ge [sflag:s11], $0x2000  }
0x168: {  	[sflag:s11] =	ssyncset.done $0x0  }
0x169: {  	s16 =	simm.s32 $0x0;
	s30 =	rddreg [dreg:$0xd];
	[sflag:s11] =	ssyncadd.s32 $0xFFFFE000  }
0x16a: {  	[hbm4b:s30+s16] =	stream.linear.scatter [tilespmem:s29], [sflag:$0x2], $0x10000, $0x38;
	[tilespmem:$0x15E00] =	vst v63  }
0x16b: {  	_ =	swait.ge [sflag:s19], $0x10000  }
0x16c: {  	[sflag:s19] =	ssyncset.done $0x0  }
0x16d: {  	s31 =	rddreg [dreg:$0xe];
	[sflag:s19] =	ssyncadd.s32 $0xFFFF0000  }
0x16e: {  	[hbm4b:s31+s12] =	stream.strided.scatter [tilespmem:s14], [sflag:$0x2], $0xC00, s13, s12, $0x38;
	[tilespmem:$0x15E00] =	vst v63  }
0x16f: {  	_ =	swait.ge [sflag:s19], $0xC00  }
0x170: {  	[sflag:s19] =	ssyncset.done $0x0  }
0x171: {  	[sflag:s19] =	ssyncadd.s32 $0xFFFFF400  }
.LBB2_14:
0x172: {  	s0 =	sshll.u32 s16, $0x4  }
0x173: {  	s17 =	smul.u32 $0x30, s16;
	s28 =	simm.s32 $0x1000;
	v4 =	vld [tilespmem:s0+$0x3600]  }
0x174: {  	s30 =	simm.s32 $0x2000;
	s31 =	simm.s32 $0x0;
	s1 =	simm.s32 $0x0;
	v5 =	vld [tilespmem:s0+$0x3E00]  }
0x175: {  	s22 =	simm.s32 $0x0;
	v6 =	vld [tilespmem:s0+$0x4600];
	s0 =	simm.s32 $0x0;
	s18 =	sadd.s32 $0xFFFFFFFF, s17  }
.LBB2_15:
0x176: {  	v7 =	vld [tilespmem:s0+$0x0]  }
0x177: {  	v8 =	vld [tilespmem:s28+$0x0];
	_ =	sdelay $0x1  }
0x178: {  	v9 =	vld [tilespmem:s30+$0x0];
	_ =	sdelay $0x2  }
0x179: {  	v7 =	vsub.f32 v7, v4;
	v8 =	vsub.f32 v8, v5;
	_ =	sdelay $0x1  }
0x17a: {  	v9 =	vsub.f32 v9, v6;
	v7 =	vmul.f32 v7, v7;
	v8 =	vmul.f32 v8, v8;
	_ =	sdelay $0x1  }
0x17b: {  	v7 =	vadd.f32 v8, v7;
	v8 =	vmul.f32 v9, v9;
	_ =	sdelay $0x1  }
0x17c: {  	v7 =	vadd.f32 v8, v7;
	_ =	sdelay $0x1  }
0x17d: {  	vm0 =	vle.f32 v7, $1.599999960e-01  }
0x17e: {  	v7 =	vsel vm0, $0x1, v2  }
0x17f: {  	(xrf0) =	vadd.scan.msk.s32 $0xffff, v7;
	_ =	sdelay $0x5  }
0x180: {  	v7, _, _ =	vpop (xrf0)  }
0x181: {  	v8 =	vxor.u32 $0x80000000, v7  }
0x182: {  	(xrf0) =	vmax.scan.msk.u32 $0xffff, v8;
	_ =	sdelay $0x5  }
0x183: {  	v8, _, _ =	vpop (xrf0)  }
0x184: {  	(v2sf) =	vpush v8, $0xF;
	_ =	sdelay $0xe  }
0x185: {  	s24 =	spop (v2sf)  }
0x186: {  	s24 =	sadd.s32 s24, s1  }
0x187: {  	s23 =	sadd.s32 s1, s18;
	p0 =	sgt.u32 s22, $0xFE;
	s1 =	sadd.s32 $0x80000000, s24  }
0x188: {  	p1 =	slt.s32 @!p0 s1, $0x20  }
0x189: {  	v7 =	vadd.s32 s23, v7;
	p0 =	por p0, !p1  }
.Ltmp6:
0x18a: {  	_ = 	snop;
	(pc) =	sbr.rel @!p0 .LBB2_15-.Ltmp6, $3  }
0x18b: {  	_ =	sdelay $0x1  }
0x18c: {  	s22 =	sadd.s32 $0x1, s22;
	s0 =	sadd.s32 $0x10, s0;
	v8 =	vor.u32 s31, v0  }
0x18d: {  	s28 =	sadd.s32 $0x10, s28;
	s30 =	sadd.s32 $0x10, s30;
	s31 =	sadd.s32 $0x10, s31;
	[tilespmem:v7+s25+$0x0] =	vst.idx.msk vm0, v8  }
0x18e: {  	v7 =	vld [tilespmem:s17+$0x4800];
	_ =	sdelay $0x4  }
0x18f: {  	v8 =	vmov s1;
	v9 =	vbroadcast v7, $0x0  }
0x190: {  	vm0 =	vgt.s32 v8, v0  }
0x191: {  	v7 =	vsel vm0, v7, v9;
	_ =	sdelay $0x2  }
0x192: {  	s0 =	sshll.u32 s16, $0x5;
	v10 =	vadd.s32 v1, v7  }
0x193: {  	[tilespmem:s0+$0x4E00] =	vst v10  }
0x194: {  	v10 =	vld.idx.msk [tilespmem:v7+s2+$0x0], $0xffff  }
0x195: {  	v11 =	vld.idx.msk [tilespmem:v7+s20+$0x0], $0xffff  }
0x196: {  	v7 =	vld.idx.msk [tilespmem:v7+s21+$0x0], $0xffff;
	_ =	sdelay $0x2  }
0x197: {  	v10 =	vsub.f32 v10, v4  }
0x198: {  	v11 =	vsub.f32 v11, v5  }
0x199: {  	v7 =	vsub.f32 v7, v6;
	[tilespmem:s0+$0x15200] =	vst v10  }
0x19a: {  	[tilespmem:s0+$0x15600] =	vst v11  }
0x19b: {  	[tilespmem:s0+$0x15A00] =	vst v7  }
0x19c: {  	v7 =	vld [tilespmem:s17+$0x4810];
	_ =	sdelay $0x3  }
0x19d: {  	vm15 =	vgt.s32 v8, v3  }
0x19e: {  	v7 =	vsel vm15, v7, v9;
	_ =	sdelay $0x2  }
0x19f: {  	v62 =	vadd.s32 v1, v7  }
0x1a0: {  	[tilespmem:s0+$0x4E10] =	vst v62  }
0x1a1: {  	v8 =	vld.idx.msk [tilespmem:v7+s2+$0x0], $0xffff  }
0x1a2: {  	v9 =	vld.idx.msk [tilespmem:v7+s20+$0x0], $0xffff  }
0x1a3: {  	v7 =	vld.idx.msk [tilespmem:v7+s21+$0x0], $0xffff  }
0x1a4: {  	s16 =	sadd.s32 $0x1, s16  }
0x1a5: {  	p0 =	sne.s32 s16, $0x20  }
.Ltmp7:
0x1a6: {  	v4 =	vsub.f32 v8, v4;
	(pc) =	sbr.rel @p0 .LBB2_14-.Ltmp7, $4  }
0x1a7: {  	v5 =	vsub.f32 v9, v5  }
0x1a8: {  	v63 =	vsub.f32 v7, v6;
	[tilespmem:s0+$0x15210] =	vst v4  }
0x1a9: {  	[tilespmem:s0+$0x15610] =	vst v5  }
0x1aa: {  	[tilespmem:s0+$0x15A10] =	vst v63  }
0x1ab: {  	s0 =	simm.s32 $0x4E00  }
0x1ac: {  	[tilespmem:s29], [sflag:$0x1] =	stream.indirect.gather [hbm4b:s3+s26], $0x40, s0, s26, $0xb8;
	[tilespmem:$0x15E00] =	vst v63  }
0x1ad: {  	s16 =	simm.s32 $0x4E80;
	s1 =	simm.s32 $0x7200  }
0x1ae: {  	[tilespmem:s1], [sflag:$0x1] =	stream.indirect.gather [hbm4b:s3+s26], $0x40, s16, s26, $0xb8;
	[tilespmem:$0x15E00] =	vst v63  }
0x1af: {  	s17 =	simm.s32 $0x4F00;
	s18 =	simm.s32 $0x9200  }
0x1b0: {  	[tilespmem:s18], [sflag:$0x1] =	stream.indirect.gather [hbm4b:s3+s26], $0x40, s17, s26, $0xb8;
	[tilespmem:$0x15E00] =	vst v63  }
0x1b1: {  	s22 =	simm.s32 $0x4F80;
	s23 =	simm.s32 $0xB200  }
0x1b2: {  	[tilespmem:s23], [sflag:$0x1] =	stream.indirect.gather [hbm4b:s3+s26], $0x40, s22, s26, $0xb8;
	[tilespmem:$0x15E00] =	vst v63  }
0x1b3: {  	s24 =	simm.s32 $0x5000  }
0x1b4: {  	[tilespmem:s4], [sflag:$0x1] =	stream.indirect.gather [hbm4b:s3+s26], $0x40, s24, s26, $0xb8;
	[tilespmem:$0x15E00] =	vst v63  }
0x1b5: {  	_ = 	snop  }
0x1b6: {  	[tilespmem:s6], [sflag:$0x1] =	stream.indirect.gather [hbm4b:s3+s26], $0x40, s5, s26, $0xb8;
	[tilespmem:$0x15E00] =	vst v63  }
0x1b7: {  	_ = 	snop  }
0x1b8: {  	[tilespmem:s8], [sflag:$0x1] =	stream.indirect.gather [hbm4b:s3+s26], $0x40, s7, s26, $0xb8;
	[tilespmem:$0x15E00] =	vst v63  }
0x1b9: {  	_ = 	snop  }
0x1ba: {  	[tilespmem:s10], [sflag:$0x1] =	stream.indirect.gather [hbm4b:s3+s26], $0x40, s9, s26, $0xb8;
	[tilespmem:$0x15E00] =	vst v63  }
0x1bb: {  	_ =	swait.ge [sflag:s11], $0x2000  }
0x1bc: {  	[sflag:s11] =	ssyncset.done $0x0  }
0x1bd: {  	[sflag:s11] =	ssyncadd.s32 $0xFFFFE000  }
0x1be: {  	_ =	swait.ge [sflag:s11], $0x2000  }
0x1bf: {  	[sflag:s11] =	ssyncset.done $0x0  }
0x1c0: {  	[sflag:s11] =	ssyncadd.s32 $0xFFFFE000  }
0x1c1: {  	_ =	swait.ge [sflag:s11], $0x2000  }
0x1c2: {  	[sflag:s11] =	ssyncset.done $0x0  }
0x1c3: {  	[sflag:s11] =	ssyncadd.s32 $0xFFFFE000  }
0x1c4: {  	_ =	swait.ge [sflag:s11], $0x2000  }
0x1c5: {  	[sflag:s11] =	ssyncset.done $0x0  }
0x1c6: {  	[sflag:s11] =	ssyncadd.s32 $0xFFFFE000  }
0x1c7: {  	_ =	swait.ge [sflag:s11], $0x2000  }
0x1c8: {  	[sflag:s11] =	ssyncset.done $0x0  }
0x1c9: {  	[sflag:s11] =	ssyncadd.s32 $0xFFFFE000  }
0x1ca: {  	_ =	swait.ge [sflag:s11], $0x2000  }
0x1cb: {  	[sflag:s11] =	ssyncset.done $0x0  }
0x1cc: {  	[sflag:s11] =	ssyncadd.s32 $0xFFFFE000  }
0x1cd: {  	_ =	swait.ge [sflag:s11], $0x2000  }
0x1ce: {  	[sflag:s11] =	ssyncset.done $0x0  }
0x1cf: {  	[sflag:s11] =	ssyncadd.s32 $0xFFFFE000  }
0x1d0: {  	_ =	swait.ge [sflag:s11], $0x2000  }
0x1d1: {  	[sflag:s11] =	ssyncset.done $0x0  }
0x1d2: {  	s28 =	rddreg [dreg:$0xf];
	[sflag:s11] =	ssyncadd.s32 $0xFFFFE000  }
0x1d3: {  	[hbm4b:s28+s2] =	stream.linear.scatter [tilespmem:s29], [sflag:$0x2], $0x10000, $0x38;
	[tilespmem:$0x15E00] =	vst v63  }
0x1d4: {  	_ =	swait.ge [sflag:s19], $0x10000  }
0x1d5: {  	[sflag:s19] =	ssyncset.done $0x0  }
0x1d6: {  	s30 =	rddreg [dreg:$0x10];
	[sflag:s19] =	ssyncadd.s32 $0xFFFF0000  }
0x1d7: {  	[hbm4b:s30+s12] =	stream.strided.scatter [tilespmem:s14], [sflag:$0x2], $0xC00, s13, s12, $0x38;
	[tilespmem:$0x15E00] =	vst v63  }
0x1d8: {  	_ =	swait.ge [sflag:s19], $0xC00  }
0x1d9: {  	s15 =	sadd.s32 $0x1, s15;
	s31 =	rddreg [dreg:$0x11]  }
0x1da: {  	p0 =	sne.s32 s15, s31  }
.Ltmp8:
0x1db: {  	_ = 	snop;
	(pc) =	sbr.rel @p0 .LBB2_1-.Ltmp8, $3  }
0x1dc: {  	_ =	sdelay $0x1  }
0x1dd: {  	[sflag:s19] =	ssyncset.done $0x0  }
0x1de: {  	[sflag:s19] =	ssyncadd.s32 $0xFFFFF400  }
0x1df: {  	_ =	sfence.sel $0x180000  }
0x1e0: {  	[bflag:$0x0] =	sbarrier.arrive $0xFFFF  }
0x1e1: {  	_ =	strace $0x90000047  }
0x1e2: {  	s0 =	stileid.u32;
	[bflag:$0x2] =	sbarrier.arrive $0xFFFF  }
0x1e3: {  	p0 =	sne.s32 s0, $0x0;
	s0 =	rddreg [dreg:$0x2]  }
0x1e4: {  	s0 =	sadd.s32 @!p0 $0x100000, s0  }
0x1e5: {  	[sflag:s0] =	ssyncadd.tile.s32 @!p0 $0x1;
	_ =	shalt  }
.Lfunc_end2:
_tile_overlayer_lowered:
.L_overlay_start_2:
0x1e6: {  	(tag) =	ssettag $0x2  }
0x1e7: {  	s0 =	rddreg [dreg:$0x0];
	s2 =	stileid.u32  }
0x1e8: {  	s1 =	rddreg [dreg:$0x1];
	p0 =	sne.s32 s2, $0x0  }
0x1e9: {  	s3 =	rddreg [dreg:$0x2];
	[bflag:$0x3] =	sbarrier.arrive $0xFFFF;
	s2 =	simm.s32 @!p0 $0x1C02  }
0x1ea: {  	[timem:s3], [sflag:s2] =	dma.local @!p0 [hbm:s0], s1  }
0x1eb: {  	s0 =	simm.s32 @!p0 $0x2  }
0x1ec: {  	_ =	swait.ge @!p0 [sflag:s0], s1  }
0x1ed: {  	s1 =	ssub.s32 @!p0 $0x0, s1;
	[sflag:s0] =	ssyncset.done @!p0 $0x0  }
0x1ee: {  	[sflag:s0] =	ssyncadd.s32 @!p0 s1  }
0x1ef: {  	[bflag:$0x3] =	sbarrier.arrive $0xFFFF  }
0x1f0: {  	_ =	shalt  }

</sc_bundles>
